<compile_context>
chip_gen: v7x
topology: tpu7x:2x2x1
jax: 0.10.2.dev20260603
libtpu: 0.0.44.dev20260713+nightly
codegen_flags: <defaults>
</compile_context>

<pallas_src>
import functools

import jax
import jax.numpy as jnp
from jax import lax
from jax.experimental import pallas as pl
from jax.experimental.pallas import tpu as pltpu
from jax.experimental.pallas import tpu_sc as plsc

B = 1024
NUM_ENT = 1000
DIM = 64
D_PAD = 128
N_PAD = 1024
B_BLK = 512
CH = 128
EPS = 1e-12


def _sc_gather(ent_emb, rel_emb, e1, rel):
    info = plsc.get_sparse_core_info()
    nw = info.num_cores * info.num_subcores
    b_per_w = B // nw
    mesh = plsc.VectorSubcoreMesh(core_axis_name="c", subcore_axis_name="s")

    @functools.partial(
        pl.kernel,
        mesh=mesh,
        out_type=[
            jax.ShapeDtypeStruct((B, D_PAD), jnp.float32),
            jax.ShapeDtypeStruct((B, D_PAD), jnp.float32),
        ],
        scratch_types=[
            pltpu.VMEM((b_per_w,), jnp.int32),
            pltpu.VMEM((b_per_w,), jnp.int32),
            pltpu.VMEM((b_per_w, D_PAD), jnp.float32),
            pltpu.VMEM((b_per_w, D_PAD), jnp.float32),
            pltpu.SemaphoreType.DMA,
            pltpu.SemaphoreType.DMA,
        ],
    )
    def gk(ent_hbm, rel_hbm, e1_hbm, ridx_hbm, oute_hbm, outr_hbm,
           idx1_v, idx2_v, rows1_v, rows2_v, sem1, sem2):
        wid = lax.axis_index("s") * info.num_cores + lax.axis_index("c")
        base = wid * b_per_w
        ci1 = pltpu.async_copy(e1_hbm.at[pl.ds(base, b_per_w)], idx1_v, sem1)
        ci2 = pltpu.async_copy(ridx_hbm.at[pl.ds(base, b_per_w)], idx2_v, sem2)
        ci1.wait()
        c1 = pltpu.async_copy(ent_hbm.at[idx1_v], rows1_v, sem1)
        ci2.wait()
        c2 = pltpu.async_copy(rel_hbm.at[idx2_v], rows2_v, sem2)
        c1.wait()
        co1 = pltpu.async_copy(rows1_v, oute_hbm.at[pl.ds(base, b_per_w)], sem1)
        c2.wait()
        co2 = pltpu.async_copy(rows2_v, outr_hbm.at[pl.ds(base, b_per_w)], sem2)
        co1.wait()
        co2.wait()

    return gk(ent_emb, rel_emb, e1, rel)


def _rnorm(x):
    n = jnp.sqrt(jnp.sum(x * x, axis=-1, keepdims=True))
    return x / jnp.maximum(n, EPS)


def _score_body(e1r_ref, relr_ref, entT_ref, out_ref):
    h = _rnorm(e1r_ref[:, :DIM]) + _rnorm(relr_ref[:, :DIM])

    ent_t = entT_ref[...]
    n = jnp.sqrt(jnp.sum(ent_t * ent_t, axis=0, keepdims=True))
    ent_tn = ent_t / jnp.maximum(n, EPS)
    lane = lax.broadcasted_iota(jnp.int32, (1, N_PAD), 1)
    sn = jnp.where(lane < NUM_ENT,
                   jnp.sum(ent_tn, axis=0, keepdims=True),
                   -jnp.inf)

    hb = [jnp.broadcast_to(h[:, d:d + 1], (B_BLK, CH)) for d in range(DIM)]

    chunks = []
    for c in range(N_PAD // CH):
        sl = ent_tn[:, c * CH:(c + 1) * CH]
        acc = jnp.minimum(hb[0], sl[0:1, :])
        for d in range(1, DIM):
            acc = acc + jnp.minimum(hb[d], sl[d:d + 1, :])
        chunks.append(sn[:, c * CH:(c + 1) * CH] - (acc + acc))
    dist = jnp.concatenate(chunks, axis=1)

    m = jnp.max(dist, axis=-1, keepdims=True)
    e = jnp.exp(dist - m)
    s = jnp.sum(e, axis=-1, keepdims=True)
    out_ref[...] = (e / s)[:, :NUM_ENT]


def kernel(e1, rel, X, A, ent_emb, rel_emb):
    del X, A
    e1 = e1.astype(jnp.int32)
    rel = rel.astype(jnp.int32)
    ent_pad = jnp.pad(ent_emb, ((0, 0), (0, D_PAD - DIM)))
    rel_pad = jnp.pad(rel_emb, ((0, 0), (0, D_PAD - DIM)))
    e1_rows, rel_rows = _sc_gather(ent_pad, rel_pad, e1, rel)
    ent_t = jnp.pad(ent_emb.T, ((0, 0), (0, N_PAD - NUM_ENT)))
    return pl.pallas_call(
        _score_body,
        grid=(B // B_BLK,),
        in_specs=[
            pl.BlockSpec((B_BLK, D_PAD), lambda i: (i, 0)),
            pl.BlockSpec((B_BLK, D_PAD), lambda i: (i, 0)),
            pl.BlockSpec((DIM, N_PAD), lambda i: (0, 0)),
        ],
        out_specs=pl.BlockSpec((B_BLK, NUM_ENT), lambda i: (i, 0)),
        out_shape=jax.ShapeDtypeStruct((B, NUM_ENT), jnp.float32),
    )(e1_rows, rel_rows, ent_t)

# --- scband reference (transcript-rebuilt; emitter-appended) ---
"""Pipeline reference for scband-trans-e-20409684590819 (READ-ONLY COPY).

The authoritative reference and input builder live on the scoring server;
editing this copy changes nothing except your own understanding.
"""

import jax, jax.numpy as jnp
import numpy as np

B = 1024
NUM_ENT = 1000
NUM_REL = 1000
DIM = 64
P_NORM = 1


def _normalize(x, axis=-1, eps=1e-12):
    n = jnp.linalg.norm(x, ord=2, axis=axis, keepdims=True)
    return x / jnp.maximum(n, eps)


def setup_inputs(seed: int = 0) -> dict:
    key = jax.random.key(seed)
    k1, k2, k3, k4 = jax.random.split(key, 4)
    e1 = jax.random.randint(k1, (B,), 0, NUM_ENT, dtype=jnp.int64 if jax.config.jax_enable_x64 else jnp.int32)
    rel = jax.random.randint(k2, (B,), 0, NUM_REL, dtype=jnp.int64 if jax.config.jax_enable_x64 else jnp.int32)
    X = jnp.zeros((1, 1), dtype=jnp.float32)
    A = jnp.zeros((1, 1), dtype=jnp.float32)
    ent_emb = jax.random.normal(k3, (NUM_ENT, DIM), dtype=jnp.float32)
    rel_emb = jax.random.normal(k4, (NUM_REL, DIM), dtype=jnp.float32)
    return {"e1": e1, "rel": rel, "X": X, "A": A, "ent_emb": ent_emb, "rel_emb": rel_emb}


def reference(e1, rel, X, A, ent_emb, rel_emb):
    # e1_embedded = self.ent_emb(e1); rel_embedded = self.rel_emb(rel)
    e1_embedded = jnp.take(ent_emb, e1, axis=0)
    rel_embedded = jnp.take(rel_emb, rel, axis=0)
    # squeeze() is a no-op for [B, D] inputs
    node_emb = ent_emb
    e1_embedded = _normalize(e1_embedded, axis=-1)
    rel_embedded = _normalize(rel_embedded, axis=-1)
    node_emb = _normalize(node_emb, axis=-1)
    head_add_rel = e1_embedded + rel_embedded  # [B, D]
    # broadcast instead of repeat: [B, 1, D] - [1, N, D] -> [B, N, D]
    result = head_add_rel[:, None, :] - node_emb[None, :, :]
    # torch.norm(result, p=1, dim=2) == sum of abs over dim 2
    dist = jnp.sum(jnp.abs(result), axis=2)  # [B, N]
    logits = jax.nn.softmax(dist, axis=-1)
    return logits

if __name__ == "__main__":
    import jax
    _d = setup_inputs()
    print(jax.jit(kernel)(*tuple(_d.values())))

</pallas_src>

<mosaic_0001>
#map = affine_map<(d0, d1) -> (0, 0)>
#map1 = affine_map<(d0, d1) -> (0)>
module attributes {stable_mosaic.version = 14 : i64} {
  func.func @gk(%arg0: i32, %arg1: i32, %arg2: memref<1000x128xf32, #tpu.memory_space<hbm>>, %arg3: memref<1000x128xf32, #tpu.memory_space<hbm>>, %arg4: memref<1024xi32, #tpu.memory_space<hbm>>, %arg5: memref<1024xi32, #tpu.memory_space<hbm>>, %arg6: memref<1024x128xf32, #tpu.memory_space<hbm>>, %arg7: memref<1024x128xf32, #tpu.memory_space<hbm>>, %arg8: memref<32xi32, #tpu.memory_space<vmem>>, %arg9: memref<32xi32, #tpu.memory_space<vmem>>, %arg10: memref<32x128xf32, #tpu.memory_space<vmem>>, %arg11: memref<32x128xf32, #tpu.memory_space<vmem>>, %arg12: memref<!tpu.dma_semaphore, #tpu.memory_space<semaphore_mem>>, %arg13: memref<!tpu.dma_semaphore, #tpu.memory_space<semaphore_mem>>) attributes {dimension_semantics = [#tpu.dimension_semantics<core_parallel>, #tpu.dimension_semantics<subcore_parallel>], iteration_bounds = array<i64: 2, 16>, scalar_prefetch = 0 : i64, scratch_operands = 6 : i64, tpu.core_type = #tpu.core_type<sc_vector_subcore>, window_params = [{transform_indices = #map}, {transform_indices = #map}, {transform_indices = #map1}, {transform_indices = #map1}, {transform_indices = #map}, {transform_indices = #map}]} {
    %mul3A = arith.constant 2 : i32
    %mul3A_0 = arith.muli %arg1, %mul3A : i32
    %add3A = arith.addi %mul3A_0, %arg0 : i32
    %mul3A_1 = arith.constant 32 : i32
    %mul3A_2 = arith.muli %add3A, %mul3A_1 : i32
    %dma_start3A = tpu.memref_slice %arg4[%mul3A_2] : memref<1024xi32, #tpu.memory_space<hbm>> -> memref<32xi32, #tpu.memory_space<hbm>>
    %dma_start3A_3 = tpu.memref_slice %arg4[%mul3A_2] : memref<1024xi32, #tpu.memory_space<hbm>> -> memref<32xi32, #tpu.memory_space<hbm>>
    tpu.enqueue_dma source(%dma_start3A_3 : memref<32xi32, #tpu.memory_space<hbm>>) target(%arg8 : memref<32xi32, #tpu.memory_space<vmem>>) target_semaphore(%arg12 : memref<!tpu.dma_semaphore, #tpu.memory_space<semaphore_mem>>)
    %dma_start3A_4 = tpu.memref_slice %arg5[%mul3A_2] : memref<1024xi32, #tpu.memory_space<hbm>> -> memref<32xi32, #tpu.memory_space<hbm>>
    %dma_start3A_5 = tpu.memref_slice %arg5[%mul3A_2] : memref<1024xi32, #tpu.memory_space<hbm>> -> memref<32xi32, #tpu.memory_space<hbm>>
    tpu.enqueue_dma source(%dma_start3A_5 : memref<32xi32, #tpu.memory_space<hbm>>) target(%arg9 : memref<32xi32, #tpu.memory_space<vmem>>) target_semaphore(%arg13 : memref<!tpu.dma_semaphore, #tpu.memory_space<semaphore_mem>>)
    %dma_wait3A = tpu.memref_slice %arg4[%mul3A_2] : memref<1024xi32, #tpu.memory_space<hbm>> -> memref<32xi32, #tpu.memory_space<hbm>>
    %dma_wait3A_6 = tpu.memref_slice %arg4[%mul3A_2] : memref<1024xi32, #tpu.memory_space<hbm>> -> memref<32xi32, #tpu.memory_space<hbm>>
    tpu.wait_dma2 semaphore(%arg12 : memref<!tpu.dma_semaphore, #tpu.memory_space<semaphore_mem>>) src(%dma_wait3A_6 : memref<32xi32, #tpu.memory_space<hbm>>) dst(%arg8 : memref<32xi32, #tpu.memory_space<vmem>>)
    %dma_start3A_7 = arith.constant 0 : i32
    %dma_start3A_8 = arith.constant 0 : i32
    %dma_start3A_9 = tpu.memref_slice %arg2[%dma_start3A_7, %dma_start3A_8] : memref<1000x128xf32, #tpu.memory_space<hbm>> -> memref<1000x128xf32, #tpu.memory_space<hbm>>
    tpu.enqueue_indirect_dma source(%dma_start3A_9 : memref<1000x128xf32, #tpu.memory_space<hbm>>) target(%arg10 : memref<32x128xf32, #tpu.memory_space<vmem>>) offsets(%arg8 : memref<32xi32, #tpu.memory_space<vmem>>) semaphore(%arg12 : memref<!tpu.dma_semaphore, #tpu.memory_space<semaphore_mem>>)
    %dma_wait3A_10 = tpu.memref_slice %arg5[%mul3A_2] : memref<1024xi32, #tpu.memory_space<hbm>> -> memref<32xi32, #tpu.memory_space<hbm>>
    %dma_wait3A_11 = tpu.memref_slice %arg5[%mul3A_2] : memref<1024xi32, #tpu.memory_space<hbm>> -> memref<32xi32, #tpu.memory_space<hbm>>
    tpu.wait_dma2 semaphore(%arg13 : memref<!tpu.dma_semaphore, #tpu.memory_space<semaphore_mem>>) src(%dma_wait3A_11 : memref<32xi32, #tpu.memory_space<hbm>>) dst(%arg9 : memref<32xi32, #tpu.memory_space<vmem>>)
    %dma_start3A_12 = arith.constant 0 : i32
    %dma_start3A_13 = arith.constant 0 : i32
    %dma_start3A_14 = tpu.memref_slice %arg3[%dma_start3A_12, %dma_start3A_13] : memref<1000x128xf32, #tpu.memory_space<hbm>> -> memref<1000x128xf32, #tpu.memory_space<hbm>>
    tpu.enqueue_indirect_dma source(%dma_start3A_14 : memref<1000x128xf32, #tpu.memory_space<hbm>>) target(%arg11 : memref<32x128xf32, #tpu.memory_space<vmem>>) offsets(%arg9 : memref<32xi32, #tpu.memory_space<vmem>>) semaphore(%arg13 : memref<!tpu.dma_semaphore, #tpu.memory_space<semaphore_mem>>)
    %dma_wait3A_15 = arith.constant 0 : i32
    %dma_wait3A_16 = arith.constant 0 : i32
    %dma_wait3A_17 = tpu.memref_slice %arg2[%dma_wait3A_15, %dma_wait3A_16] : memref<1000x128xf32, #tpu.memory_space<hbm>> -> memref<1000x128xf32, #tpu.memory_space<hbm>>
    tpu.wait_indirect_dma semaphore(%arg12 : memref<!tpu.dma_semaphore, #tpu.memory_space<semaphore_mem>>) src(%dma_wait3A_17 : memref<1000x128xf32, #tpu.memory_space<hbm>>) dst(%arg10 : memref<32x128xf32, #tpu.memory_space<vmem>>)
    %dma_start3A_18 = arith.constant 0 : i32
    %dma_start3A_19 = tpu.memref_slice %arg6[%mul3A_2, %dma_start3A_18] : memref<1024x128xf32, #tpu.memory_space<hbm>> -> memref<32x128xf32, #tpu.memory_space<hbm>>
    %dma_start3A_20 = arith.constant 0 : i32
    %dma_start3A_21 = tpu.memref_slice %arg6[%mul3A_2, %dma_start3A_20] : memref<1024x128xf32, #tpu.memory_space<hbm>> -> memref<32x128xf32, #tpu.memory_space<hbm>>
    tpu.enqueue_dma source(%arg10 : memref<32x128xf32, #tpu.memory_space<vmem>>) target(%dma_start3A_21 : memref<32x128xf32, #tpu.memory_space<hbm>>) target_semaphore(%arg12 : memref<!tpu.dma_semaphore, #tpu.memory_space<semaphore_mem>>)
    %dma_wait3A_22 = arith.constant 0 : i32
    %dma_wait3A_23 = arith.constant 0 : i32
    %dma_wait3A_24 = tpu.memref_slice %arg3[%dma_wait3A_22, %dma_wait3A_23] : memref<1000x128xf32, #tpu.memory_space<hbm>> -> memref<1000x128xf32, #tpu.memory_space<hbm>>
    tpu.wait_indirect_dma semaphore(%arg13 : memref<!tpu.dma_semaphore, #tpu.memory_space<semaphore_mem>>) src(%dma_wait3A_24 : memref<1000x128xf32, #tpu.memory_space<hbm>>) dst(%arg11 : memref<32x128xf32, #tpu.memory_space<vmem>>)
    %dma_start3A_25 = arith.constant 0 : i32
    %dma_start3A_26 = tpu.memref_slice %arg7[%mul3A_2, %dma_start3A_25] : memref<1024x128xf32, #tpu.memory_space<hbm>> -> memref<32x128xf32, #tpu.memory_space<hbm>>
    %dma_start3A_27 = arith.constant 0 : i32
    %dma_start3A_28 = tpu.memref_slice %arg7[%mul3A_2, %dma_start3A_27] : memref<1024x128xf32, #tpu.memory_space<hbm>> -> memref<32x128xf32, #tpu.memory_space<hbm>>
    tpu.enqueue_dma source(%arg11 : memref<32x128xf32, #tpu.memory_space<vmem>>) target(%dma_start3A_28 : memref<32x128xf32, #tpu.memory_space<hbm>>) target_semaphore(%arg13 : memref<!tpu.dma_semaphore, #tpu.memory_space<semaphore_mem>>)
    %dma_wait3A_29 = arith.constant 0 : i32
    %dma_wait3A_30 = tpu.memref_slice %arg6[%mul3A_2, %dma_wait3A_29] : memref<1024x128xf32, #tpu.memory_space<hbm>> -> memref<32x128xf32, #tpu.memory_space<hbm>>
    %dma_wait3A_31 = arith.constant 0 : i32
    %dma_wait3A_32 = tpu.memref_slice %arg6[%mul3A_2, %dma_wait3A_31] : memref<1024x128xf32, #tpu.memory_space<hbm>> -> memref<32x128xf32, #tpu.memory_space<hbm>>
    tpu.wait_dma2 semaphore(%arg12 : memref<!tpu.dma_semaphore, #tpu.memory_space<semaphore_mem>>) src(%arg10 : memref<32x128xf32, #tpu.memory_space<vmem>>) dst(%dma_wait3A_32 : memref<32x128xf32, #tpu.memory_space<hbm>>)
    %dma_wait3A_33 = arith.constant 0 : i32
    %dma_wait3A_34 = tpu.memref_slice %arg7[%mul3A_2, %dma_wait3A_33] : memref<1024x128xf32, #tpu.memory_space<hbm>> -> memref<32x128xf32, #tpu.memory_space<hbm>>
    %dma_wait3A_35 = arith.constant 0 : i32
    %dma_wait3A_36 = tpu.memref_slice %arg7[%mul3A_2, %dma_wait3A_35] : memref<1024x128xf32, #tpu.memory_space<hbm>> -> memref<32x128xf32, #tpu.memory_space<hbm>>
    tpu.wait_dma2 semaphore(%arg13 : memref<!tpu.dma_semaphore, #tpu.memory_space<semaphore_mem>>) src(%arg11 : memref<32x128xf32, #tpu.memory_space<vmem>>) dst(%dma_wait3A_36 : memref<32x128xf32, #tpu.memory_space<hbm>>)
    return
  }
}

module attributes {stable_mosaic.version = 14 : i64} {
  func.func @_score_body(%arg0: i32, %arg1: memref<512x128xf32, #tpu.memory_space<vmem>>, %arg2: memref<512x128xf32, #tpu.memory_space<vmem>>, %arg3: memref<64x1024xf32, #tpu.memory_space<vmem>>, %arg4: memref<512x1000xf32, #tpu.memory_space<vmem>>) attributes {dimension_semantics = [#tpu.dimension_semantics<arbitrary>], iteration_bounds = array<i64: 2>, scalar_prefetch = 0 : i64, scratch_operands = 0 : i64, tpu.core_type = #tpu.core_type<tc>, window_params = [{transform_indices = @transform_0, window_bounds = array<i64: 512, 128>}, {transform_indices = @transform_1, window_bounds = array<i64: 512, 128>}, {pipeline_mode = #tpu.pipeline_mode<synchronous>, transform_indices = @transform_2, window_bounds = array<i64: 64, 1024>}, {transform_indices = @transform_3, window_bounds = array<i64: 512, 1000>}]} {
    %get3A = arith.constant 0 : index
    %get3A_0 = arith.constant 0 : index
    %get3A_1 = vector.load %arg1[%get3A, %get3A_0] : memref<512x128xf32, #tpu.memory_space<vmem>>, vector<512x64xf32>
    %mul3A = arith.mulf %get3A_1, %get3A_1 : vector<512x64xf32>
    %reduce_sum3A = arith.constant dense<0.000000e+00> : vector<512xf32>
    %reduce_sum3A_2 = vector.multi_reduction <add>, %mul3A, %reduce_sum3A [1] : vector<512x64xf32> to vector<512xf32>
    %broadcast_in_dim3A = vector.shape_cast %reduce_sum3A_2 : vector<512xf32> to vector<512x1xf32>
    %sqrt3A = math.sqrt %broadcast_in_dim3A : vector<512x1xf32>
    %max3A = arith.constant 9.99999996E-13 : f32
    %max3A_3 = vector.broadcast %max3A : f32 to vector<512x1xf32>
    %max3A_4 = arith.maximumf %sqrt3A, %max3A_3 : vector<512x1xf32>
    %div3A = vector.broadcast %max3A_4 : vector<512x1xf32> to vector<512x64xf32>
    %div3A_5 = arith.divf %get3A_1, %div3A : vector<512x64xf32>
    %get3A_6 = arith.constant 0 : index
    %get3A_7 = arith.constant 0 : index
    %get3A_8 = vector.load %arg2[%get3A_6, %get3A_7] : memref<512x128xf32, #tpu.memory_space<vmem>>, vector<512x64xf32>
    %mul3A_9 = arith.mulf %get3A_8, %get3A_8 : vector<512x64xf32>
    %reduce_sum3A_10 = arith.constant dense<0.000000e+00> : vector<512xf32>
    %reduce_sum3A_11 = vector.multi_reduction <add>, %mul3A_9, %reduce_sum3A_10 [1] : vector<512x64xf32> to vector<512xf32>
    %broadcast_in_dim3A_12 = vector.shape_cast %reduce_sum3A_11 : vector<512xf32> to vector<512x1xf32>
    %sqrt3A_13 = math.sqrt %broadcast_in_dim3A_12 : vector<512x1xf32>
    %max3A_14 = arith.constant 9.99999996E-13 : f32
    %max3A_15 = vector.broadcast %max3A_14 : f32 to vector<512x1xf32>
    %max3A_16 = arith.maximumf %sqrt3A_13, %max3A_15 : vector<512x1xf32>
    %div3A_17 = vector.broadcast %max3A_16 : vector<512x1xf32> to vector<512x64xf32>
    %div3A_18 = arith.divf %get3A_8, %div3A_17 : vector<512x64xf32>
    %add3A = arith.addf %div3A_5, %div3A_18 : vector<512x64xf32>
    %get3A_19 = arith.constant 0 : index
    %get3A_20 = arith.constant 0 : index
    %get3A_21 = vector.load %arg3[%get3A_19, %get3A_20] : memref<64x1024xf32, #tpu.memory_space<vmem>>, vector<64x1024xf32>
    %mul3A_22 = arith.mulf %get3A_21, %get3A_21 : vector<64x1024xf32>
    %reduce_sum3A_23 = arith.constant dense<0.000000e+00> : vector<1024xf32>
    %reduce_sum3A_24 = vector.multi_reduction <add>, %mul3A_22, %reduce_sum3A_23 [0] : vector<64x1024xf32> to vector<1024xf32>
    %broadcast_in_dim3A_25 = vector.shape_cast %reduce_sum3A_24 : vector<1024xf32> to vector<1x1024xf32>
    %sqrt3A_26 = math.sqrt %broadcast_in_dim3A_25 : vector<1x1024xf32>
    %max3A_27 = arith.constant 9.99999996E-13 : f32
    %max3A_28 = vector.broadcast %max3A_27 : f32 to vector<1x1024xf32>
    %max3A_29 = arith.maximumf %sqrt3A_26, %max3A_28 : vector<1x1024xf32>
    %div3A_30 = vector.broadcast %max3A_29 : vector<1x1024xf32> to vector<64x1024xf32>
    %div3A_31 = arith.divf %get3A_21, %div3A_30 : vector<64x1024xf32>
    %iota3A = tpu.iota {dimensions = array<i32: 1>} : vector<1x1024xi32>
    %lt3A = arith.constant 1000 : i32
    %lt3A_32 = vector.broadcast %lt3A : i32 to vector<1x1024xi32>
    %lt3A_33 = arith.cmpi slt, %iota3A, %lt3A_32 : vector<1x1024xi32>
    %reduce_sum3A_34 = arith.constant dense<0.000000e+00> : vector<1024xf32>
    %reduce_sum3A_35 = vector.multi_reduction <add>, %div3A_31, %reduce_sum3A_34 [0] : vector<64x1024xf32> to vector<1024xf32>
    %broadcast_in_dim3A_36 = vector.shape_cast %reduce_sum3A_35 : vector<1024xf32> to vector<1x1024xf32>
    %jit3A = arith.constant 0xFF800000 : f32
    %broadcast_in_dim3A_37 = vector.broadcast %jit3A : f32 to vector<1x1024xf32>
    %select_n3A = arith.select %lt3A_33, %broadcast_in_dim3A_36, %broadcast_in_dim3A_37 : vector<1x1024xi1>, vector<1x1024xf32>
    %slice3A = vector.extract_strided_slice %add3A {offsets = [0, 0], sizes = [512, 1], strides = [1, 1]} : vector<512x64xf32> to vector<512x1xf32>
    %broadcast_in_dim3A_38 = vector.shape_cast %slice3A : vector<512x1xf32> to vector<512x1xf32>
    %broadcast_in_dim3A_39 = vector.broadcast %broadcast_in_dim3A_38 : vector<512x1xf32> to vector<512x128xf32>
    %slice3A_40 = vector.extract_strided_slice %add3A {offsets = [0, 1], sizes = [512, 1], strides = [1, 1]} : vector<512x64xf32> to vector<512x1xf32>
    %broadcast_in_dim3A_41 = vector.shape_cast %slice3A_40 : vector<512x1xf32> to vector<512x1xf32>
    %broadcast_in_dim3A_42 = vector.broadcast %broadcast_in_dim3A_41 : vector<512x1xf32> to vector<512x128xf32>
    %slice3A_43 = vector.extract_strided_slice %add3A {offsets = [0, 2], sizes = [512, 1], strides = [1, 1]} : vector<512x64xf32> to vector<512x1xf32>
    %broadcast_in_dim3A_44 = vector.shape_cast %slice3A_43 : vector<512x1xf32> to vector<512x1xf32>
    %broadcast_in_dim3A_45 = vector.broadcast %broadcast_in_dim3A_44 : vector<512x1xf32> to vector<512x128xf32>
    %slice3A_46 = vector.extract_strided_slice %add3A {offsets = [0, 3], sizes = [512, 1], strides = [1, 1]} : vector<512x64xf32> to vector<512x1xf32>
    %broadcast_in_dim3A_47 = vector.shape_cast %slice3A_46 : vector<512x1xf32> to vector<512x1xf32>
    %broadcast_in_dim3A_48 = vector.broadcast %broadcast_in_dim3A_47 : vector<512x1xf32> to vector<512x128xf32>
    %slice3A_49 = vector.extract_strided_slice %add3A {offsets = [0, 4], sizes = [512, 1], strides = [1, 1]} : vector<512x64xf32> to vector<512x1xf32>
    %broadcast_in_dim3A_50 = vector.shape_cast %slice3A_49 : vector<512x1xf32> to vector<512x1xf32>
    %broadcast_in_dim3A_51 = vector.broadcast %broadcast_in_dim3A_50 : vector<512x1xf32> to vector<512x128xf32>
    %slice3A_52 = vector.extract_strided_slice %add3A {offsets = [0, 5], sizes = [512, 1], strides = [1, 1]} : vector<512x64xf32> to vector<512x1xf32>
    %broadcast_in_dim3A_53 = vector.shape_cast %slice3A_52 : vector<512x1xf32> to vector<512x1xf32>
    %broadcast_in_dim3A_54 = vector.broadcast %broadcast_in_dim3A_53 : vector<512x1xf32> to vector<512x128xf32>
    %slice3A_55 = vector.extract_strided_slice %add3A {offsets = [0, 6], sizes = [512, 1], strides = [1, 1]} : vector<512x64xf32> to vector<512x1xf32>
    %broadcast_in_dim3A_56 = vector.shape_cast %slice3A_55 : vector<512x1xf32> to vector<512x1xf32>
    %broadcast_in_dim3A_57 = vector.broadcast %broadcast_in_dim3A_56 : vector<512x1xf32> to vector<512x128xf32>
    %slice3A_58 = vector.extract_strided_slice %add3A {offsets = [0, 7], sizes = [512, 1], strides = [1, 1]} : vector<512x64xf32> to vector<512x1xf32>
    %broadcast_in_dim3A_59 = vector.shape_cast %slice3A_58 : vector<512x1xf32> to vector<512x1xf32>
    %broadcast_in_dim3A_60 = vector.broadcast %broadcast_in_dim3A_59 : vector<512x1xf32> to vector<512x128xf32>
    %slice3A_61 = vector.extract_strided_slice %add3A {offsets = [0, 8], sizes = [512, 1], strides = [1, 1]} : vector<512x64xf32> to vector<512x1xf32>
    %broadcast_in_dim3A_62 = vector.shape_cast %slice3A_61 : vector<512x1xf32> to vector<512x1xf32>
    %broadcast_in_dim3A_63 = vector.broadcast %broadcast_in_dim3A_62 : vector<512x1xf32> to vector<512x128xf32>
    %slice3A_64 = vector.extract_strided_slice %add3A {offsets = [0, 9], sizes = [512, 1], strides = [1, 1]} : vector<512x64xf32> to vector<512x1xf32>
    %broadcast_in_dim3A_65 = vector.shape_cast %slice3A_64 : vector<512x1xf32> to vector<512x1xf32>
    %broadcast_in_dim3A_66 = vector.broadcast %broadcast_in_dim3A_65 : vector<512x1xf32> to vector<512x128xf32>
    %slice3A_67 = vector.extract_strided_slice %add3A {offsets = [0, 10], sizes = [512, 1], strides = [1, 1]} : vector<512x64xf32> to vector<512x1xf32>
    %broadcast_in_dim3A_68 = vector.shape_cast %slice3A_67 : vector<512x1xf32> to vector<512x1xf32>
    %broadcast_in_dim3A_69 = vector.broadcast %broadcast_in_dim3A_68 : vector<512x1xf32> to vector<512x128xf32>
    %slice3A_70 = vector.extract_strided_slice %add3A {offsets = [0, 11], sizes = [512, 1], strides = [1, 1]} : vector<512x64xf32> to vector<512x1xf32>
    %broadcast_in_dim3A_71 = vector.shape_cast %slice3A_70 : vector<512x1xf32> to vector<512x1xf32>
    %broadcast_in_dim3A_72 = vector.broadcast %broadcast_in_dim3A_71 : vector<512x1xf32> to vector<512x128xf32>
    %slice3A_73 = vector.extract_strided_slice %add3A {offsets = [0, 12], sizes = [512, 1], strides = [1, 1]} : vector<512x64xf32> to vector<512x1xf32>
    %broadcast_in_dim3A_74 = vector.shape_cast %slice3A_73 : vector<512x1xf32> to vector<512x1xf32>
    %broadcast_in_dim3A_75 = vector.broadcast %broadcast_in_dim3A_74 : vector<512x1xf32> to vector<512x128xf32>
    %slice3A_76 = vector.extract_strided_slice %add3A {offsets = [0, 13], sizes = [512, 1], strides = [1, 1]} : vector<512x64xf32> to vector<512x1xf32>
    %broadcast_in_dim3A_77 = vector.shape_cast %slice3A_76 : vector<512x1xf32> to vector<512x1xf32>
    %broadcast_in_dim3A_78 = vector.broadcast %broadcast_in_dim3A_77 : vector<512x1xf32> to vector<512x128xf32>
    %slice3A_79 = vector.extract_strided_slice %add3A {offsets = [0, 14], sizes = [512, 1], strides = [1, 1]} : vector<512x64xf32> to vector<512x1xf32>
    %broadcast_in_dim3A_80 = vector.shape_cast %slice3A_79 : vector<512x1xf32> to vector<512x1xf32>
    %broadcast_in_dim3A_81 = vector.broadcast %broadcast_in_dim3A_80 : vector<512x1xf32> to vector<512x128xf32>
    %slice3A_82 = vector.extract_strided_slice %add3A {offsets = [0, 15], sizes = [512, 1], strides = [1, 1]} : vector<512x64xf32> to vector<512x1xf32>
    %broadcast_in_dim3A_83 = vector.shape_cast %slice3A_82 : vector<512x1xf32> to vector<512x1xf32>
    %broadcast_in_dim3A_84 = vector.broadcast %broadcast_in_dim3A_83 : vector<512x1xf32> to vector<512x128xf32>
    %slice3A_85 = vector.extract_strided_slice %add3A {offsets = [0, 16], sizes = [512, 1], strides = [1, 1]} : vector<512x64xf32> to vector<512x1xf32>
    %broadcast_in_dim3A_86 = vector.shape_cast %slice3A_85 : vector<512x1xf32> to vector<512x1xf32>
    %broadcast_in_dim3A_87 = vector.broadcast %broadcast_in_dim3A_86 : vector<512x1xf32> to vector<512x128xf32>
    %slice3A_88 = vector.extract_strided_slice %add3A {offsets = [0, 17], sizes = [512, 1], strides = [1, 1]} : vector<512x64xf32> to vector<512x1xf32>
    %broadcast_in_dim3A_89 = vector.shape_cast %slice3A_88 : vector<512x1xf32> to vector<512x1xf32>
    %broadcast_in_dim3A_90 = vector.broadcast %broadcast_in_dim3A_89 : vector<512x1xf32> to vector<512x128xf32>
    %slice3A_91 = vector.extract_strided_slice %add3A {offsets = [0, 18], sizes = [512, 1], strides = [1, 1]} : vector<512x64xf32> to vector<512x1xf32>
    %broadcast_in_dim3A_92 = vector.shape_cast %slice3A_91 : vector<512x1xf32> to vector<512x1xf32>
    %broadcast_in_dim3A_93 = vector.broadcast %broadcast_in_dim3A_92 : vector<512x1xf32> to vector<512x128xf32>
    %slice3A_94 = vector.extract_strided_slice %add3A {offsets = [0, 19], sizes = [512, 1], strides = [1, 1]} : vector<512x64xf32> to vector<512x1xf32>
    %broadcast_in_dim3A_95 = vector.shape_cast %slice3A_94 : vector<512x1xf32> to vector<512x1xf32>
    %broadcast_in_dim3A_96 = vector.broadcast %broadcast_in_dim3A_95 : vector<512x1xf32> to vector<512x128xf32>
    %slice3A_97 = vector.extract_strided_slice %add3A {offsets = [0, 20], sizes = [512, 1], strides = [1, 1]} : vector<512x64xf32> to vector<512x1xf32>
    %broadcast_in_dim3A_98 = vector.shape_cast %slice3A_97 : vector<512x1xf32> to vector<512x1xf32>
    %broadcast_in_dim3A_99 = vector.broadcast %broadcast_in_dim3A_98 : vector<512x1xf32> to vector<512x128xf32>
    %slice3A_100 = vector.extract_strided_slice %add3A {offsets = [0, 21], sizes = [512, 1], strides = [1, 1]} : vector<512x64xf32> to vector<512x1xf32>
    %broadcast_in_dim3A_101 = vector.shape_cast %slice3A_100 : vector<512x1xf32> to vector<512x1xf32>
    %broadcast_in_dim3A_102 = vector.broadcast %broadcast_in_dim3A_101 : vector<512x1xf32> to vector<512x128xf32>
    %slice3A_103 = vector.extract_strided_slice %add3A {offsets = [0, 22], sizes = [512, 1], strides = [1, 1]} : vector<512x64xf32> to vector<512x1xf32>
    %broadcast_in_dim3A_104 = vector.shape_cast %slice3A_103 : vector<512x1xf32> to vector<512x1xf32>
    %broadcast_in_dim3A_105 = vector.broadcast %broadcast_in_dim3A_104 : vector<512x1xf32> to vector<512x128xf32>
    %slice3A_106 = vector.extract_strided_slice %add3A {offsets = [0, 23], sizes = [512, 1], strides = [1, 1]} : vector<512x64xf32> to vector<512x1xf32>
    %broadcast_in_dim3A_107 = vector.shape_cast %slice3A_106 : vector<512x1xf32> to vector<512x1xf32>
    %broadcast_in_dim3A_108 = vector.broadcast %broadcast_in_dim3A_107 : vector<512x1xf32> to vector<512x128xf32>
    %slice3A_109 = vector.extract_strided_slice %add3A {offsets = [0, 24], sizes = [512, 1], strides = [1, 1]} : vector<512x64xf32> to vector<512x1xf32>
    %broadcast_in_dim3A_110 = vector.shape_cast %slice3A_109 : vector<512x1xf32> to vector<512x1xf32>
    %broadcast_in_dim3A_111 = vector.broadcast %broadcast_in_dim3A_110 : vector<512x1xf32> to vector<512x128xf32>
    %slice3A_112 = vector.extract_strided_slice %add3A {offsets = [0, 25], sizes = [512, 1], strides = [1, 1]} : vector<512x64xf32> to vector<512x1xf32>
    %broadcast_in_dim3A_113 = vector.shape_cast %slice3A_112 : vector<512x1xf32> to vector<512x1xf32>
    %broadcast_in_dim3A_114 = vector.broadcast %broadcast_in_dim3A_113 : vector<512x1xf32> to vector<512x128xf32>
    %slice3A_115 = vector.extract_strided_slice %add3A {offsets = [0, 26], sizes = [512, 1], strides = [1, 1]} : vector<512x64xf32> to vector<512x1xf32>
    %broadcast_in_dim3A_116 = vector.shape_cast %slice3A_115 : vector<512x1xf32> to vector<512x1xf32>
    %broadcast_in_dim3A_117 = vector.broadcast %broadcast_in_dim3A_116 : vector<512x1xf32> to vector<512x128xf32>
    %slice3A_118 = vector.extract_strided_slice %add3A {offsets = [0, 27], sizes = [512, 1], strides = [1, 1]} : vector<512x64xf32> to vector<512x1xf32>
    %broadcast_in_dim3A_119 = vector.shape_cast %slice3A_118 : vector<512x1xf32> to vector<512x1xf32>
    %broadcast_in_dim3A_120 = vector.broadcast %broadcast_in_dim3A_119 : vector<512x1xf32> to vector<512x128xf32>
    %slice3A_121 = vector.extract_strided_slice %add3A {offsets = [0, 28], sizes = [512, 1], strides = [1, 1]} : vector<512x64xf32> to vector<512x1xf32>
    %broadcast_in_dim3A_122 = vector.shape_cast %slice3A_121 : vector<512x1xf32> to vector<512x1xf32>
    %broadcast_in_dim3A_123 = vector.broadcast %broadcast_in_dim3A_122 : vector<512x1xf32> to vector<512x128xf32>
    %slice3A_124 = vector.extract_strided_slice %add3A {offsets = [0, 29], sizes = [512, 1], strides = [1, 1]} : vector<512x64xf32> to vector<512x1xf32>
    %broadcast_in_dim3A_125 = vector.shape_cast %slice3A_124 : vector<512x1xf32> to vector<512x1xf32>
    %broadcast_in_dim3A_126 = vector.broadcast %broadcast_in_dim3A_125 : vector<512x1xf32> to vector<512x128xf32>
    %slice3A_127 = vector.extract_strided_slice %add3A {offsets = [0, 30], sizes = [512, 1], strides = [1, 1]} : vector<512x64xf32> to vector<512x1xf32>
    %broadcast_in_dim3A_128 = vector.shape_cast %slice3A_127 : vector<512x1xf32> to vector<512x1xf32>
    %broadcast_in_dim3A_129 = vector.broadcast %broadcast_in_dim3A_128 : vector<512x1xf32> to vector<512x128xf32>
    %slice3A_130 = vector.extract_strided_slice %add3A {offsets = [0, 31], sizes = [512, 1], strides = [1, 1]} : vector<512x64xf32> to vector<512x1xf32>
    %broadcast_in_dim3A_131 = vector.shape_cast %slice3A_130 : vector<512x1xf32> to vector<512x1xf32>
    %broadcast_in_dim3A_132 = vector.broadcast %broadcast_in_dim3A_131 : vector<512x1xf32> to vector<512x128xf32>
    %slice3A_133 = vector.extract_strided_slice %add3A {offsets = [0, 32], sizes = [512, 1], strides = [1, 1]} : vector<512x64xf32> to vector<512x1xf32>
    %broadcast_in_dim3A_134 = vector.shape_cast %slice3A_133 : vector<512x1xf32> to vector<512x1xf32>
    %broadcast_in_dim3A_135 = vector.broadcast %broadcast_in_dim3A_134 : vector<512x1xf32> to vector<512x128xf32>
    %slice3A_136 = vector.extract_strided_slice %add3A {offsets = [0, 33], sizes = [512, 1], strides = [1, 1]} : vector<512x64xf32> to vector<512x1xf32>
    %broadcast_in_dim3A_137 = vector.shape_cast %slice3A_136 : vector<512x1xf32> to vector<512x1xf32>
    %broadcast_in_dim3A_138 = vector.broadcast %broadcast_in_dim3A_137 : vector<512x1xf32> to vector<512x128xf32>
    %slice3A_139 = vector.extract_strided_slice %add3A {offsets = [0, 34], sizes = [512, 1], strides = [1, 1]} : vector<512x64xf32> to vector<512x1xf32>
    %broadcast_in_dim3A_140 = vector.shape_cast %slice3A_139 : vector<512x1xf32> to vector<512x1xf32>
    %broadcast_in_dim3A_141 = vector.broadcast %broadcast_in_dim3A_140 : vector<512x1xf32> to vector<512x128xf32>
    %slice3A_142 = vector.extract_strided_slice %add3A {offsets = [0, 35], sizes = [512, 1], strides = [1, 1]} : vector<512x64xf32> to vector<512x1xf32>
    %broadcast_in_dim3A_143 = vector.shape_cast %slice3A_142 : vector<512x1xf32> to vector<512x1xf32>
    %broadcast_in_dim3A_144 = vector.broadcast %broadcast_in_dim3A_143 : vector<512x1xf32> to vector<512x128xf32>
    %slice3A_145 = vector.extract_strided_slice %add3A {offsets = [0, 36], sizes = [512, 1], strides = [1, 1]} : vector<512x64xf32> to vector<512x1xf32>
    %broadcast_in_dim3A_146 = vector.shape_cast %slice3A_145 : vector<512x1xf32> to vector<512x1xf32>
    %broadcast_in_dim3A_147 = vector.broadcast %broadcast_in_dim3A_146 : vector<512x1xf32> to vector<512x128xf32>
    %slice3A_148 = vector.extract_strided_slice %add3A {offsets = [0, 37], sizes = [512, 1], strides = [1, 1]} : vector<512x64xf32> to vector<512x1xf32>
    %broadcast_in_dim3A_149 = vector.shape_cast %slice3A_148 : vector<512x1xf32> to vector<512x1xf32>
    %broadcast_in_dim3A_150 = vector.broadcast %broadcast_in_dim3A_149 : vector<512x1xf32> to vector<512x128xf32>
    %slice3A_151 = vector.extract_strided_slice %add3A {offsets = [0, 38], sizes = [512, 1], strides = [1, 1]} : vector<512x64xf32> to vector<512x1xf32>
    %broadcast_in_dim3A_152 = vector.shape_cast %slice3A_151 : vector<512x1xf32> to vector<512x1xf32>
    %broadcast_in_dim3A_153 = vector.broadcast %broadcast_in_dim3A_152 : vector<512x1xf32> to vector<512x128xf32>
    %slice3A_154 = vector.extract_strided_slice %add3A {offsets = [0, 39], sizes = [512, 1], strides = [1, 1]} : vector<512x64xf32> to vector<512x1xf32>
    %broadcast_in_dim3A_155 = vector.shape_cast %slice3A_154 : vector<512x1xf32> to vector<512x1xf32>
    %broadcast_in_dim3A_156 = vector.broadcast %broadcast_in_dim3A_155 : vector<512x1xf32> to vector<512x128xf32>
    %slice3A_157 = vector.extract_strided_slice %add3A {offsets = [0, 40], sizes = [512, 1], strides = [1, 1]} : vector<512x64xf32> to vector<512x1xf32>
    %broadcast_in_dim3A_158 = vector.shape_cast %slice3A_157 : vector<512x1xf32> to vector<512x1xf32>
    %broadcast_in_dim3A_159 = vector.broadcast %broadcast_in_dim3A_158 : vector<512x1xf32> to vector<512x128xf32>
    %slice3A_160 = vector.extract_strided_slice %add3A {offsets = [0, 41], sizes = [512, 1], strides = [1, 1]} : vector<512x64xf32> to vector<512x1xf32>
    %broadcast_in_dim3A_161 = vector.shape_cast %slice3A_160 : vector<512x1xf32> to vector<512x1xf32>
    %broadcast_in_dim3A_162 = vector.broadcast %broadcast_in_dim3A_161 : vector<512x1xf32> to vector<512x128xf32>
    %slice3A_163 = vector.extract_strided_slice %add3A {offsets = [0, 42], sizes = [512, 1], strides = [1, 1]} : vector<512x64xf32> to vector<512x1xf32>
    %broadcast_in_dim3A_164 = vector.shape_cast %slice3A_163 : vector<512x1xf32> to vector<512x1xf32>
    %broadcast_in_dim3A_165 = vector.broadcast %broadcast_in_dim3A_164 : vector<512x1xf32> to vector<512x128xf32>
    %slice3A_166 = vector.extract_strided_slice %add3A {offsets = [0, 43], sizes = [512, 1], strides = [1, 1]} : vector<512x64xf32> to vector<512x1xf32>
    %broadcast_in_dim3A_167 = vector.shape_cast %slice3A_166 : vector<512x1xf32> to vector<512x1xf32>
    %broadcast_in_dim3A_168 = vector.broadcast %broadcast_in_dim3A_167 : vector<512x1xf32> to vector<512x128xf32>
    %slice3A_169 = vector.extract_strided_slice %add3A {offsets = [0, 44], sizes = [512, 1], strides = [1, 1]} : vector<512x64xf32> to vector<512x1xf32>
    %broadcast_in_dim3A_170 = vector.shape_cast %slice3A_169 : vector<512x1xf32> to vector<512x1xf32>
    %broadcast_in_dim3A_171 = vector.broadcast %broadcast_in_dim3A_170 : vector<512x1xf32> to vector<512x128xf32>
    %slice3A_172 = vector.extract_strided_slice %add3A {offsets = [0, 45], sizes = [512, 1], strides = [1, 1]} : vector<512x64xf32> to vector<512x1xf32>
    %broadcast_in_dim3A_173 = vector.shape_cast %slice3A_172 : vector<512x1xf32> to vector<512x1xf32>
    %broadcast_in_dim3A_174 = vector.broadcast %broadcast_in_dim3A_173 : vector<512x1xf32> to vector<512x128xf32>
    %slice3A_175 = vector.extract_strided_slice %add3A {offsets = [0, 46], sizes = [512, 1], strides = [1, 1]} : vector<512x64xf32> to vector<512x1xf32>
    %broadcast_in_dim3A_176 = vector.shape_cast %slice3A_175 : vector<512x1xf32> to vector<512x1xf32>
    %broadcast_in_dim3A_177 = vector.broadcast %broadcast_in_dim3A_176 : vector<512x1xf32> to vector<512x128xf32>
    %slice3A_178 = vector.extract_strided_slice %add3A {offsets = [0, 47], sizes = [512, 1], strides = [1, 1]} : vector<512x64xf32> to vector<512x1xf32>
    %broadcast_in_dim3A_179 = vector.shape_cast %slice3A_178 : vector<512x1xf32> to vector<512x1xf32>
    %broadcast_in_dim3A_180 = vector.broadcast %broadcast_in_dim3A_179 : vector<512x1xf32> to vector<512x128xf32>
    %slice3A_181 = vector.extract_strided_slice %add3A {offsets = [0, 48], sizes = [512, 1], strides = [1, 1]} : vector<512x64xf32> to vector<512x1xf32>
    %broadcast_in_dim3A_182 = vector.shape_cast %slice3A_181 : vector<512x1xf32> to vector<512x1xf32>
    %broadcast_in_dim3A_183 = vector.broadcast %broadcast_in_dim3A_182 : vector<512x1xf32> to vector<512x128xf32>
    %slice3A_184 = vector.extract_strided_slice %add3A {offsets = [0, 49], sizes = [512, 1], strides = [1, 1]} : vector<512x64xf32> to vector<512x1xf32>
    %broadcast_in_dim3A_185 = vector.shape_cast %slice3A_184 : vector<512x1xf32> to vector<512x1xf32>
    %broadcast_in_dim3A_186 = vector.broadcast %broadcast_in_dim3A_185 : vector<512x1xf32> to vector<512x128xf32>
    %slice3A_187 = vector.extract_strided_slice %add3A {offsets = [0, 50], sizes = [512, 1], strides = [1, 1]} : vector<512x64xf32> to vector<512x1xf32>
    %broadcast_in_dim3A_188 = vector.shape_cast %slice3A_187 : vector<512x1xf32> to vector<512x1xf32>
    %broadcast_in_dim3A_189 = vector.broadcast %broadcast_in_dim3A_188 : vector<512x1xf32> to vector<512x128xf32>
    %slice3A_190 = vector.extract_strided_slice %add3A {offsets = [0, 51], sizes = [512, 1], strides = [1, 1]} : vector<512x64xf32> to vector<512x1xf32>
    %broadcast_in_dim3A_191 = vector.shape_cast %slice3A_190 : vector<512x1xf32> to vector<512x1xf32>
    %broadcast_in_dim3A_192 = vector.broadcast %broadcast_in_dim3A_191 : vector<512x1xf32> to vector<512x128xf32>
    %slice3A_193 = vector.extract_strided_slice %add3A {offsets = [0, 52], sizes = [512, 1], strides = [1, 1]} : vector<512x64xf32> to vector<512x1xf32>
    %broadcast_in_dim3A_194 = vector.shape_cast %slice3A_193 : vector<512x1xf32> to vector<512x1xf32>
    %broadcast_in_dim3A_195 = vector.broadcast %broadcast_in_dim3A_194 : vector<512x1xf32> to vector<512x128xf32>
    %slice3A_196 = vector.extract_strided_slice %add3A {offsets = [0, 53], sizes = [512, 1], strides = [1, 1]} : vector<512x64xf32> to vector<512x1xf32>
    %broadcast_in_dim3A_197 = vector.shape_cast %slice3A_196 : vector<512x1xf32> to vector<512x1xf32>
    %broadcast_in_dim3A_198 = vector.broadcast %broadcast_in_dim3A_197 : vector<512x1xf32> to vector<512x128xf32>
    %slice3A_199 = vector.extract_strided_slice %add3A {offsets = [0, 54], sizes = [512, 1], strides = [1, 1]} : vector<512x64xf32> to vector<512x1xf32>
    %broadcast_in_dim3A_200 = vector.shape_cast %slice3A_199 : vector<512x1xf32> to vector<512x1xf32>
    %broadcast_in_dim3A_201 = vector.broadcast %broadcast_in_dim3A_200 : vector<512x1xf32> to vector<512x128xf32>
    %slice3A_202 = vector.extract_strided_slice %add3A {offsets = [0, 55], sizes = [512, 1], strides = [1, 1]} : vector<512x64xf32> to vector<512x1xf32>
    %broadcast_in_dim3A_203 = vector.shape_cast %slice3A_202 : vector<512x1xf32> to vector<512x1xf32>
    %broadcast_in_dim3A_204 = vector.broadcast %broadcast_in_dim3A_203 : vector<512x1xf32> to vector<512x128xf32>
    %slice3A_205 = vector.extract_strided_slice %add3A {offsets = [0, 56], sizes = [512, 1], strides = [1, 1]} : vector<512x64xf32> to vector<512x1xf32>
    %broadcast_in_dim3A_206 = vector.shape_cast %slice3A_205 : vector<512x1xf32> to vector<512x1xf32>
    %broadcast_in_dim3A_207 = vector.broadcast %broadcast_in_dim3A_206 : vector<512x1xf32> to vector<512x128xf32>
    %slice3A_208 = vector.extract_strided_slice %add3A {offsets = [0, 57], sizes = [512, 1], strides = [1, 1]} : vector<512x64xf32> to vector<512x1xf32>
    %broadcast_in_dim3A_209 = vector.shape_cast %slice3A_208 : vector<512x1xf32> to vector<512x1xf32>
    %broadcast_in_dim3A_210 = vector.broadcast %broadcast_in_dim3A_209 : vector<512x1xf32> to vector<512x128xf32>
    %slice3A_211 = vector.extract_strided_slice %add3A {offsets = [0, 58], sizes = [512, 1], strides = [1, 1]} : vector<512x64xf32> to vector<512x1xf32>
    %broadcast_in_dim3A_212 = vector.shape_cast %slice3A_211 : vector<512x1xf32> to vector<512x1xf32>
    %broadcast_in_dim3A_213 = vector.broadcast %broadcast_in_dim3A_212 : vector<512x1xf32> to vector<512x128xf32>
    %slice3A_214 = vector.extract_strided_slice %add3A {offsets = [0, 59], sizes = [512, 1], strides = [1, 1]} : vector<512x64xf32> to vector<512x1xf32>
    %broadcast_in_dim3A_215 = vector.shape_cast %slice3A_214 : vector<512x1xf32> to vector<512x1xf32>
    %broadcast_in_dim3A_216 = vector.broadcast %broadcast_in_dim3A_215 : vector<512x1xf32> to vector<512x128xf32>
    %slice3A_217 = vector.extract_strided_slice %add3A {offsets = [0, 60], sizes = [512, 1], strides = [1, 1]} : vector<512x64xf32> to vector<512x1xf32>
    %broadcast_in_dim3A_218 = vector.shape_cast %slice3A_217 : vector<512x1xf32> to vector<512x1xf32>
    %broadcast_in_dim3A_219 = vector.broadcast %broadcast_in_dim3A_218 : vector<512x1xf32> to vector<512x128xf32>
    %slice3A_220 = vector.extract_strided_slice %add3A {offsets = [0, 61], sizes = [512, 1], strides = [1, 1]} : vector<512x64xf32> to vector<512x1xf32>
    %broadcast_in_dim3A_221 = vector.shape_cast %slice3A_220 : vector<512x1xf32> to vector<512x1xf32>
    %broadcast_in_dim3A_222 = vector.broadcast %broadcast_in_dim3A_221 : vector<512x1xf32> to vector<512x128xf32>
    %slice3A_223 = vector.extract_strided_slice %add3A {offsets = [0, 62], sizes = [512, 1], strides = [1, 1]} : vector<512x64xf32> to vector<512x1xf32>
    %broadcast_in_dim3A_224 = vector.shape_cast %slice3A_223 : vector<512x1xf32> to vector<512x1xf32>
    %broadcast_in_dim3A_225 = vector.broadcast %broadcast_in_dim3A_224 : vector<512x1xf32> to vector<512x128xf32>
    %slice3A_226 = vector.extract_strided_slice %add3A {offsets = [0, 63], sizes = [512, 1], strides = [1, 1]} : vector<512x64xf32> to vector<512x1xf32>
    %broadcast_in_dim3A_227 = vector.shape_cast %slice3A_226 : vector<512x1xf32> to vector<512x1xf32>
    %broadcast_in_dim3A_228 = vector.broadcast %broadcast_in_dim3A_227 : vector<512x1xf32> to vector<512x128xf32>
    %slice3A_229 = vector.extract_strided_slice %div3A_31 {offsets = [0, 0], sizes = [64, 128], strides = [1, 1]} : vector<64x1024xf32> to vector<64x128xf32>
    %slice3A_230 = vector.extract_strided_slice %slice3A_229 {offsets = [0, 0], sizes = [1, 128], strides = [1, 1]} : vector<64x128xf32> to vector<1x128xf32>
    %min3A = vector.broadcast %slice3A_230 : vector<1x128xf32> to vector<512x128xf32>
    %min3A_231 = arith.minimumf %broadcast_in_dim3A_39, %min3A : vector<512x128xf32>
    %slice3A_232 = vector.extract_strided_slice %slice3A_229 {offsets = [1, 0], sizes = [1, 128], strides = [1, 1]} : vector<64x128xf32> to vector<1x128xf32>
    %min3A_233 = vector.broadcast %slice3A_232 : vector<1x128xf32> to vector<512x128xf32>
    %min3A_234 = arith.minimumf %broadcast_in_dim3A_42, %min3A_233 : vector<512x128xf32>
    %add3A_235 = arith.addf %min3A_231, %min3A_234 : vector<512x128xf32>
    %slice3A_236 = vector.extract_strided_slice %slice3A_229 {offsets = [2, 0], sizes = [1, 128], strides = [1, 1]} : vector<64x128xf32> to vector<1x128xf32>
    %min3A_237 = vector.broadcast %slice3A_236 : vector<1x128xf32> to vector<512x128xf32>
    %min3A_238 = arith.minimumf %broadcast_in_dim3A_45, %min3A_237 : vector<512x128xf32>
    %add3A_239 = arith.addf %add3A_235, %min3A_238 : vector<512x128xf32>
    %slice3A_240 = vector.extract_strided_slice %slice3A_229 {offsets = [3, 0], sizes = [1, 128], strides = [1, 1]} : vector<64x128xf32> to vector<1x128xf32>
    %min3A_241 = vector.broadcast %slice3A_240 : vector<1x128xf32> to vector<512x128xf32>
    %min3A_242 = arith.minimumf %broadcast_in_dim3A_48, %min3A_241 : vector<512x128xf32>
    %add3A_243 = arith.addf %add3A_239, %min3A_242 : vector<512x128xf32>
    %slice3A_244 = vector.extract_strided_slice %slice3A_229 {offsets = [4, 0], sizes = [1, 128], strides = [1, 1]} : vector<64x128xf32> to vector<1x128xf32>
    %min3A_245 = vector.broadcast %slice3A_244 : vector<1x128xf32> to vector<512x128xf32>
    %min3A_246 = arith.minimumf %broadcast_in_dim3A_51, %min3A_245 : vector<512x128xf32>
    %add3A_247 = arith.addf %add3A_243, %min3A_246 : vector<512x128xf32>
    %slice3A_248 = vector.extract_strided_slice %slice3A_229 {offsets = [5, 0], sizes = [1, 128], strides = [1, 1]} : vector<64x128xf32> to vector<1x128xf32>
    %min3A_249 = vector.broadcast %slice3A_248 : vector<1x128xf32> to vector<512x128xf32>
    %min3A_250 = arith.minimumf %broadcast_in_dim3A_54, %min3A_249 : vector<512x128xf32>
    %add3A_251 = arith.addf %add3A_247, %min3A_250 : vector<512x128xf32>
    %slice3A_252 = vector.extract_strided_slice %slice3A_229 {offsets = [6, 0], sizes = [1, 128], strides = [1, 1]} : vector<64x128xf32> to vector<1x128xf32>
    %min3A_253 = vector.broadcast %slice3A_252 : vector<1x128xf32> to vector<512x128xf32>
    %min3A_254 = arith.minimumf %broadcast_in_dim3A_57, %min3A_253 : vector<512x128xf32>
    %add3A_255 = arith.addf %add3A_251, %min3A_254 : vector<512x128xf32>
    %slice3A_256 = vector.extract_strided_slice %slice3A_229 {offsets = [7, 0], sizes = [1, 128], strides = [1, 1]} : vector<64x128xf32> to vector<1x128xf32>
    %min3A_257 = vector.broadcast %slice3A_256 : vector<1x128xf32> to vector<512x128xf32>
    %min3A_258 = arith.minimumf %broadcast_in_dim3A_60, %min3A_257 : vector<512x128xf32>
    %add3A_259 = arith.addf %add3A_255, %min3A_258 : vector<512x128xf32>
    %slice3A_260 = vector.extract_strided_slice %slice3A_229 {offsets = [8, 0], sizes = [1, 128], strides = [1, 1]} : vector<64x128xf32> to vector<1x128xf32>
    %min3A_261 = vector.broadcast %slice3A_260 : vector<1x128xf32> to vector<512x128xf32>
    %min3A_262 = arith.minimumf %broadcast_in_dim3A_63, %min3A_261 : vector<512x128xf32>
    %add3A_263 = arith.addf %add3A_259, %min3A_262 : vector<512x128xf32>
    %slice3A_264 = vector.extract_strided_slice %slice3A_229 {offsets = [9, 0], sizes = [1, 128], strides = [1, 1]} : vector<64x128xf32> to vector<1x128xf32>
    %min3A_265 = vector.broadcast %slice3A_264 : vector<1x128xf32> to vector<512x128xf32>
    %min3A_266 = arith.minimumf %broadcast_in_dim3A_66, %min3A_265 : vector<512x128xf32>
    %add3A_267 = arith.addf %add3A_263, %min3A_266 : vector<512x128xf32>
    %slice3A_268 = vector.extract_strided_slice %slice3A_229 {offsets = [10, 0], sizes = [1, 128], strides = [1, 1]} : vector<64x128xf32> to vector<1x128xf32>
    %min3A_269 = vector.broadcast %slice3A_268 : vector<1x128xf32> to vector<512x128xf32>
    %min3A_270 = arith.minimumf %broadcast_in_dim3A_69, %min3A_269 : vector<512x128xf32>
    %add3A_271 = arith.addf %add3A_267, %min3A_270 : vector<512x128xf32>
    %slice3A_272 = vector.extract_strided_slice %slice3A_229 {offsets = [11, 0], sizes = [1, 128], strides = [1, 1]} : vector<64x128xf32> to vector<1x128xf32>
    %min3A_273 = vector.broadcast %slice3A_272 : vector<1x128xf32> to vector<512x128xf32>
    %min3A_274 = arith.minimumf %broadcast_in_dim3A_72, %min3A_273 : vector<512x128xf32>
    %add3A_275 = arith.addf %add3A_271, %min3A_274 : vector<512x128xf32>
    %slice3A_276 = vector.extract_strided_slice %slice3A_229 {offsets = [12, 0], sizes = [1, 128], strides = [1, 1]} : vector<64x128xf32> to vector<1x128xf32>
    %min3A_277 = vector.broadcast %slice3A_276 : vector<1x128xf32> to vector<512x128xf32>
    %min3A_278 = arith.minimumf %broadcast_in_dim3A_75, %min3A_277 : vector<512x128xf32>
    %add3A_279 = arith.addf %add3A_275, %min3A_278 : vector<512x128xf32>
    %slice3A_280 = vector.extract_strided_slice %slice3A_229 {offsets = [13, 0], sizes = [1, 128], strides = [1, 1]} : vector<64x128xf32> to vector<1x128xf32>
    %min3A_281 = vector.broadcast %slice3A_280 : vector<1x128xf32> to vector<512x128xf32>
    %min3A_282 = arith.minimumf %broadcast_in_dim3A_78, %min3A_281 : vector<512x128xf32>
    %add3A_283 = arith.addf %add3A_279, %min3A_282 : vector<512x128xf32>
    %slice3A_284 = vector.extract_strided_slice %slice3A_229 {offsets = [14, 0], sizes = [1, 128], strides = [1, 1]} : vector<64x128xf32> to vector<1x128xf32>
    %min3A_285 = vector.broadcast %slice3A_284 : vector<1x128xf32> to vector<512x128xf32>
    %min3A_286 = arith.minimumf %broadcast_in_dim3A_81, %min3A_285 : vector<512x128xf32>
    %add3A_287 = arith.addf %add3A_283, %min3A_286 : vector<512x128xf32>
    %slice3A_288 = vector.extract_strided_slice %slice3A_229 {offsets = [15, 0], sizes = [1, 128], strides = [1, 1]} : vector<64x128xf32> to vector<1x128xf32>
    %min3A_289 = vector.broadcast %slice3A_288 : vector<1x128xf32> to vector<512x128xf32>
    %min3A_290 = arith.minimumf %broadcast_in_dim3A_84, %min3A_289 : vector<512x128xf32>
    %add3A_291 = arith.addf %add3A_287, %min3A_290 : vector<512x128xf32>
    %slice3A_292 = vector.extract_strided_slice %slice3A_229 {offsets = [16, 0], sizes = [1, 128], strides = [1, 1]} : vector<64x128xf32> to vector<1x128xf32>
    %min3A_293 = vector.broadcast %slice3A_292 : vector<1x128xf32> to vector<512x128xf32>
    %min3A_294 = arith.minimumf %broadcast_in_dim3A_87, %min3A_293 : vector<512x128xf32>
    %add3A_295 = arith.addf %add3A_291, %min3A_294 : vector<512x128xf32>
    %slice3A_296 = vector.extract_strided_slice %slice3A_229 {offsets = [17, 0], sizes = [1, 128], strides = [1, 1]} : vector<64x128xf32> to vector<1x128xf32>
    %min3A_297 = vector.broadcast %slice3A_296 : vector<1x128xf32> to vector<512x128xf32>
    %min3A_298 = arith.minimumf %broadcast_in_dim3A_90, %min3A_297 : vector<512x128xf32>
    %add3A_299 = arith.addf %add3A_295, %min3A_298 : vector<512x128xf32>
    %slice3A_300 = vector.extract_strided_slice %slice3A_229 {offsets = [18, 0], sizes = [1, 128], strides = [1, 1]} : vector<64x128xf32> to vector<1x128xf32>
    %min3A_301 = vector.broadcast %slice3A_300 : vector<1x128xf32> to vector<512x128xf32>
    %min3A_302 = arith.minimumf %broadcast_in_dim3A_93, %min3A_301 : vector<512x128xf32>
    %add3A_303 = arith.addf %add3A_299, %min3A_302 : vector<512x128xf32>
    %slice3A_304 = vector.extract_strided_slice %slice3A_229 {offsets = [19, 0], sizes = [1, 128], strides = [1, 1]} : vector<64x128xf32> to vector<1x128xf32>
    %min3A_305 = vector.broadcast %slice3A_304 : vector<1x128xf32> to vector<512x128xf32>
    %min3A_306 = arith.minimumf %broadcast_in_dim3A_96, %min3A_305 : vector<512x128xf32>
    %add3A_307 = arith.addf %add3A_303, %min3A_306 : vector<512x128xf32>
    %slice3A_308 = vector.extract_strided_slice %slice3A_229 {offsets = [20, 0], sizes = [1, 128], strides = [1, 1]} : vector<64x128xf32> to vector<1x128xf32>
    %min3A_309 = vector.broadcast %slice3A_308 : vector<1x128xf32> to vector<512x128xf32>
    %min3A_310 = arith.minimumf %broadcast_in_dim3A_99, %min3A_309 : vector<512x128xf32>
    %add3A_311 = arith.addf %add3A_307, %min3A_310 : vector<512x128xf32>
    %slice3A_312 = vector.extract_strided_slice %slice3A_229 {offsets = [21, 0], sizes = [1, 128], strides = [1, 1]} : vector<64x128xf32> to vector<1x128xf32>
    %min3A_313 = vector.broadcast %slice3A_312 : vector<1x128xf32> to vector<512x128xf32>
    %min3A_314 = arith.minimumf %broadcast_in_dim3A_102, %min3A_313 : vector<512x128xf32>
    %add3A_315 = arith.addf %add3A_311, %min3A_314 : vector<512x128xf32>
    %slice3A_316 = vector.extract_strided_slice %slice3A_229 {offsets = [22, 0], sizes = [1, 128], strides = [1, 1]} : vector<64x128xf32> to vector<1x128xf32>
    %min3A_317 = vector.broadcast %slice3A_316 : vector<1x128xf32> to vector<512x128xf32>
    %min3A_318 = arith.minimumf %broadcast_in_dim3A_105, %min3A_317 : vector<512x128xf32>
    %add3A_319 = arith.addf %add3A_315, %min3A_318 : vector<512x128xf32>
    %slice3A_320 = vector.extract_strided_slice %slice3A_229 {offsets = [23, 0], sizes = [1, 128], strides = [1, 1]} : vector<64x128xf32> to vector<1x128xf32>
    %min3A_321 = vector.broadcast %slice3A_320 : vector<1x128xf32> to vector<512x128xf32>
    %min3A_322 = arith.minimumf %broadcast_in_dim3A_108, %min3A_321 : vector<512x128xf32>
    %add3A_323 = arith.addf %add3A_319, %min3A_322 : vector<512x128xf32>
    %slice3A_324 = vector.extract_strided_slice %slice3A_229 {offsets = [24, 0], sizes = [1, 128], strides = [1, 1]} : vector<64x128xf32> to vector<1x128xf32>
    %min3A_325 = vector.broadcast %slice3A_324 : vector<1x128xf32> to vector<512x128xf32>
    %min3A_326 = arith.minimumf %broadcast_in_dim3A_111, %min3A_325 : vector<512x128xf32>
    %add3A_327 = arith.addf %add3A_323, %min3A_326 : vector<512x128xf32>
    %slice3A_328 = vector.extract_strided_slice %slice3A_229 {offsets = [25, 0], sizes = [1, 128], strides = [1, 1]} : vector<64x128xf32> to vector<1x128xf32>
    %min3A_329 = vector.broadcast %slice3A_328 : vector<1x128xf32> to vector<512x128xf32>
    %min3A_330 = arith.minimumf %broadcast_in_dim3A_114, %min3A_329 : vector<512x128xf32>
    %add3A_331 = arith.addf %add3A_327, %min3A_330 : vector<512x128xf32>
    %slice3A_332 = vector.extract_strided_slice %slice3A_229 {offsets = [26, 0], sizes = [1, 128], strides = [1, 1]} : vector<64x128xf32> to vector<1x128xf32>
    %min3A_333 = vector.broadcast %slice3A_332 : vector<1x128xf32> to vector<512x128xf32>
    %min3A_334 = arith.minimumf %broadcast_in_dim3A_117, %min3A_333 : vector<512x128xf32>
    %add3A_335 = arith.addf %add3A_331, %min3A_334 : vector<512x128xf32>
    %slice3A_336 = vector.extract_strided_slice %slice3A_229 {offsets = [27, 0], sizes = [1, 128], strides = [1, 1]} : vector<64x128xf32> to vector<1x128xf32>
    %min3A_337 = vector.broadcast %slice3A_336 : vector<1x128xf32> to vector<512x128xf32>
    %min3A_338 = arith.minimumf %broadcast_in_dim3A_120, %min3A_337 : vector<512x128xf32>
    %add3A_339 = arith.addf %add3A_335, %min3A_338 : vector<512x128xf32>
    %slice3A_340 = vector.extract_strided_slice %slice3A_229 {offsets = [28, 0], sizes = [1, 128], strides = [1, 1]} : vector<64x128xf32> to vector<1x128xf32>
    %min3A_341 = vector.broadcast %slice3A_340 : vector<1x128xf32> to vector<512x128xf32>
    %min3A_342 = arith.minimumf %broadcast_in_dim3A_123, %min3A_341 : vector<512x128xf32>
    %add3A_343 = arith.addf %add3A_339, %min3A_342 : vector<512x128xf32>
    %slice3A_344 = vector.extract_strided_slice %slice3A_229 {offsets = [29, 0], sizes = [1, 128], strides = [1, 1]} : vector<64x128xf32> to vector<1x128xf32>
    %min3A_345 = vector.broadcast %slice3A_344 : vector<1x128xf32> to vector<512x128xf32>
    %min3A_346 = arith.minimumf %broadcast_in_dim3A_126, %min3A_345 : vector<512x128xf32>
    %add3A_347 = arith.addf %add3A_343, %min3A_346 : vector<512x128xf32>
    %slice3A_348 = vector.extract_strided_slice %slice3A_229 {offsets = [30, 0], sizes = [1, 128], strides = [1, 1]} : vector<64x128xf32> to vector<1x128xf32>
    %min3A_349 = vector.broadcast %slice3A_348 : vector<1x128xf32> to vector<512x128xf32>
    %min3A_350 = arith.minimumf %broadcast_in_dim3A_129, %min3A_349 : vector<512x128xf32>
    %add3A_351 = arith.addf %add3A_347, %min3A_350 : vector<512x128xf32>
    %slice3A_352 = vector.extract_strided_slice %slice3A_229 {offsets = [31, 0], sizes = [1, 128], strides = [1, 1]} : vector<64x128xf32> to vector<1x128xf32>
    %min3A_353 = vector.broadcast %slice3A_352 : vector<1x128xf32> to vector<512x128xf32>
    %min3A_354 = arith.minimumf %broadcast_in_dim3A_132, %min3A_353 : vector<512x128xf32>
    %add3A_355 = arith.addf %add3A_351, %min3A_354 : vector<512x128xf32>
    %slice3A_356 = vector.extract_strided_slice %slice3A_229 {offsets = [32, 0], sizes = [1, 128], strides = [1, 1]} : vector<64x128xf32> to vector<1x128xf32>
    %min3A_357 = vector.broadcast %slice3A_356 : vector<1x128xf32> to vector<512x128xf32>
    %min3A_358 = arith.minimumf %broadcast_in_dim3A_135, %min3A_357 : vector<512x128xf32>
    %add3A_359 = arith.addf %add3A_355, %min3A_358 : vector<512x128xf32>
    %slice3A_360 = vector.extract_strided_slice %slice3A_229 {offsets = [33, 0], sizes = [1, 128], strides = [1, 1]} : vector<64x128xf32> to vector<1x128xf32>
    %min3A_361 = vector.broadcast %slice3A_360 : vector<1x128xf32> to vector<512x128xf32>
    %min3A_362 = arith.minimumf %broadcast_in_dim3A_138, %min3A_361 : vector<512x128xf32>
    %add3A_363 = arith.addf %add3A_359, %min3A_362 : vector<512x128xf32>
    %slice3A_364 = vector.extract_strided_slice %slice3A_229 {offsets = [34, 0], sizes = [1, 128], strides = [1, 1]} : vector<64x128xf32> to vector<1x128xf32>
    %min3A_365 = vector.broadcast %slice3A_364 : vector<1x128xf32> to vector<512x128xf32>
    %min3A_366 = arith.minimumf %broadcast_in_dim3A_141, %min3A_365 : vector<512x128xf32>
    %add3A_367 = arith.addf %add3A_363, %min3A_366 : vector<512x128xf32>
    %slice3A_368 = vector.extract_strided_slice %slice3A_229 {offsets = [35, 0], sizes = [1, 128], strides = [1, 1]} : vector<64x128xf32> to vector<1x128xf32>
    %min3A_369 = vector.broadcast %slice3A_368 : vector<1x128xf32> to vector<512x128xf32>
    %min3A_370 = arith.minimumf %broadcast_in_dim3A_144, %min3A_369 : vector<512x128xf32>
    %add3A_371 = arith.addf %add3A_367, %min3A_370 : vector<512x128xf32>
    %slice3A_372 = vector.extract_strided_slice %slice3A_229 {offsets = [36, 0], sizes = [1, 128], strides = [1, 1]} : vector<64x128xf32> to vector<1x128xf32>
    %min3A_373 = vector.broadcast %slice3A_372 : vector<1x128xf32> to vector<512x128xf32>
    %min3A_374 = arith.minimumf %broadcast_in_dim3A_147, %min3A_373 : vector<512x128xf32>
    %add3A_375 = arith.addf %add3A_371, %min3A_374 : vector<512x128xf32>
    %slice3A_376 = vector.extract_strided_slice %slice3A_229 {offsets = [37, 0], sizes = [1, 128], strides = [1, 1]} : vector<64x128xf32> to vector<1x128xf32>
    %min3A_377 = vector.broadcast %slice3A_376 : vector<1x128xf32> to vector<512x128xf32>
    %min3A_378 = arith.minimumf %broadcast_in_dim3A_150, %min3A_377 : vector<512x128xf32>
    %add3A_379 = arith.addf %add3A_375, %min3A_378 : vector<512x128xf32>
    %slice3A_380 = vector.extract_strided_slice %slice3A_229 {offsets = [38, 0], sizes = [1, 128], strides = [1, 1]} : vector<64x128xf32> to vector<1x128xf32>
    %min3A_381 = vector.broadcast %slice3A_380 : vector<1x128xf32> to vector<512x128xf32>
    %min3A_382 = arith.minimumf %broadcast_in_dim3A_153, %min3A_381 : vector<512x128xf32>
    %add3A_383 = arith.addf %add3A_379, %min3A_382 : vector<512x128xf32>
    %slice3A_384 = vector.extract_strided_slice %slice3A_229 {offsets = [39, 0], sizes = [1, 128], strides = [1, 1]} : vector<64x128xf32> to vector<1x128xf32>
    %min3A_385 = vector.broadcast %slice3A_384 : vector<1x128xf32> to vector<512x128xf32>
    %min3A_386 = arith.minimumf %broadcast_in_dim3A_156, %min3A_385 : vector<512x128xf32>
    %add3A_387 = arith.addf %add3A_383, %min3A_386 : vector<512x128xf32>
    %slice3A_388 = vector.extract_strided_slice %slice3A_229 {offsets = [40, 0], sizes = [1, 128], strides = [1, 1]} : vector<64x128xf32> to vector<1x128xf32>
    %min3A_389 = vector.broadcast %slice3A_388 : vector<1x128xf32> to vector<512x128xf32>
    %min3A_390 = arith.minimumf %broadcast_in_dim3A_159, %min3A_389 : vector<512x128xf32>
    %add3A_391 = arith.addf %add3A_387, %min3A_390 : vector<512x128xf32>
    %slice3A_392 = vector.extract_strided_slice %slice3A_229 {offsets = [41, 0], sizes = [1, 128], strides = [1, 1]} : vector<64x128xf32> to vector<1x128xf32>
    %min3A_393 = vector.broadcast %slice3A_392 : vector<1x128xf32> to vector<512x128xf32>
    %min3A_394 = arith.minimumf %broadcast_in_dim3A_162, %min3A_393 : vector<512x128xf32>
    %add3A_395 = arith.addf %add3A_391, %min3A_394 : vector<512x128xf32>
    %slice3A_396 = vector.extract_strided_slice %slice3A_229 {offsets = [42, 0], sizes = [1, 128], strides = [1, 1]} : vector<64x128xf32> to vector<1x128xf32>
    %min3A_397 = vector.broadcast %slice3A_396 : vector<1x128xf32> to vector<512x128xf32>
    %min3A_398 = arith.minimumf %broadcast_in_dim3A_165, %min3A_397 : vector<512x128xf32>
    %add3A_399 = arith.addf %add3A_395, %min3A_398 : vector<512x128xf32>
    %slice3A_400 = vector.extract_strided_slice %slice3A_229 {offsets = [43, 0], sizes = [1, 128], strides = [1, 1]} : vector<64x128xf32> to vector<1x128xf32>
    %min3A_401 = vector.broadcast %slice3A_400 : vector<1x128xf32> to vector<512x128xf32>
    %min3A_402 = arith.minimumf %broadcast_in_dim3A_168, %min3A_401 : vector<512x128xf32>
    %add3A_403 = arith.addf %add3A_399, %min3A_402 : vector<512x128xf32>
    %slice3A_404 = vector.extract_strided_slice %slice3A_229 {offsets = [44, 0], sizes = [1, 128], strides = [1, 1]} : vector<64x128xf32> to vector<1x128xf32>
    %min3A_405 = vector.broadcast %slice3A_404 : vector<1x128xf32> to vector<512x128xf32>
    %min3A_406 = arith.minimumf %broadcast_in_dim3A_171, %min3A_405 : vector<512x128xf32>
    %add3A_407 = arith.addf %add3A_403, %min3A_406 : vector<512x128xf32>
    %slice3A_408 = vector.extract_strided_slice %slice3A_229 {offsets = [45, 0], sizes = [1, 128], strides = [1, 1]} : vector<64x128xf32> to vector<1x128xf32>
    %min3A_409 = vector.broadcast %slice3A_408 : vector<1x128xf32> to vector<512x128xf32>
    %min3A_410 = arith.minimumf %broadcast_in_dim3A_174, %min3A_409 : vector<512x128xf32>
    %add3A_411 = arith.addf %add3A_407, %min3A_410 : vector<512x128xf32>
    %slice3A_412 = vector.extract_strided_slice %slice3A_229 {offsets = [46, 0], sizes = [1, 128], strides = [1, 1]} : vector<64x128xf32> to vector<1x128xf32>
    %min3A_413 = vector.broadcast %slice3A_412 : vector<1x128xf32> to vector<512x128xf32>
    %min3A_414 = arith.minimumf %broadcast_in_dim3A_177, %min3A_413 : vector<512x128xf32>
    %add3A_415 = arith.addf %add3A_411, %min3A_414 : vector<512x128xf32>
    %slice3A_416 = vector.extract_strided_slice %slice3A_229 {offsets = [47, 0], sizes = [1, 128], strides = [1, 1]} : vector<64x128xf32> to vector<1x128xf32>
    %min3A_417 = vector.broadcast %slice3A_416 : vector<1x128xf32> to vector<512x128xf32>
    %min3A_418 = arith.minimumf %broadcast_in_dim3A_180, %min3A_417 : vector<512x128xf32>
    %add3A_419 = arith.addf %add3A_415, %min3A_418 : vector<512x128xf32>
    %slice3A_420 = vector.extract_strided_slice %slice3A_229 {offsets = [48, 0], sizes = [1, 128], strides = [1, 1]} : vector<64x128xf32> to vector<1x128xf32>
    %min3A_421 = vector.broadcast %slice3A_420 : vector<1x128xf32> to vector<512x128xf32>
    %min3A_422 = arith.minimumf %broadcast_in_dim3A_183, %min3A_421 : vector<512x128xf32>
    %add3A_423 = arith.addf %add3A_419, %min3A_422 : vector<512x128xf32>
    %slice3A_424 = vector.extract_strided_slice %slice3A_229 {offsets = [49, 0], sizes = [1, 128], strides = [1, 1]} : vector<64x128xf32> to vector<1x128xf32>
    %min3A_425 = vector.broadcast %slice3A_424 : vector<1x128xf32> to vector<512x128xf32>
    %min3A_426 = arith.minimumf %broadcast_in_dim3A_186, %min3A_425 : vector<512x128xf32>
    %add3A_427 = arith.addf %add3A_423, %min3A_426 : vector<512x128xf32>
    %slice3A_428 = vector.extract_strided_slice %slice3A_229 {offsets = [50, 0], sizes = [1, 128], strides = [1, 1]} : vector<64x128xf32> to vector<1x128xf32>
    %min3A_429 = vector.broadcast %slice3A_428 : vector<1x128xf32> to vector<512x128xf32>
    %min3A_430 = arith.minimumf %broadcast_in_dim3A_189, %min3A_429 : vector<512x128xf32>
    %add3A_431 = arith.addf %add3A_427, %min3A_430 : vector<512x128xf32>
    %slice3A_432 = vector.extract_strided_slice %slice3A_229 {offsets = [51, 0], sizes = [1, 128], strides = [1, 1]} : vector<64x128xf32> to vector<1x128xf32>
    %min3A_433 = vector.broadcast %slice3A_432 : vector<1x128xf32> to vector<512x128xf32>
    %min3A_434 = arith.minimumf %broadcast_in_dim3A_192, %min3A_433 : vector<512x128xf32>
    %add3A_435 = arith.addf %add3A_431, %min3A_434 : vector<512x128xf32>
    %slice3A_436 = vector.extract_strided_slice %slice3A_229 {offsets = [52, 0], sizes = [1, 128], strides = [1, 1]} : vector<64x128xf32> to vector<1x128xf32>
    %min3A_437 = vector.broadcast %slice3A_436 : vector<1x128xf32> to vector<512x128xf32>
    %min3A_438 = arith.minimumf %broadcast_in_dim3A_195, %min3A_437 : vector<512x128xf32>
    %add3A_439 = arith.addf %add3A_435, %min3A_438 : vector<512x128xf32>
    %slice3A_440 = vector.extract_strided_slice %slice3A_229 {offsets = [53, 0], sizes = [1, 128], strides = [1, 1]} : vector<64x128xf32> to vector<1x128xf32>
    %min3A_441 = vector.broadcast %slice3A_440 : vector<1x128xf32> to vector<512x128xf32>
    %min3A_442 = arith.minimumf %broadcast_in_dim3A_198, %min3A_441 : vector<512x128xf32>
    %add3A_443 = arith.addf %add3A_439, %min3A_442 : vector<512x128xf32>
    %slice3A_444 = vector.extract_strided_slice %slice3A_229 {offsets = [54, 0], sizes = [1, 128], strides = [1, 1]} : vector<64x128xf32> to vector<1x128xf32>
    %min3A_445 = vector.broadcast %slice3A_444 : vector<1x128xf32> to vector<512x128xf32>
    %min3A_446 = arith.minimumf %broadcast_in_dim3A_201, %min3A_445 : vector<512x128xf32>
    %add3A_447 = arith.addf %add3A_443, %min3A_446 : vector<512x128xf32>
    %slice3A_448 = vector.extract_strided_slice %slice3A_229 {offsets = [55, 0], sizes = [1, 128], strides = [1, 1]} : vector<64x128xf32> to vector<1x128xf32>
    %min3A_449 = vector.broadcast %slice3A_448 : vector<1x128xf32> to vector<512x128xf32>
    %min3A_450 = arith.minimumf %broadcast_in_dim3A_204, %min3A_449 : vector<512x128xf32>
    %add3A_451 = arith.addf %add3A_447, %min3A_450 : vector<512x128xf32>
    %slice3A_452 = vector.extract_strided_slice %slice3A_229 {offsets = [56, 0], sizes = [1, 128], strides = [1, 1]} : vector<64x128xf32> to vector<1x128xf32>
    %min3A_453 = vector.broadcast %slice3A_452 : vector<1x128xf32> to vector<512x128xf32>
    %min3A_454 = arith.minimumf %broadcast_in_dim3A_207, %min3A_453 : vector<512x128xf32>
    %add3A_455 = arith.addf %add3A_451, %min3A_454 : vector<512x128xf32>
    %slice3A_456 = vector.extract_strided_slice %slice3A_229 {offsets = [57, 0], sizes = [1, 128], strides = [1, 1]} : vector<64x128xf32> to vector<1x128xf32>
    %min3A_457 = vector.broadcast %slice3A_456 : vector<1x128xf32> to vector<512x128xf32>
    %min3A_458 = arith.minimumf %broadcast_in_dim3A_210, %min3A_457 : vector<512x128xf32>
    %add3A_459 = arith.addf %add3A_455, %min3A_458 : vector<512x128xf32>
    %slice3A_460 = vector.extract_strided_slice %slice3A_229 {offsets = [58, 0], sizes = [1, 128], strides = [1, 1]} : vector<64x128xf32> to vector<1x128xf32>
    %min3A_461 = vector.broadcast %slice3A_460 : vector<1x128xf32> to vector<512x128xf32>
    %min3A_462 = arith.minimumf %broadcast_in_dim3A_213, %min3A_461 : vector<512x128xf32>
    %add3A_463 = arith.addf %add3A_459, %min3A_462 : vector<512x128xf32>
    %slice3A_464 = vector.extract_strided_slice %slice3A_229 {offsets = [59, 0], sizes = [1, 128], strides = [1, 1]} : vector<64x128xf32> to vector<1x128xf32>
    %min3A_465 = vector.broadcast %slice3A_464 : vector<1x128xf32> to vector<512x128xf32>
    %min3A_466 = arith.minimumf %broadcast_in_dim3A_216, %min3A_465 : vector<512x128xf32>
    %add3A_467 = arith.addf %add3A_463, %min3A_466 : vector<512x128xf32>
    %slice3A_468 = vector.extract_strided_slice %slice3A_229 {offsets = [60, 0], sizes = [1, 128], strides = [1, 1]} : vector<64x128xf32> to vector<1x128xf32>
    %min3A_469 = vector.broadcast %slice3A_468 : vector<1x128xf32> to vector<512x128xf32>
    %min3A_470 = arith.minimumf %broadcast_in_dim3A_219, %min3A_469 : vector<512x128xf32>
    %add3A_471 = arith.addf %add3A_467, %min3A_470 : vector<512x128xf32>
    %slice3A_472 = vector.extract_strided_slice %slice3A_229 {offsets = [61, 0], sizes = [1, 128], strides = [1, 1]} : vector<64x128xf32> to vector<1x128xf32>
    %min3A_473 = vector.broadcast %slice3A_472 : vector<1x128xf32> to vector<512x128xf32>
    %min3A_474 = arith.minimumf %broadcast_in_dim3A_222, %min3A_473 : vector<512x128xf32>
    %add3A_475 = arith.addf %add3A_471, %min3A_474 : vector<512x128xf32>
    %slice3A_476 = vector.extract_strided_slice %slice3A_229 {offsets = [62, 0], sizes = [1, 128], strides = [1, 1]} : vector<64x128xf32> to vector<1x128xf32>
    %min3A_477 = vector.broadcast %slice3A_476 : vector<1x128xf32> to vector<512x128xf32>
    %min3A_478 = arith.minimumf %broadcast_in_dim3A_225, %min3A_477 : vector<512x128xf32>
    %add3A_479 = arith.addf %add3A_475, %min3A_478 : vector<512x128xf32>
    %slice3A_480 = vector.extract_strided_slice %slice3A_229 {offsets = [63, 0], sizes = [1, 128], strides = [1, 1]} : vector<64x128xf32> to vector<1x128xf32>
    %min3A_481 = vector.broadcast %slice3A_480 : vector<1x128xf32> to vector<512x128xf32>
    %min3A_482 = arith.minimumf %broadcast_in_dim3A_228, %min3A_481 : vector<512x128xf32>
    %add3A_483 = arith.addf %add3A_479, %min3A_482 : vector<512x128xf32>
    %slice3A_484 = vector.extract_strided_slice %select_n3A {offsets = [0, 0], sizes = [1, 128], strides = [1, 1]} : vector<1x1024xf32> to vector<1x128xf32>
    %add3A_485 = arith.addf %add3A_483, %add3A_483 : vector<512x128xf32>
    %sub3A = vector.broadcast %slice3A_484 : vector<1x128xf32> to vector<512x128xf32>
    %sub3A_486 = arith.subf %sub3A, %add3A_485 : vector<512x128xf32>
    %slice3A_487 = vector.extract_strided_slice %div3A_31 {offsets = [0, 128], sizes = [64, 128], strides = [1, 1]} : vector<64x1024xf32> to vector<64x128xf32>
    %slice3A_488 = vector.extract_strided_slice %slice3A_487 {offsets = [0, 0], sizes = [1, 128], strides = [1, 1]} : vector<64x128xf32> to vector<1x128xf32>
    %min3A_489 = vector.broadcast %slice3A_488 : vector<1x128xf32> to vector<512x128xf32>
    %min3A_490 = arith.minimumf %broadcast_in_dim3A_39, %min3A_489 : vector<512x128xf32>
    %slice3A_491 = vector.extract_strided_slice %slice3A_487 {offsets = [1, 0], sizes = [1, 128], strides = [1, 1]} : vector<64x128xf32> to vector<1x128xf32>
    %min3A_492 = vector.broadcast %slice3A_491 : vector<1x128xf32> to vector<512x128xf32>
    %min3A_493 = arith.minimumf %broadcast_in_dim3A_42, %min3A_492 : vector<512x128xf32>
    %add3A_494 = arith.addf %min3A_490, %min3A_493 : vector<512x128xf32>
    %slice3A_495 = vector.extract_strided_slice %slice3A_487 {offsets = [2, 0], sizes = [1, 128], strides = [1, 1]} : vector<64x128xf32> to vector<1x128xf32>
    %min3A_496 = vector.broadcast %slice3A_495 : vector<1x128xf32> to vector<512x128xf32>
    %min3A_497 = arith.minimumf %broadcast_in_dim3A_45, %min3A_496 : vector<512x128xf32>
    %add3A_498 = arith.addf %add3A_494, %min3A_497 : vector<512x128xf32>
    %slice3A_499 = vector.extract_strided_slice %slice3A_487 {offsets = [3, 0], sizes = [1, 128], strides = [1, 1]} : vector<64x128xf32> to vector<1x128xf32>
    %min3A_500 = vector.broadcast %slice3A_499 : vector<1x128xf32> to vector<512x128xf32>
    %min3A_501 = arith.minimumf %broadcast_in_dim3A_48, %min3A_500 : vector<512x128xf32>
    %add3A_502 = arith.addf %add3A_498, %min3A_501 : vector<512x128xf32>
    %slice3A_503 = vector.extract_strided_slice %slice3A_487 {offsets = [4, 0], sizes = [1, 128], strides = [1, 1]} : vector<64x128xf32> to vector<1x128xf32>
    %min3A_504 = vector.broadcast %slice3A_503 : vector<1x128xf32> to vector<512x128xf32>
    %min3A_505 = arith.minimumf %broadcast_in_dim3A_51, %min3A_504 : vector<512x128xf32>
    %add3A_506 = arith.addf %add3A_502, %min3A_505 : vector<512x128xf32>
    %slice3A_507 = vector.extract_strided_slice %slice3A_487 {offsets = [5, 0], sizes = [1, 128], strides = [1, 1]} : vector<64x128xf32> to vector<1x128xf32>
    %min3A_508 = vector.broadcast %slice3A_507 : vector<1x128xf32> to vector<512x128xf32>
    %min3A_509 = arith.minimumf %broadcast_in_dim3A_54, %min3A_508 : vector<512x128xf32>
    %add3A_510 = arith.addf %add3A_506, %min3A_509 : vector<512x128xf32>
    %slice3A_511 = vector.extract_strided_slice %slice3A_487 {offsets = [6, 0], sizes = [1, 128], strides = [1, 1]} : vector<64x128xf32> to vector<1x128xf32>
    %min3A_512 = vector.broadcast %slice3A_511 : vector<1x128xf32> to vector<512x128xf32>
    %min3A_513 = arith.minimumf %broadcast_in_dim3A_57, %min3A_512 : vector<512x128xf32>
    %add3A_514 = arith.addf %add3A_510, %min3A_513 : vector<512x128xf32>
    %slice3A_515 = vector.extract_strided_slice %slice3A_487 {offsets = [7, 0], sizes = [1, 128], strides = [1, 1]} : vector<64x128xf32> to vector<1x128xf32>
    %min3A_516 = vector.broadcast %slice3A_515 : vector<1x128xf32> to vector<512x128xf32>
    %min3A_517 = arith.minimumf %broadcast_in_dim3A_60, %min3A_516 : vector<512x128xf32>
    %add3A_518 = arith.addf %add3A_514, %min3A_517 : vector<512x128xf32>
    %slice3A_519 = vector.extract_strided_slice %slice3A_487 {offsets = [8, 0], sizes = [1, 128], strides = [1, 1]} : vector<64x128xf32> to vector<1x128xf32>
    %min3A_520 = vector.broadcast %slice3A_519 : vector<1x128xf32> to vector<512x128xf32>
    %min3A_521 = arith.minimumf %broadcast_in_dim3A_63, %min3A_520 : vector<512x128xf32>
    %add3A_522 = arith.addf %add3A_518, %min3A_521 : vector<512x128xf32>
    %slice3A_523 = vector.extract_strided_slice %slice3A_487 {offsets = [9, 0], sizes = [1, 128], strides = [1, 1]} : vector<64x128xf32> to vector<1x128xf32>
    %min3A_524 = vector.broadcast %slice3A_523 : vector<1x128xf32> to vector<512x128xf32>
    %min3A_525 = arith.minimumf %broadcast_in_dim3A_66, %min3A_524 : vector<512x128xf32>
    %add3A_526 = arith.addf %add3A_522, %min3A_525 : vector<512x128xf32>
    %slice3A_527 = vector.extract_strided_slice %slice3A_487 {offsets = [10, 0], sizes = [1, 128], strides = [1, 1]} : vector<64x128xf32> to vector<1x128xf32>
    %min3A_528 = vector.broadcast %slice3A_527 : vector<1x128xf32> to vector<512x128xf32>
    %min3A_529 = arith.minimumf %broadcast_in_dim3A_69, %min3A_528 : vector<512x128xf32>
    %add3A_530 = arith.addf %add3A_526, %min3A_529 : vector<512x128xf32>
    %slice3A_531 = vector.extract_strided_slice %slice3A_487 {offsets = [11, 0], sizes = [1, 128], strides = [1, 1]} : vector<64x128xf32> to vector<1x128xf32>
    %min3A_532 = vector.broadcast %slice3A_531 : vector<1x128xf32> to vector<512x128xf32>
    %min3A_533 = arith.minimumf %broadcast_in_dim3A_72, %min3A_532 : vector<512x128xf32>
    %add3A_534 = arith.addf %add3A_530, %min3A_533 : vector<512x128xf32>
    %slice3A_535 = vector.extract_strided_slice %slice3A_487 {offsets = [12, 0], sizes = [1, 128], strides = [1, 1]} : vector<64x128xf32> to vector<1x128xf32>
    %min3A_536 = vector.broadcast %slice3A_535 : vector<1x128xf32> to vector<512x128xf32>
    %min3A_537 = arith.minimumf %broadcast_in_dim3A_75, %min3A_536 : vector<512x128xf32>
    %add3A_538 = arith.addf %add3A_534, %min3A_537 : vector<512x128xf32>
    %slice3A_539 = vector.extract_strided_slice %slice3A_487 {offsets = [13, 0], sizes = [1, 128], strides = [1, 1]} : vector<64x128xf32> to vector<1x128xf32>
    %min3A_540 = vector.broadcast %slice3A_539 : vector<1x128xf32> to vector<512x128xf32>
    %min3A_541 = arith.minimumf %broadcast_in_dim3A_78, %min3A_540 : vector<512x128xf32>
    %add3A_542 = arith.addf %add3A_538, %min3A_541 : vector<512x128xf32>
    %slice3A_543 = vector.extract_strided_slice %slice3A_487 {offsets = [14, 0], sizes = [1, 128], strides = [1, 1]} : vector<64x128xf32> to vector<1x128xf32>
    %min3A_544 = vector.broadcast %slice3A_543 : vector<1x128xf32> to vector<512x128xf32>
    %min3A_545 = arith.minimumf %broadcast_in_dim3A_81, %min3A_544 : vector<512x128xf32>
    %add3A_546 = arith.addf %add3A_542, %min3A_545 : vector<512x128xf32>
    %slice3A_547 = vector.extract_strided_slice %slice3A_487 {offsets = [15, 0], sizes = [1, 128], strides = [1, 1]} : vector<64x128xf32> to vector<1x128xf32>
    %min3A_548 = vector.broadcast %slice3A_547 : vector<1x128xf32> to vector<512x128xf32>
    %min3A_549 = arith.minimumf %broadcast_in_dim3A_84, %min3A_548 : vector<512x128xf32>
    %add3A_550 = arith.addf %add3A_546, %min3A_549 : vector<512x128xf32>
    %slice3A_551 = vector.extract_strided_slice %slice3A_487 {offsets = [16, 0], sizes = [1, 128], strides = [1, 1]} : vector<64x128xf32> to vector<1x128xf32>
    %min3A_552 = vector.broadcast %slice3A_551 : vector<1x128xf32> to vector<512x128xf32>
    %min3A_553 = arith.minimumf %broadcast_in_dim3A_87, %min3A_552 : vector<512x128xf32>
    %add3A_554 = arith.addf %add3A_550, %min3A_553 : vector<512x128xf32>
    %slice3A_555 = vector.extract_strided_slice %slice3A_487 {offsets = [17, 0], sizes = [1, 128], strides = [1, 1]} : vector<64x128xf32> to vector<1x128xf32>
    %min3A_556 = vector.broadcast %slice3A_555 : vector<1x128xf32> to vector<512x128xf32>
    %min3A_557 = arith.minimumf %broadcast_in_dim3A_90, %min3A_556 : vector<512x128xf32>
    %add3A_558 = arith.addf %add3A_554, %min3A_557 : vector<512x128xf32>
    %slice3A_559 = vector.extract_strided_slice %slice3A_487 {offsets = [18, 0], sizes = [1, 128], strides = [1, 1]} : vector<64x128xf32> to vector<1x128xf32>
    %min3A_560 = vector.broadcast %slice3A_559 : vector<1x128xf32> to vector<512x128xf32>
    %min3A_561 = arith.minimumf %broadcast_in_dim3A_93, %min3A_560 : vector<512x128xf32>
    %add3A_562 = arith.addf %add3A_558, %min3A_561 : vector<512x128xf32>
    %slice3A_563 = vector.extract_strided_slice %slice3A_487 {offsets = [19, 0], sizes = [1, 128], strides = [1, 1]} : vector<64x128xf32> to vector<1x128xf32>
    %min3A_564 = vector.broadcast %slice3A_563 : vector<1x128xf32> to vector<512x128xf32>
    %min3A_565 = arith.minimumf %broadcast_in_dim3A_96, %min3A_564 : vector<512x128xf32>
    %add3A_566 = arith.addf %add3A_562, %min3A_565 : vector<512x128xf32>
    %slice3A_567 = vector.extract_strided_slice %slice3A_487 {offsets = [20, 0], sizes = [1, 128], strides = [1, 1]} : vector<64x128xf32> to vector<1x128xf32>
    %min3A_568 = vector.broadcast %slice3A_567 : vector<1x128xf32> to vector<512x128xf32>
    %min3A_569 = arith.minimumf %broadcast_in_dim3A_99, %min3A_568 : vector<512x128xf32>
    %add3A_570 = arith.addf %add3A_566, %min3A_569 : vector<512x128xf32>
    %slice3A_571 = vector.extract_strided_slice %slice3A_487 {offsets = [21, 0], sizes = [1, 128], strides = [1, 1]} : vector<64x128xf32> to vector<1x128xf32>
    %min3A_572 = vector.broadcast %slice3A_571 : vector<1x128xf32> to vector<512x128xf32>
    %min3A_573 = arith.minimumf %broadcast_in_dim3A_102, %min3A_572 : vector<512x128xf32>
    %add3A_574 = arith.addf %add3A_570, %min3A_573 : vector<512x128xf32>
    %slice3A_575 = vector.extract_strided_slice %slice3A_487 {offsets = [22, 0], sizes = [1, 128], strides = [1, 1]} : vector<64x128xf32> to vector<1x128xf32>
    %min3A_576 = vector.broadcast %slice3A_575 : vector<1x128xf32> to vector<512x128xf32>
    %min3A_577 = arith.minimumf %broadcast_in_dim3A_105, %min3A_576 : vector<512x128xf32>
    %add3A_578 = arith.addf %add3A_574, %min3A_577 : vector<512x128xf32>
    %slice3A_579 = vector.extract_strided_slice %slice3A_487 {offsets = [23, 0], sizes = [1, 128], strides = [1, 1]} : vector<64x128xf32> to vector<1x128xf32>
    %min3A_580 = vector.broadcast %slice3A_579 : vector<1x128xf32> to vector<512x128xf32>
    %min3A_581 = arith.minimumf %broadcast_in_dim3A_108, %min3A_580 : vector<512x128xf32>
    %add3A_582 = arith.addf %add3A_578, %min3A_581 : vector<512x128xf32>
    %slice3A_583 = vector.extract_strided_slice %slice3A_487 {offsets = [24, 0], sizes = [1, 128], strides = [1, 1]} : vector<64x128xf32> to vector<1x128xf32>
    %min3A_584 = vector.broadcast %slice3A_583 : vector<1x128xf32> to vector<512x128xf32>
    %min3A_585 = arith.minimumf %broadcast_in_dim3A_111, %min3A_584 : vector<512x128xf32>
    %add3A_586 = arith.addf %add3A_582, %min3A_585 : vector<512x128xf32>
    %slice3A_587 = vector.extract_strided_slice %slice3A_487 {offsets = [25, 0], sizes = [1, 128], strides = [1, 1]} : vector<64x128xf32> to vector<1x128xf32>
    %min3A_588 = vector.broadcast %slice3A_587 : vector<1x128xf32> to vector<512x128xf32>
    %min3A_589 = arith.minimumf %broadcast_in_dim3A_114, %min3A_588 : vector<512x128xf32>
    %add3A_590 = arith.addf %add3A_586, %min3A_589 : vector<512x128xf32>
    %slice3A_591 = vector.extract_strided_slice %slice3A_487 {offsets = [26, 0], sizes = [1, 128], strides = [1, 1]} : vector<64x128xf32> to vector<1x128xf32>
    %min3A_592 = vector.broadcast %slice3A_591 : vector<1x128xf32> to vector<512x128xf32>
    %min3A_593 = arith.minimumf %broadcast_in_dim3A_117, %min3A_592 : vector<512x128xf32>
    %add3A_594 = arith.addf %add3A_590, %min3A_593 : vector<512x128xf32>
    %slice3A_595 = vector.extract_strided_slice %slice3A_487 {offsets = [27, 0], sizes = [1, 128], strides = [1, 1]} : vector<64x128xf32> to vector<1x128xf32>
    %min3A_596 = vector.broadcast %slice3A_595 : vector<1x128xf32> to vector<512x128xf32>
    %min3A_597 = arith.minimumf %broadcast_in_dim3A_120, %min3A_596 : vector<512x128xf32>
    %add3A_598 = arith.addf %add3A_594, %min3A_597 : vector<512x128xf32>
    %slice3A_599 = vector.extract_strided_slice %slice3A_487 {offsets = [28, 0], sizes = [1, 128], strides = [1, 1]} : vector<64x128xf32> to vector<1x128xf32>
    %min3A_600 = vector.broadcast %slice3A_599 : vector<1x128xf32> to vector<512x128xf32>
    %min3A_601 = arith.minimumf %broadcast_in_dim3A_123, %min3A_600 : vector<512x128xf32>
    %add3A_602 = arith.addf %add3A_598, %min3A_601 : vector<512x128xf32>
    %slice3A_603 = vector.extract_strided_slice %slice3A_487 {offsets = [29, 0], sizes = [1, 128], strides = [1, 1]} : vector<64x128xf32> to vector<1x128xf32>
    %min3A_604 = vector.broadcast %slice3A_603 : vector<1x128xf32> to vector<512x128xf32>
    %min3A_605 = arith.minimumf %broadcast_in_dim3A_126, %min3A_604 : vector<512x128xf32>
    %add3A_606 = arith.addf %add3A_602, %min3A_605 : vector<512x128xf32>
    %slice3A_607 = vector.extract_strided_slice %slice3A_487 {offsets = [30, 0], sizes = [1, 128], strides = [1, 1]} : vector<64x128xf32> to vector<1x128xf32>
    %min3A_608 = vector.broadcast %slice3A_607 : vector<1x128xf32> to vector<512x128xf32>
    %min3A_609 = arith.minimumf %broadcast_in_dim3A_129, %min3A_608 : vector<512x128xf32>
    %add3A_610 = arith.addf %add3A_606, %min3A_609 : vector<512x128xf32>
    %slice3A_611 = vector.extract_strided_slice %slice3A_487 {offsets = [31, 0], sizes = [1, 128], strides = [1, 1]} : vector<64x128xf32> to vector<1x128xf32>
    %min3A_612 = vector.broadcast %slice3A_611 : vector<1x128xf32> to vector<512x128xf32>
    %min3A_613 = arith.minimumf %broadcast_in_dim3A_132, %min3A_612 : vector<512x128xf32>
    %add3A_614 = arith.addf %add3A_610, %min3A_613 : vector<512x128xf32>
    %slice3A_615 = vector.extract_strided_slice %slice3A_487 {offsets = [32, 0], sizes = [1, 128], strides = [1, 1]} : vector<64x128xf32> to vector<1x128xf32>
    %min3A_616 = vector.broadcast %slice3A_615 : vector<1x128xf32> to vector<512x128xf32>
    %min3A_617 = arith.minimumf %broadcast_in_dim3A_135, %min3A_616 : vector<512x128xf32>
    %add3A_618 = arith.addf %add3A_614, %min3A_617 : vector<512x128xf32>
    %slice3A_619 = vector.extract_strided_slice %slice3A_487 {offsets = [33, 0], sizes = [1, 128], strides = [1, 1]} : vector<64x128xf32> to vector<1x128xf32>
    %min3A_620 = vector.broadcast %slice3A_619 : vector<1x128xf32> to vector<512x128xf32>
    %min3A_621 = arith.minimumf %broadcast_in_dim3A_138, %min3A_620 : vector<512x128xf32>
    %add3A_622 = arith.addf %add3A_618, %min3A_621 : vector<512x128xf32>
    %slice3A_623 = vector.extract_strided_slice %slice3A_487 {offsets = [34, 0], sizes = [1, 128], strides = [1, 1]} : vector<64x128xf32> to vector<1x128xf32>
    %min3A_624 = vector.broadcast %slice3A_623 : vector<1x128xf32> to vector<512x128xf32>
    %min3A_625 = arith.minimumf %broadcast_in_dim3A_141, %min3A_624 : vector<512x128xf32>
    %add3A_626 = arith.addf %add3A_622, %min3A_625 : vector<512x128xf32>
    %slice3A_627 = vector.extract_strided_slice %slice3A_487 {offsets = [35, 0], sizes = [1, 128], strides = [1, 1]} : vector<64x128xf32> to vector<1x128xf32>
    %min3A_628 = vector.broadcast %slice3A_627 : vector<1x128xf32> to vector<512x128xf32>
    %min3A_629 = arith.minimumf %broadcast_in_dim3A_144, %min3A_628 : vector<512x128xf32>
    %add3A_630 = arith.addf %add3A_626, %min3A_629 : vector<512x128xf32>
    %slice3A_631 = vector.extract_strided_slice %slice3A_487 {offsets = [36, 0], sizes = [1, 128], strides = [1, 1]} : vector<64x128xf32> to vector<1x128xf32>
    %min3A_632 = vector.broadcast %slice3A_631 : vector<1x128xf32> to vector<512x128xf32>
    %min3A_633 = arith.minimumf %broadcast_in_dim3A_147, %min3A_632 : vector<512x128xf32>
    %add3A_634 = arith.addf %add3A_630, %min3A_633 : vector<512x128xf32>
    %slice3A_635 = vector.extract_strided_slice %slice3A_487 {offsets = [37, 0], sizes = [1, 128], strides = [1, 1]} : vector<64x128xf32> to vector<1x128xf32>
    %min3A_636 = vector.broadcast %slice3A_635 : vector<1x128xf32> to vector<512x128xf32>
    %min3A_637 = arith.minimumf %broadcast_in_dim3A_150, %min3A_636 : vector<512x128xf32>
    %add3A_638 = arith.addf %add3A_634, %min3A_637 : vector<512x128xf32>
    %slice3A_639 = vector.extract_strided_slice %slice3A_487 {offsets = [38, 0], sizes = [1, 128], strides = [1, 1]} : vector<64x128xf32> to vector<1x128xf32>
    %min3A_640 = vector.broadcast %slice3A_639 : vector<1x128xf32> to vector<512x128xf32>
    %min3A_641 = arith.minimumf %broadcast_in_dim3A_153, %min3A_640 : vector<512x128xf32>
    %add3A_642 = arith.addf %add3A_638, %min3A_641 : vector<512x128xf32>
    %slice3A_643 = vector.extract_strided_slice %slice3A_487 {offsets = [39, 0], sizes = [1, 128], strides = [1, 1]} : vector<64x128xf32> to vector<1x128xf32>
    %min3A_644 = vector.broadcast %slice3A_643 : vector<1x128xf32> to vector<512x128xf32>
    %min3A_645 = arith.minimumf %broadcast_in_dim3A_156, %min3A_644 : vector<512x128xf32>
    %add3A_646 = arith.addf %add3A_642, %min3A_645 : vector<512x128xf32>
    %slice3A_647 = vector.extract_strided_slice %slice3A_487 {offsets = [40, 0], sizes = [1, 128], strides = [1, 1]} : vector<64x128xf32> to vector<1x128xf32>
    %min3A_648 = vector.broadcast %slice3A_647 : vector<1x128xf32> to vector<512x128xf32>
    %min3A_649 = arith.minimumf %broadcast_in_dim3A_159, %min3A_648 : vector<512x128xf32>
    %add3A_650 = arith.addf %add3A_646, %min3A_649 : vector<512x128xf32>
    %slice3A_651 = vector.extract_strided_slice %slice3A_487 {offsets = [41, 0], sizes = [1, 128], strides = [1, 1]} : vector<64x128xf32> to vector<1x128xf32>
    %min3A_652 = vector.broadcast %slice3A_651 : vector<1x128xf32> to vector<512x128xf32>
    %min3A_653 = arith.minimumf %broadcast_in_dim3A_162, %min3A_652 : vector<512x128xf32>
    %add3A_654 = arith.addf %add3A_650, %min3A_653 : vector<512x128xf32>
    %slice3A_655 = vector.extract_strided_slice %slice3A_487 {offsets = [42, 0], sizes = [1, 128], strides = [1, 1]} : vector<64x128xf32> to vector<1x128xf32>
    %min3A_656 = vector.broadcast %slice3A_655 : vector<1x128xf32> to vector<512x128xf32>
    %min3A_657 = arith.minimumf %broadcast_in_dim3A_165, %min3A_656 : vector<512x128xf32>
    %add3A_658 = arith.addf %add3A_654, %min3A_657 : vector<512x128xf32>
    %slice3A_659 = vector.extract_strided_slice %slice3A_487 {offsets = [43, 0], sizes = [1, 128], strides = [1, 1]} : vector<64x128xf32> to vector<1x128xf32>
    %min3A_660 = vector.broadcast %slice3A_659 : vector<1x128xf32> to vector<512x128xf32>
    %min3A_661 = arith.minimumf %broadcast_in_dim3A_168, %min3A_660 : vector<512x128xf32>
    %add3A_662 = arith.addf %add3A_658, %min3A_661 : vector<512x128xf32>
    %slice3A_663 = vector.extract_strided_slice %slice3A_487 {offsets = [44, 0], sizes = [1, 128], strides = [1, 1]} : vector<64x128xf32> to vector<1x128xf32>
    %min3A_664 = vector.broadcast %slice3A_663 : vector<1x128xf32> to vector<512x128xf32>
    %min3A_665 = arith.minimumf %broadcast_in_dim3A_171, %min3A_664 : vector<512x128xf32>
    %add3A_666 = arith.addf %add3A_662, %min3A_665 : vector<512x128xf32>
    %slice3A_667 = vector.extract_strided_slice %slice3A_487 {offsets = [45, 0], sizes = [1, 128], strides = [1, 1]} : vector<64x128xf32> to vector<1x128xf32>
    %min3A_668 = vector.broadcast %slice3A_667 : vector<1x128xf32> to vector<512x128xf32>
    %min3A_669 = arith.minimumf %broadcast_in_dim3A_174, %min3A_668 : vector<512x128xf32>
    %add3A_670 = arith.addf %add3A_666, %min3A_669 : vector<512x128xf32>
    %slice3A_671 = vector.extract_strided_slice %slice3A_487 {offsets = [46, 0], sizes = [1, 128], strides = [1, 1]} : vector<64x128xf32> to vector<1x128xf32>
    %min3A_672 = vector.broadcast %slice3A_671 : vector<1x128xf32> to vector<512x128xf32>
    %min3A_673 = arith.minimumf %broadcast_in_dim3A_177, %min3A_672 : vector<512x128xf32>
    %add3A_674 = arith.addf %add3A_670, %min3A_673 : vector<512x128xf32>
    %slice3A_675 = vector.extract_strided_slice %slice3A_487 {offsets = [47, 0], sizes = [1, 128], strides = [1, 1]} : vector<64x128xf32> to vector<1x128xf32>
    %min3A_676 = vector.broadcast %slice3A_675 : vector<1x128xf32> to vector<512x128xf32>
    %min3A_677 = arith.minimumf %broadcast_in_dim3A_180, %min3A_676 : vector<512x128xf32>
    %add3A_678 = arith.addf %add3A_674, %min3A_677 : vector<512x128xf32>
    %slice3A_679 = vector.extract_strided_slice %slice3A_487 {offsets = [48, 0], sizes = [1, 128], strides = [1, 1]} : vector<64x128xf32> to vector<1x128xf32>
    %min3A_680 = vector.broadcast %slice3A_679 : vector<1x128xf32> to vector<512x128xf32>
    %min3A_681 = arith.minimumf %broadcast_in_dim3A_183, %min3A_680 : vector<512x128xf32>
    %add3A_682 = arith.addf %add3A_678, %min3A_681 : vector<512x128xf32>
    %slice3A_683 = vector.extract_strided_slice %slice3A_487 {offsets = [49, 0], sizes = [1, 128], strides = [1, 1]} : vector<64x128xf32> to vector<1x128xf32>
    %min3A_684 = vector.broadcast %slice3A_683 : vector<1x128xf32> to vector<512x128xf32>
    %min3A_685 = arith.minimumf %broadcast_in_dim3A_186, %min3A_684 : vector<512x128xf32>
    %add3A_686 = arith.addf %add3A_682, %min3A_685 : vector<512x128xf32>
    %slice3A_687 = vector.extract_strided_slice %slice3A_487 {offsets = [50, 0], sizes = [1, 128], strides = [1, 1]} : vector<64x128xf32> to vector<1x128xf32>
    %min3A_688 = vector.broadcast %slice3A_687 : vector<1x128xf32> to vector<512x128xf32>
    %min3A_689 = arith.minimumf %broadcast_in_dim3A_189, %min3A_688 : vector<512x128xf32>
    %add3A_690 = arith.addf %add3A_686, %min3A_689 : vector<512x128xf32>
    %slice3A_691 = vector.extract_strided_slice %slice3A_487 {offsets = [51, 0], sizes = [1, 128], strides = [1, 1]} : vector<64x128xf32> to vector<1x128xf32>
    %min3A_692 = vector.broadcast %slice3A_691 : vector<1x128xf32> to vector<512x128xf32>
    %min3A_693 = arith.minimumf %broadcast_in_dim3A_192, %min3A_692 : vector<512x128xf32>
    %add3A_694 = arith.addf %add3A_690, %min3A_693 : vector<512x128xf32>
    %slice3A_695 = vector.extract_strided_slice %slice3A_487 {offsets = [52, 0], sizes = [1, 128], strides = [1, 1]} : vector<64x128xf32> to vector<1x128xf32>
    %min3A_696 = vector.broadcast %slice3A_695 : vector<1x128xf32> to vector<512x128xf32>
    %min3A_697 = arith.minimumf %broadcast_in_dim3A_195, %min3A_696 : vector<512x128xf32>
    %add3A_698 = arith.addf %add3A_694, %min3A_697 : vector<512x128xf32>
    %slice3A_699 = vector.extract_strided_slice %slice3A_487 {offsets = [53, 0], sizes = [1, 128], strides = [1, 1]} : vector<64x128xf32> to vector<1x128xf32>
    %min3A_700 = vector.broadcast %slice3A_699 : vector<1x128xf32> to vector<512x128xf32>
    %min3A_701 = arith.minimumf %broadcast_in_dim3A_198, %min3A_700 : vector<512x128xf32>
    %add3A_702 = arith.addf %add3A_698, %min3A_701 : vector<512x128xf32>
    %slice3A_703 = vector.extract_strided_slice %slice3A_487 {offsets = [54, 0], sizes = [1, 128], strides = [1, 1]} : vector<64x128xf32> to vector<1x128xf32>
    %min3A_704 = vector.broadcast %slice3A_703 : vector<1x128xf32> to vector<512x128xf32>
    %min3A_705 = arith.minimumf %broadcast_in_dim3A_201, %min3A_704 : vector<512x128xf32>
    %add3A_706 = arith.addf %add3A_702, %min3A_705 : vector<512x128xf32>
    %slice3A_707 = vector.extract_strided_slice %slice3A_487 {offsets = [55, 0], sizes = [1, 128], strides = [1, 1]} : vector<64x128xf32> to vector<1x128xf32>
    %min3A_708 = vector.broadcast %slice3A_707 : vector<1x128xf32> to vector<512x128xf32>
    %min3A_709 = arith.minimumf %broadcast_in_dim3A_204, %min3A_708 : vector<512x128xf32>
    %add3A_710 = arith.addf %add3A_706, %min3A_709 : vector<512x128xf32>
    %slice3A_711 = vector.extract_strided_slice %slice3A_487 {offsets = [56, 0], sizes = [1, 128], strides = [1, 1]} : vector<64x128xf32> to vector<1x128xf32>
    %min3A_712 = vector.broadcast %slice3A_711 : vector<1x128xf32> to vector<512x128xf32>
    %min3A_713 = arith.minimumf %broadcast_in_dim3A_207, %min3A_712 : vector<512x128xf32>
    %add3A_714 = arith.addf %add3A_710, %min3A_713 : vector<512x128xf32>
    %slice3A_715 = vector.extract_strided_slice %slice3A_487 {offsets = [57, 0], sizes = [1, 128], strides = [1, 1]} : vector<64x128xf32> to vector<1x128xf32>
    %min3A_716 = vector.broadcast %slice3A_715 : vector<1x128xf32> to vector<512x128xf32>
    %min3A_717 = arith.minimumf %broadcast_in_dim3A_210, %min3A_716 : vector<512x128xf32>
    %add3A_718 = arith.addf %add3A_714, %min3A_717 : vector<512x128xf32>
    %slice3A_719 = vector.extract_strided_slice %slice3A_487 {offsets = [58, 0], sizes = [1, 128], strides = [1, 1]} : vector<64x128xf32> to vector<1x128xf32>
    %min3A_720 = vector.broadcast %slice3A_719 : vector<1x128xf32> to vector<512x128xf32>
    %min3A_721 = arith.minimumf %broadcast_in_dim3A_213, %min3A_720 : vector<512x128xf32>
    %add3A_722 = arith.addf %add3A_718, %min3A_721 : vector<512x128xf32>
    %slice3A_723 = vector.extract_strided_slice %slice3A_487 {offsets = [59, 0], sizes = [1, 128], strides = [1, 1]} : vector<64x128xf32> to vector<1x128xf32>
    %min3A_724 = vector.broadcast %slice3A_723 : vector<1x128xf32> to vector<512x128xf32>
    %min3A_725 = arith.minimumf %broadcast_in_dim3A_216, %min3A_724 : vector<512x128xf32>
    %add3A_726 = arith.addf %add3A_722, %min3A_725 : vector<512x128xf32>
    %slice3A_727 = vector.extract_strided_slice %slice3A_487 {offsets = [60, 0], sizes = [1, 128], strides = [1, 1]} : vector<64x128xf32> to vector<1x128xf32>
    %min3A_728 = vector.broadcast %slice3A_727 : vector<1x128xf32> to vector<512x128xf32>
    %min3A_729 = arith.minimumf %broadcast_in_dim3A_219, %min3A_728 : vector<512x128xf32>
    %add3A_730 = arith.addf %add3A_726, %min3A_729 : vector<512x128xf32>
    %slice3A_731 = vector.extract_strided_slice %slice3A_487 {offsets = [61, 0], sizes = [1, 128], strides = [1, 1]} : vector<64x128xf32> to vector<1x128xf32>
    %min3A_732 = vector.broadcast %slice3A_731 : vector<1x128xf32> to vector<512x128xf32>
    %min3A_733 = arith.minimumf %broadcast_in_dim3A_222, %min3A_732 : vector<512x128xf32>
    %add3A_734 = arith.addf %add3A_730, %min3A_733 : vector<512x128xf32>
    %slice3A_735 = vector.extract_strided_slice %slice3A_487 {offsets = [62, 0], sizes = [1, 128], strides = [1, 1]} : vector<64x128xf32> to vector<1x128xf32>
    %min3A_736 = vector.broadcast %slice3A_735 : vector<1x128xf32> to vector<512x128xf32>
    %min3A_737 = arith.minimumf %broadcast_in_dim3A_225, %min3A_736 : vector<512x128xf32>
    %add3A_738 = arith.addf %add3A_734, %min3A_737 : vector<512x128xf32>
    %slice3A_739 = vector.extract_strided_slice %slice3A_487 {offsets = [63, 0], sizes = [1, 128], strides = [1, 1]} : vector<64x128xf32> to vector<1x128xf32>
    %min3A_740 = vector.broadcast %slice3A_739 : vector<1x128xf32> to vector<512x128xf32>
    %min3A_741 = arith.minimumf %broadcast_in_dim3A_228, %min3A_740 : vector<512x128xf32>
    %add3A_742 = arith.addf %add3A_738, %min3A_741 : vector<512x128xf32>
    %slice3A_743 = vector.extract_strided_slice %select_n3A {offsets = [0, 128], sizes = [1, 128], strides = [1, 1]} : vector<1x1024xf32> to vector<1x128xf32>
    %add3A_744 = arith.addf %add3A_742, %add3A_742 : vector<512x128xf32>
    %sub3A_745 = vector.broadcast %slice3A_743 : vector<1x128xf32> to vector<512x128xf32>
    %sub3A_746 = arith.subf %sub3A_745, %add3A_744 : vector<512x128xf32>
    %slice3A_747 = vector.extract_strided_slice %div3A_31 {offsets = [0, 256], sizes = [64, 128], strides = [1, 1]} : vector<64x1024xf32> to vector<64x128xf32>
    %slice3A_748 = vector.extract_strided_slice %slice3A_747 {offsets = [0, 0], sizes = [1, 128], strides = [1, 1]} : vector<64x128xf32> to vector<1x128xf32>
    %min3A_749 = vector.broadcast %slice3A_748 : vector<1x128xf32> to vector<512x128xf32>
    %min3A_750 = arith.minimumf %broadcast_in_dim3A_39, %min3A_749 : vector<512x128xf32>
    %slice3A_751 = vector.extract_strided_slice %slice3A_747 {offsets = [1, 0], sizes = [1, 128], strides = [1, 1]} : vector<64x128xf32> to vector<1x128xf32>
    %min3A_752 = vector.broadcast %slice3A_751 : vector<1x128xf32> to vector<512x128xf32>
    %min3A_753 = arith.minimumf %broadcast_in_dim3A_42, %min3A_752 : vector<512x128xf32>
    %add3A_754 = arith.addf %min3A_750, %min3A_753 : vector<512x128xf32>
    %slice3A_755 = vector.extract_strided_slice %slice3A_747 {offsets = [2, 0], sizes = [1, 128], strides = [1, 1]} : vector<64x128xf32> to vector<1x128xf32>
    %min3A_756 = vector.broadcast %slice3A_755 : vector<1x128xf32> to vector<512x128xf32>
    %min3A_757 = arith.minimumf %broadcast_in_dim3A_45, %min3A_756 : vector<512x128xf32>
    %add3A_758 = arith.addf %add3A_754, %min3A_757 : vector<512x128xf32>
    %slice3A_759 = vector.extract_strided_slice %slice3A_747 {offsets = [3, 0], sizes = [1, 128], strides = [1, 1]} : vector<64x128xf32> to vector<1x128xf32>
    %min3A_760 = vector.broadcast %slice3A_759 : vector<1x128xf32> to vector<512x128xf32>
    %min3A_761 = arith.minimumf %broadcast_in_dim3A_48, %min3A_760 : vector<512x128xf32>
    %add3A_762 = arith.addf %add3A_758, %min3A_761 : vector<512x128xf32>
    %slice3A_763 = vector.extract_strided_slice %slice3A_747 {offsets = [4, 0], sizes = [1, 128], strides = [1, 1]} : vector<64x128xf32> to vector<1x128xf32>
    %min3A_764 = vector.broadcast %slice3A_763 : vector<1x128xf32> to vector<512x128xf32>
    %min3A_765 = arith.minimumf %broadcast_in_dim3A_51, %min3A_764 : vector<512x128xf32>
    %add3A_766 = arith.addf %add3A_762, %min3A_765 : vector<512x128xf32>
    %slice3A_767 = vector.extract_strided_slice %slice3A_747 {offsets = [5, 0], sizes = [1, 128], strides = [1, 1]} : vector<64x128xf32> to vector<1x128xf32>
    %min3A_768 = vector.broadcast %slice3A_767 : vector<1x128xf32> to vector<512x128xf32>
    %min3A_769 = arith.minimumf %broadcast_in_dim3A_54, %min3A_768 : vector<512x128xf32>
    %add3A_770 = arith.addf %add3A_766, %min3A_769 : vector<512x128xf32>
    %slice3A_771 = vector.extract_strided_slice %slice3A_747 {offsets = [6, 0], sizes = [1, 128], strides = [1, 1]} : vector<64x128xf32> to vector<1x128xf32>
    %min3A_772 = vector.broadcast %slice3A_771 : vector<1x128xf32> to vector<512x128xf32>
    %min3A_773 = arith.minimumf %broadcast_in_dim3A_57, %min3A_772 : vector<512x128xf32>
    %add3A_774 = arith.addf %add3A_770, %min3A_773 : vector<512x128xf32>
    %slice3A_775 = vector.extract_strided_slice %slice3A_747 {offsets = [7, 0], sizes = [1, 128], strides = [1, 1]} : vector<64x128xf32> to vector<1x128xf32>
    %min3A_776 = vector.broadcast %slice3A_775 : vector<1x128xf32> to vector<512x128xf32>
    %min3A_777 = arith.minimumf %broadcast_in_dim3A_60, %min3A_776 : vector<512x128xf32>
    %add3A_778 = arith.addf %add3A_774, %min3A_777 : vector<512x128xf32>
    %slice3A_779 = vector.extract_strided_slice %slice3A_747 {offsets = [8, 0], sizes = [1, 128], strides = [1, 1]} : vector<64x128xf32> to vector<1x128xf32>
    %min3A_780 = vector.broadcast %slice3A_779 : vector<1x128xf32> to vector<512x128xf32>
    %min3A_781 = arith.minimumf %broadcast_in_dim3A_63, %min3A_780 : vector<512x128xf32>
    %add3A_782 = arith.addf %add3A_778, %min3A_781 : vector<512x128xf32>
    %slice3A_783 = vector.extract_strided_slice %slice3A_747 {offsets = [9, 0], sizes = [1, 128], strides = [1, 1]} : vector<64x128xf32> to vector<1x128xf32>
    %min3A_784 = vector.broadcast %slice3A_783 : vector<1x128xf32> to vector<512x128xf32>
    %min3A_785 = arith.minimumf %broadcast_in_dim3A_66, %min3A_784 : vector<512x128xf32>
    %add3A_786 = arith.addf %add3A_782, %min3A_785 : vector<512x128xf32>
    %slice3A_787 = vector.extract_strided_slice %slice3A_747 {offsets = [10, 0], sizes = [1, 128], strides = [1, 1]} : vector<64x128xf32> to vector<1x128xf32>
    %min3A_788 = vector.broadcast %slice3A_787 : vector<1x128xf32> to vector<512x128xf32>
    %min3A_789 = arith.minimumf %broadcast_in_dim3A_69, %min3A_788 : vector<512x128xf32>
    %add3A_790 = arith.addf %add3A_786, %min3A_789 : vector<512x128xf32>
    %slice3A_791 = vector.extract_strided_slice %slice3A_747 {offsets = [11, 0], sizes = [1, 128], strides = [1, 1]} : vector<64x128xf32> to vector<1x128xf32>
    %min3A_792 = vector.broadcast %slice3A_791 : vector<1x128xf32> to vector<512x128xf32>
    %min3A_793 = arith.minimumf %broadcast_in_dim3A_72, %min3A_792 : vector<512x128xf32>
    %add3A_794 = arith.addf %add3A_790, %min3A_793 : vector<512x128xf32>
    %slice3A_795 = vector.extract_strided_slice %slice3A_747 {offsets = [12, 0], sizes = [1, 128], strides = [1, 1]} : vector<64x128xf32> to vector<1x128xf32>
    %min3A_796 = vector.broadcast %slice3A_795 : vector<1x128xf32> to vector<512x128xf32>
    %min3A_797 = arith.minimumf %broadcast_in_dim3A_75, %min3A_796 : vector<512x128xf32>
    %add3A_798 = arith.addf %add3A_794, %min3A_797 : vector<512x128xf32>
    %slice3A_799 = vector.extract_strided_slice %slice3A_747 {offsets = [13, 0], sizes = [1, 128], strides = [1, 1]} : vector<64x128xf32> to vector<1x128xf32>
    %min3A_800 = vector.broadcast %slice3A_799 : vector<1x128xf32> to vector<512x128xf32>
    %min3A_801 = arith.minimumf %broadcast_in_dim3A_78, %min3A_800 : vector<512x128xf32>
    %add3A_802 = arith.addf %add3A_798, %min3A_801 : vector<512x128xf32>
    %slice3A_803 = vector.extract_strided_slice %slice3A_747 {offsets = [14, 0], sizes = [1, 128], strides = [1, 1]} : vector<64x128xf32> to vector<1x128xf32>
    %min3A_804 = vector.broadcast %slice3A_803 : vector<1x128xf32> to vector<512x128xf32>
    %min3A_805 = arith.minimumf %broadcast_in_dim3A_81, %min3A_804 : vector<512x128xf32>
    %add3A_806 = arith.addf %add3A_802, %min3A_805 : vector<512x128xf32>
    %slice3A_807 = vector.extract_strided_slice %slice3A_747 {offsets = [15, 0], sizes = [1, 128], strides = [1, 1]} : vector<64x128xf32> to vector<1x128xf32>
    %min3A_808 = vector.broadcast %slice3A_807 : vector<1x128xf32> to vector<512x128xf32>
    %min3A_809 = arith.minimumf %broadcast_in_dim3A_84, %min3A_808 : vector<512x128xf32>
    %add3A_810 = arith.addf %add3A_806, %min3A_809 : vector<512x128xf32>
    %slice3A_811 = vector.extract_strided_slice %slice3A_747 {offsets = [16, 0], sizes = [1, 128], strides = [1, 1]} : vector<64x128xf32> to vector<1x128xf32>
    %min3A_812 = vector.broadcast %slice3A_811 : vector<1x128xf32> to vector<512x128xf32>
    %min3A_813 = arith.minimumf %broadcast_in_dim3A_87, %min3A_812 : vector<512x128xf32>
    %add3A_814 = arith.addf %add3A_810, %min3A_813 : vector<512x128xf32>
    %slice3A_815 = vector.extract_strided_slice %slice3A_747 {offsets = [17, 0], sizes = [1, 128], strides = [1, 1]} : vector<64x128xf32> to vector<1x128xf32>
    %min3A_816 = vector.broadcast %slice3A_815 : vector<1x128xf32> to vector<512x128xf32>
    %min3A_817 = arith.minimumf %broadcast_in_dim3A_90, %min3A_816 : vector<512x128xf32>
    %add3A_818 = arith.addf %add3A_814, %min3A_817 : vector<512x128xf32>
    %slice3A_819 = vector.extract_strided_slice %slice3A_747 {offsets = [18, 0], sizes = [1, 128], strides = [1, 1]} : vector<64x128xf32> to vector<1x128xf32>
    %min3A_820 = vector.broadcast %slice3A_819 : vector<1x128xf32> to vector<512x128xf32>
    %min3A_821 = arith.minimumf %broadcast_in_dim3A_93, %min3A_820 : vector<512x128xf32>
    %add3A_822 = arith.addf %add3A_818, %min3A_821 : vector<512x128xf32>
    %slice3A_823 = vector.extract_strided_slice %slice3A_747 {offsets = [19, 0], sizes = [1, 128], strides = [1, 1]} : vector<64x128xf32> to vector<1x128xf32>
    %min3A_824 = vector.broadcast %slice3A_823 : vector<1x128xf32> to vector<512x128xf32>
    %min3A_825 = arith.minimumf %broadcast_in_dim3A_96, %min3A_824 : vector<512x128xf32>
    %add3A_826 = arith.addf %add3A_822, %min3A_825 : vector<512x128xf32>
    %slice3A_827 = vector.extract_strided_slice %slice3A_747 {offsets = [20, 0], sizes = [1, 128], strides = [1, 1]} : vector<64x128xf32> to vector<1x128xf32>
    %min3A_828 = vector.broadcast %slice3A_827 : vector<1x128xf32> to vector<512x128xf32>
    %min3A_829 = arith.minimumf %broadcast_in_dim3A_99, %min3A_828 : vector<512x128xf32>
    %add3A_830 = arith.addf %add3A_826, %min3A_829 : vector<512x128xf32>
    %slice3A_831 = vector.extract_strided_slice %slice3A_747 {offsets = [21, 0], sizes = [1, 128], strides = [1, 1]} : vector<64x128xf32> to vector<1x128xf32>
    %min3A_832 = vector.broadcast %slice3A_831 : vector<1x128xf32> to vector<512x128xf32>
    %min3A_833 = arith.minimumf %broadcast_in_dim3A_102, %min3A_832 : vector<512x128xf32>
    %add3A_834 = arith.addf %add3A_830, %min3A_833 : vector<512x128xf32>
    %slice3A_835 = vector.extract_strided_slice %slice3A_747 {offsets = [22, 0], sizes = [1, 128], strides = [1, 1]} : vector<64x128xf32> to vector<1x128xf32>
    %min3A_836 = vector.broadcast %slice3A_835 : vector<1x128xf32> to vector<512x128xf32>
    %min3A_837 = arith.minimumf %broadcast_in_dim3A_105, %min3A_836 : vector<512x128xf32>
    %add3A_838 = arith.addf %add3A_834, %min3A_837 : vector<512x128xf32>
    %slice3A_839 = vector.extract_strided_slice %slice3A_747 {offsets = [23, 0], sizes = [1, 128], strides = [1, 1]} : vector<64x128xf32> to vector<1x128xf32>
    %min3A_840 = vector.broadcast %slice3A_839 : vector<1x128xf32> to vector<512x128xf32>
    %min3A_841 = arith.minimumf %broadcast_in_dim3A_108, %min3A_840 : vector<512x128xf32>
    %add3A_842 = arith.addf %add3A_838, %min3A_841 : vector<512x128xf32>
    %slice3A_843 = vector.extract_strided_slice %slice3A_747 {offsets = [24, 0], sizes = [1, 128], strides = [1, 1]} : vector<64x128xf32> to vector<1x128xf32>
    %min3A_844 = vector.broadcast %slice3A_843 : vector<1x128xf32> to vector<512x128xf32>
    %min3A_845 = arith.minimumf %broadcast_in_dim3A_111, %min3A_844 : vector<512x128xf32>
    %add3A_846 = arith.addf %add3A_842, %min3A_845 : vector<512x128xf32>
    %slice3A_847 = vector.extract_strided_slice %slice3A_747 {offsets = [25, 0], sizes = [1, 128], strides = [1, 1]} : vector<64x128xf32> to vector<1x128xf32>
    %min3A_848 = vector.broadcast %slice3A_847 : vector<1x128xf32> to vector<512x128xf32>
    %min3A_849 = arith.minimumf %broadcast_in_dim3A_114, %min3A_848 : vector<512x128xf32>
    %add3A_850 = arith.addf %add3A_846, %min3A_849 : vector<512x128xf32>
    %slice3A_851 = vector.extract_strided_slice %slice3A_747 {offsets = [26, 0], sizes = [1, 128], strides = [1, 1]} : vector<64x128xf32> to vector<1x128xf32>
    %min3A_852 = vector.broadcast %slice3A_851 : vector<1x128xf32> to vector<512x128xf32>
    %min3A_853 = arith.minimumf %broadcast_in_dim3A_117, %min3A_852 : vector<512x128xf32>
    %add3A_854 = arith.addf %add3A_850, %min3A_853 : vector<512x128xf32>
    %slice3A_855 = vector.extract_strided_slice %slice3A_747 {offsets = [27, 0], sizes = [1, 128], strides = [1, 1]} : vector<64x128xf32> to vector<1x128xf32>
    %min3A_856 = vector.broadcast %slice3A_855 : vector<1x128xf32> to vector<512x128xf32>
    %min3A_857 = arith.minimumf %broadcast_in_dim3A_120, %min3A_856 : vector<512x128xf32>
    %add3A_858 = arith.addf %add3A_854, %min3A_857 : vector<512x128xf32>
    %slice3A_859 = vector.extract_strided_slice %slice3A_747 {offsets = [28, 0], sizes = [1, 128], strides = [1, 1]} : vector<64x128xf32> to vector<1x128xf32>
    %min3A_860 = vector.broadcast %slice3A_859 : vector<1x128xf32> to vector<512x128xf32>
    %min3A_861 = arith.minimumf %broadcast_in_dim3A_123, %min3A_860 : vector<512x128xf32>
    %add3A_862 = arith.addf %add3A_858, %min3A_861 : vector<512x128xf32>
    %slice3A_863 = vector.extract_strided_slice %slice3A_747 {offsets = [29, 0], sizes = [1, 128], strides = [1, 1]} : vector<64x128xf32> to vector<1x128xf32>
    %min3A_864 = vector.broadcast %slice3A_863 : vector<1x128xf32> to vector<512x128xf32>
    %min3A_865 = arith.minimumf %broadcast_in_dim3A_126, %min3A_864 : vector<512x128xf32>
    %add3A_866 = arith.addf %add3A_862, %min3A_865 : vector<512x128xf32>
    %slice3A_867 = vector.extract_strided_slice %slice3A_747 {offsets = [30, 0], sizes = [1, 128], strides = [1, 1]} : vector<64x128xf32> to vector<1x128xf32>
    %min3A_868 = vector.broadcast %slice3A_867 : vector<1x128xf32> to vector<512x128xf32>
    %min3A_869 = arith.minimumf %broadcast_in_dim3A_129, %min3A_868 : vector<512x128xf32>
    %add3A_870 = arith.addf %add3A_866, %min3A_869 : vector<512x128xf32>
    %slice3A_871 = vector.extract_strided_slice %slice3A_747 {offsets = [31, 0], sizes = [1, 128], strides = [1, 1]} : vector<64x128xf32> to vector<1x128xf32>
    %min3A_872 = vector.broadcast %slice3A_871 : vector<1x128xf32> to vector<512x128xf32>
    %min3A_873 = arith.minimumf %broadcast_in_dim3A_132, %min3A_872 : vector<512x128xf32>
    %add3A_874 = arith.addf %add3A_870, %min3A_873 : vector<512x128xf32>
    %slice3A_875 = vector.extract_strided_slice %slice3A_747 {offsets = [32, 0], sizes = [1, 128], strides = [1, 1]} : vector<64x128xf32> to vector<1x128xf32>
    %min3A_876 = vector.broadcast %slice3A_875 : vector<1x128xf32> to vector<512x128xf32>
    %min3A_877 = arith.minimumf %broadcast_in_dim3A_135, %min3A_876 : vector<512x128xf32>
    %add3A_878 = arith.addf %add3A_874, %min3A_877 : vector<512x128xf32>
    %slice3A_879 = vector.extract_strided_slice %slice3A_747 {offsets = [33, 0], sizes = [1, 128], strides = [1, 1]} : vector<64x128xf32> to vector<1x128xf32>
    %min3A_880 = vector.broadcast %slice3A_879 : vector<1x128xf32> to vector<512x128xf32>
    %min3A_881 = arith.minimumf %broadcast_in_dim3A_138, %min3A_880 : vector<512x128xf32>
    %add3A_882 = arith.addf %add3A_878, %min3A_881 : vector<512x128xf32>
    %slice3A_883 = vector.extract_strided_slice %slice3A_747 {offsets = [34, 0], sizes = [1, 128], strides = [1, 1]} : vector<64x128xf32> to vector<1x128xf32>
    %min3A_884 = vector.broadcast %slice3A_883 : vector<1x128xf32> to vector<512x128xf32>
    %min3A_885 = arith.minimumf %broadcast_in_dim3A_141, %min3A_884 : vector<512x128xf32>
    %add3A_886 = arith.addf %add3A_882, %min3A_885 : vector<512x128xf32>
    %slice3A_887 = vector.extract_strided_slice %slice3A_747 {offsets = [35, 0], sizes = [1, 128], strides = [1, 1]} : vector<64x128xf32> to vector<1x128xf32>
    %min3A_888 = vector.broadcast %slice3A_887 : vector<1x128xf32> to vector<512x128xf32>
    %min3A_889 = arith.minimumf %broadcast_in_dim3A_144, %min3A_888 : vector<512x128xf32>
    %add3A_890 = arith.addf %add3A_886, %min3A_889 : vector<512x128xf32>
    %slice3A_891 = vector.extract_strided_slice %slice3A_747 {offsets = [36, 0], sizes = [1, 128], strides = [1, 1]} : vector<64x128xf32> to vector<1x128xf32>
    %min3A_892 = vector.broadcast %slice3A_891 : vector<1x128xf32> to vector<512x128xf32>
    %min3A_893 = arith.minimumf %broadcast_in_dim3A_147, %min3A_892 : vector<512x128xf32>
    %add3A_894 = arith.addf %add3A_890, %min3A_893 : vector<512x128xf32>
    %slice3A_895 = vector.extract_strided_slice %slice3A_747 {offsets = [37, 0], sizes = [1, 128], strides = [1, 1]} : vector<64x128xf32> to vector<1x128xf32>
    %min3A_896 = vector.broadcast %slice3A_895 : vector<1x128xf32> to vector<512x128xf32>
    %min3A_897 = arith.minimumf %broadcast_in_dim3A_150, %min3A_896 : vector<512x128xf32>
    %add3A_898 = arith.addf %add3A_894, %min3A_897 : vector<512x128xf32>
    %slice3A_899 = vector.extract_strided_slice %slice3A_747 {offsets = [38, 0], sizes = [1, 128], strides = [1, 1]} : vector<64x128xf32> to vector<1x128xf32>
    %min3A_900 = vector.broadcast %slice3A_899 : vector<1x128xf32> to vector<512x128xf32>
    %min3A_901 = arith.minimumf %broadcast_in_dim3A_153, %min3A_900 : vector<512x128xf32>
    %add3A_902 = arith.addf %add3A_898, %min3A_901 : vector<512x128xf32>
    %slice3A_903 = vector.extract_strided_slice %slice3A_747 {offsets = [39, 0], sizes = [1, 128], strides = [1, 1]} : vector<64x128xf32> to vector<1x128xf32>
    %min3A_904 = vector.broadcast %slice3A_903 : vector<1x128xf32> to vector<512x128xf32>
    %min3A_905 = arith.minimumf %broadcast_in_dim3A_156, %min3A_904 : vector<512x128xf32>
    %add3A_906 = arith.addf %add3A_902, %min3A_905 : vector<512x128xf32>
    %slice3A_907 = vector.extract_strided_slice %slice3A_747 {offsets = [40, 0], sizes = [1, 128], strides = [1, 1]} : vector<64x128xf32> to vector<1x128xf32>
    %min3A_908 = vector.broadcast %slice3A_907 : vector<1x128xf32> to vector<512x128xf32>
    %min3A_909 = arith.minimumf %broadcast_in_dim3A_159, %min3A_908 : vector<512x128xf32>
    %add3A_910 = arith.addf %add3A_906, %min3A_909 : vector<512x128xf32>
    %slice3A_911 = vector.extract_strided_slice %slice3A_747 {offsets = [41, 0], sizes = [1, 128], strides = [1, 1]} : vector<64x128xf32> to vector<1x128xf32>
    %min3A_912 = vector.broadcast %slice3A_911 : vector<1x128xf32> to vector<512x128xf32>
    %min3A_913 = arith.minimumf %broadcast_in_dim3A_162, %min3A_912 : vector<512x128xf32>
    %add3A_914 = arith.addf %add3A_910, %min3A_913 : vector<512x128xf32>
    %slice3A_915 = vector.extract_strided_slice %slice3A_747 {offsets = [42, 0], sizes = [1, 128], strides = [1, 1]} : vector<64x128xf32> to vector<1x128xf32>
    %min3A_916 = vector.broadcast %slice3A_915 : vector<1x128xf32> to vector<512x128xf32>
    %min3A_917 = arith.minimumf %broadcast_in_dim3A_165, %min3A_916 : vector<512x128xf32>
    %add3A_918 = arith.addf %add3A_914, %min3A_917 : vector<512x128xf32>
    %slice3A_919 = vector.extract_strided_slice %slice3A_747 {offsets = [43, 0], sizes = [1, 128], strides = [1, 1]} : vector<64x128xf32> to vector<1x128xf32>
    %min3A_920 = vector.broadcast %slice3A_919 : vector<1x128xf32> to vector<512x128xf32>
    %min3A_921 = arith.minimumf %broadcast_in_dim3A_168, %min3A_920 : vector<512x128xf32>
    %add3A_922 = arith.addf %add3A_918, %min3A_921 : vector<512x128xf32>
    %slice3A_923 = vector.extract_strided_slice %slice3A_747 {offsets = [44, 0], sizes = [1, 128], strides = [1, 1]} : vector<64x128xf32> to vector<1x128xf32>
    %min3A_924 = vector.broadcast %slice3A_923 : vector<1x128xf32> to vector<512x128xf32>
    %min3A_925 = arith.minimumf %broadcast_in_dim3A_171, %min3A_924 : vector<512x128xf32>
    %add3A_926 = arith.addf %add3A_922, %min3A_925 : vector<512x128xf32>
    %slice3A_927 = vector.extract_strided_slice %slice3A_747 {offsets = [45, 0], sizes = [1, 128], strides = [1, 1]} : vector<64x128xf32> to vector<1x128xf32>
    %min3A_928 = vector.broadcast %slice3A_927 : vector<1x128xf32> to vector<512x128xf32>
    %min3A_929 = arith.minimumf %broadcast_in_dim3A_174, %min3A_928 : vector<512x128xf32>
    %add3A_930 = arith.addf %add3A_926, %min3A_929 : vector<512x128xf32>
    %slice3A_931 = vector.extract_strided_slice %slice3A_747 {offsets = [46, 0], sizes = [1, 128], strides = [1, 1]} : vector<64x128xf32> to vector<1x128xf32>
    %min3A_932 = vector.broadcast %slice3A_931 : vector<1x128xf32> to vector<512x128xf32>
    %min3A_933 = arith.minimumf %broadcast_in_dim3A_177, %min3A_932 : vector<512x128xf32>
    %add3A_934 = arith.addf %add3A_930, %min3A_933 : vector<512x128xf32>
    %slice3A_935 = vector.extract_strided_slice %slice3A_747 {offsets = [47, 0], sizes = [1, 128], strides = [1, 1]} : vector<64x128xf32> to vector<1x128xf32>
    %min3A_936 = vector.broadcast %slice3A_935 : vector<1x128xf32> to vector<512x128xf32>
    %min3A_937 = arith.minimumf %broadcast_in_dim3A_180, %min3A_936 : vector<512x128xf32>
    %add3A_938 = arith.addf %add3A_934, %min3A_937 : vector<512x128xf32>
    %slice3A_939 = vector.extract_strided_slice %slice3A_747 {offsets = [48, 0], sizes = [1, 128], strides = [1, 1]} : vector<64x128xf32> to vector<1x128xf32>
    %min3A_940 = vector.broadcast %slice3A_939 : vector<1x128xf32> to vector<512x128xf32>
    %min3A_941 = arith.minimumf %broadcast_in_dim3A_183, %min3A_940 : vector<512x128xf32>
    %add3A_942 = arith.addf %add3A_938, %min3A_941 : vector<512x128xf32>
    %slice3A_943 = vector.extract_strided_slice %slice3A_747 {offsets = [49, 0], sizes = [1, 128], strides = [1, 1]} : vector<64x128xf32> to vector<1x128xf32>
    %min3A_944 = vector.broadcast %slice3A_943 : vector<1x128xf32> to vector<512x128xf32>
    %min3A_945 = arith.minimumf %broadcast_in_dim3A_186, %min3A_944 : vector<512x128xf32>
    %add3A_946 = arith.addf %add3A_942, %min3A_945 : vector<512x128xf32>
    %slice3A_947 = vector.extract_strided_slice %slice3A_747 {offsets = [50, 0], sizes = [1, 128], strides = [1, 1]} : vector<64x128xf32> to vector<1x128xf32>
    %min3A_948 = vector.broadcast %slice3A_947 : vector<1x128xf32> to vector<512x128xf32>
    %min3A_949 = arith.minimumf %broadcast_in_dim3A_189, %min3A_948 : vector<512x128xf32>
    %add3A_950 = arith.addf %add3A_946, %min3A_949 : vector<512x128xf32>
    %slice3A_951 = vector.extract_strided_slice %slice3A_747 {offsets = [51, 0], sizes = [1, 128], strides = [1, 1]} : vector<64x128xf32> to vector<1x128xf32>
    %min3A_952 = vector.broadcast %slice3A_951 : vector<1x128xf32> to vector<512x128xf32>
    %min3A_953 = arith.minimumf %broadcast_in_dim3A_192, %min3A_952 : vector<512x128xf32>
    %add3A_954 = arith.addf %add3A_950, %min3A_953 : vector<512x128xf32>
    %slice3A_955 = vector.extract_strided_slice %slice3A_747 {offsets = [52, 0], sizes = [1, 128], strides = [1, 1]} : vector<64x128xf32> to vector<1x128xf32>
    %min3A_956 = vector.broadcast %slice3A_955 : vector<1x128xf32> to vector<512x128xf32>
    %min3A_957 = arith.minimumf %broadcast_in_dim3A_195, %min3A_956 : vector<512x128xf32>
    %add3A_958 = arith.addf %add3A_954, %min3A_957 : vector<512x128xf32>
    %slice3A_959 = vector.extract_strided_slice %slice3A_747 {offsets = [53, 0], sizes = [1, 128], strides = [1, 1]} : vector<64x128xf32> to vector<1x128xf32>
    %min3A_960 = vector.broadcast %slice3A_959 : vector<1x128xf32> to vector<512x128xf32>
    %min3A_961 = arith.minimumf %broadcast_in_dim3A_198, %min3A_960 : vector<512x128xf32>
    %add3A_962 = arith.addf %add3A_958, %min3A_961 : vector<512x128xf32>
    %slice3A_963 = vector.extract_strided_slice %slice3A_747 {offsets = [54, 0], sizes = [1, 128], strides = [1, 1]} : vector<64x128xf32> to vector<1x128xf32>
    %min3A_964 = vector.broadcast %slice3A_963 : vector<1x128xf32> to vector<512x128xf32>
    %min3A_965 = arith.minimumf %broadcast_in_dim3A_201, %min3A_964 : vector<512x128xf32>
    %add3A_966 = arith.addf %add3A_962, %min3A_965 : vector<512x128xf32>
    %slice3A_967 = vector.extract_strided_slice %slice3A_747 {offsets = [55, 0], sizes = [1, 128], strides = [1, 1]} : vector<64x128xf32> to vector<1x128xf32>
    %min3A_968 = vector.broadcast %slice3A_967 : vector<1x128xf32> to vector<512x128xf32>
    %min3A_969 = arith.minimumf %broadcast_in_dim3A_204, %min3A_968 : vector<512x128xf32>
    %add3A_970 = arith.addf %add3A_966, %min3A_969 : vector<512x128xf32>
    %slice3A_971 = vector.extract_strided_slice %slice3A_747 {offsets = [56, 0], sizes = [1, 128], strides = [1, 1]} : vector<64x128xf32> to vector<1x128xf32>
    %min3A_972 = vector.broadcast %slice3A_971 : vector<1x128xf32> to vector<512x128xf32>
    %min3A_973 = arith.minimumf %broadcast_in_dim3A_207, %min3A_972 : vector<512x128xf32>
    %add3A_974 = arith.addf %add3A_970, %min3A_973 : vector<512x128xf32>
    %slice3A_975 = vector.extract_strided_slice %slice3A_747 {offsets = [57, 0], sizes = [1, 128], strides = [1, 1]} : vector<64x128xf32> to vector<1x128xf32>
    %min3A_976 = vector.broadcast %slice3A_975 : vector<1x128xf32> to vector<512x128xf32>
    %min3A_977 = arith.minimumf %broadcast_in_dim3A_210, %min3A_976 : vector<512x128xf32>
    %add3A_978 = arith.addf %add3A_974, %min3A_977 : vector<512x128xf32>
    %slice3A_979 = vector.extract_strided_slice %slice3A_747 {offsets = [58, 0], sizes = [1, 128], strides = [1, 1]} : vector<64x128xf32> to vector<1x128xf32>
    %min3A_980 = vector.broadcast %slice3A_979 : vector<1x128xf32> to vector<512x128xf32>
    %min3A_981 = arith.minimumf %broadcast_in_dim3A_213, %min3A_980 : vector<512x128xf32>
    %add3A_982 = arith.addf %add3A_978, %min3A_981 : vector<512x128xf32>
    %slice3A_983 = vector.extract_strided_slice %slice3A_747 {offsets = [59, 0], sizes = [1, 128], strides = [1, 1]} : vector<64x128xf32> to vector<1x128xf32>
    %min3A_984 = vector.broadcast %slice3A_983 : vector<1x128xf32> to vector<512x128xf32>
    %min3A_985 = arith.minimumf %broadcast_in_dim3A_216, %min3A_984 : vector<512x128xf32>
    %add3A_986 = arith.addf %add3A_982, %min3A_985 : vector<512x128xf32>
    %slice3A_987 = vector.extract_strided_slice %slice3A_747 {offsets = [60, 0], sizes = [1, 128], strides = [1, 1]} : vector<64x128xf32> to vector<1x128xf32>
    %min3A_988 = vector.broadcast %slice3A_987 : vector<1x128xf32> to vector<512x128xf32>
    %min3A_989 = arith.minimumf %broadcast_in_dim3A_219, %min3A_988 : vector<512x128xf32>
    %add3A_990 = arith.addf %add3A_986, %min3A_989 : vector<512x128xf32>
    %slice3A_991 = vector.extract_strided_slice %slice3A_747 {offsets = [61, 0], sizes = [1, 128], strides = [1, 1]} : vector<64x128xf32> to vector<1x128xf32>
    %min3A_992 = vector.broadcast %slice3A_991 : vector<1x128xf32> to vector<512x128xf32>
    %min3A_993 = arith.minimumf %broadcast_in_dim3A_222, %min3A_992 : vector<512x128xf32>
    %add3A_994 = arith.addf %add3A_990, %min3A_993 : vector<512x128xf32>
    %slice3A_995 = vector.extract_strided_slice %slice3A_747 {offsets = [62, 0], sizes = [1, 128], strides = [1, 1]} : vector<64x128xf32> to vector<1x128xf32>
    %min3A_996 = vector.broadcast %slice3A_995 : vector<1x128xf32> to vector<512x128xf32>
    %min3A_997 = arith.minimumf %broadcast_in_dim3A_225, %min3A_996 : vector<512x128xf32>
    %add3A_998 = arith.addf %add3A_994, %min3A_997 : vector<512x128xf32>
    %slice3A_999 = vector.extract_strided_slice %slice3A_747 {offsets = [63, 0], sizes = [1, 128], strides = [1, 1]} : vector<64x128xf32> to vector<1x128xf32>
    %min3A_1000 = vector.broadcast %slice3A_999 : vector<1x128xf32> to vector<512x128xf32>
    %min3A_1001 = arith.minimumf %broadcast_in_dim3A_228, %min3A_1000 : vector<512x128xf32>
    %add3A_1002 = arith.addf %add3A_998, %min3A_1001 : vector<512x128xf32>
    %slice3A_1003 = vector.extract_strided_slice %select_n3A {offsets = [0, 256], sizes = [1, 128], strides = [1, 1]} : vector<1x1024xf32> to vector<1x128xf32>
    %add3A_1004 = arith.addf %add3A_1002, %add3A_1002 : vector<512x128xf32>
    %sub3A_1005 = vector.broadcast %slice3A_1003 : vector<1x128xf32> to vector<512x128xf32>
    %sub3A_1006 = arith.subf %sub3A_1005, %add3A_1004 : vector<512x128xf32>
    %slice3A_1007 = vector.extract_strided_slice %div3A_31 {offsets = [0, 384], sizes = [64, 128], strides = [1, 1]} : vector<64x1024xf32> to vector<64x128xf32>
    %slice3A_1008 = vector.extract_strided_slice %slice3A_1007 {offsets = [0, 0], sizes = [1, 128], strides = [1, 1]} : vector<64x128xf32> to vector<1x128xf32>
    %min3A_1009 = vector.broadcast %slice3A_1008 : vector<1x128xf32> to vector<512x128xf32>
    %min3A_1010 = arith.minimumf %broadcast_in_dim3A_39, %min3A_1009 : vector<512x128xf32>
    %slice3A_1011 = vector.extract_strided_slice %slice3A_1007 {offsets = [1, 0], sizes = [1, 128], strides = [1, 1]} : vector<64x128xf32> to vector<1x128xf32>
    %min3A_1012 = vector.broadcast %slice3A_1011 : vector<1x128xf32> to vector<512x128xf32>
    %min3A_1013 = arith.minimumf %broadcast_in_dim3A_42, %min3A_1012 : vector<512x128xf32>
    %add3A_1014 = arith.addf %min3A_1010, %min3A_1013 : vector<512x128xf32>
    %slice3A_1015 = vector.extract_strided_slice %slice3A_1007 {offsets = [2, 0], sizes = [1, 128], strides = [1, 1]} : vector<64x128xf32> to vector<1x128xf32>
    %min3A_1016 = vector.broadcast %slice3A_1015 : vector<1x128xf32> to vector<512x128xf32>
    %min3A_1017 = arith.minimumf %broadcast_in_dim3A_45, %min3A_1016 : vector<512x128xf32>
    %add3A_1018 = arith.addf %add3A_1014, %min3A_1017 : vector<512x128xf32>
    %slice3A_1019 = vector.extract_strided_slice %slice3A_1007 {offsets = [3, 0], sizes = [1, 128], strides = [1, 1]} : vector<64x128xf32> to vector<1x128xf32>
    %min3A_1020 = vector.broadcast %slice3A_1019 : vector<1x128xf32> to vector<512x128xf32>
    %min3A_1021 = arith.minimumf %broadcast_in_dim3A_48, %min3A_1020 : vector<512x128xf32>
    %add3A_1022 = arith.addf %add3A_1018, %min3A_1021 : vector<512x128xf32>
    %slice3A_1023 = vector.extract_strided_slice %slice3A_1007 {offsets = [4, 0], sizes = [1, 128], strides = [1, 1]} : vector<64x128xf32> to vector<1x128xf32>
    %min3A_1024 = vector.broadcast %slice3A_1023 : vector<1x128xf32> to vector<512x128xf32>
    %min3A_1025 = arith.minimumf %broadcast_in_dim3A_51, %min3A_1024 : vector<512x128xf32>
    %add3A_1026 = arith.addf %add3A_1022, %min3A_1025 : vector<512x128xf32>
    %slice3A_1027 = vector.extract_strided_slice %slice3A_1007 {offsets = [5, 0], sizes = [1, 128], strides = [1, 1]} : vector<64x128xf32> to vector<1x128xf32>
    %min3A_1028 = vector.broadcast %slice3A_1027 : vector<1x128xf32> to vector<512x128xf32>
    %min3A_1029 = arith.minimumf %broadcast_in_dim3A_54, %min3A_1028 : vector<512x128xf32>
    %add3A_1030 = arith.addf %add3A_1026, %min3A_1029 : vector<512x128xf32>
    %slice3A_1031 = vector.extract_strided_slice %slice3A_1007 {offsets = [6, 0], sizes = [1, 128], strides = [1, 1]} : vector<64x128xf32> to vector<1x128xf32>
    %min3A_1032 = vector.broadcast %slice3A_1031 : vector<1x128xf32> to vector<512x128xf32>
    %min3A_1033 = arith.minimumf %broadcast_in_dim3A_57, %min3A_1032 : vector<512x128xf32>
    %add3A_1034 = arith.addf %add3A_1030, %min3A_1033 : vector<512x128xf32>
    %slice3A_1035 = vector.extract_strided_slice %slice3A_1007 {offsets = [7, 0], sizes = [1, 128], strides = [1, 1]} : vector<64x128xf32> to vector<1x128xf32>
    %min3A_1036 = vector.broadcast %slice3A_1035 : vector<1x128xf32> to vector<512x128xf32>
    %min3A_1037 = arith.minimumf %broadcast_in_dim3A_60, %min3A_1036 : vector<512x128xf32>
    %add3A_1038 = arith.addf %add3A_1034, %min3A_1037 : vector<512x128xf32>
    %slice3A_1039 = vector.extract_strided_slice %slice3A_1007 {offsets = [8, 0], sizes = [1, 128], strides = [1, 1]} : vector<64x128xf32> to vector<1x128xf32>
    %min3A_1040 = vector.broadcast %slice3A_1039 : vector<1x128xf32> to vector<512x128xf32>
    %min3A_1041 = arith.minimumf %broadcast_in_dim3A_63, %min3A_1040 : vector<512x128xf32>
    %add3A_1042 = arith.addf %add3A_1038, %min3A_1041 : vector<512x128xf32>
    %slice3A_1043 = vector.extract_strided_slice %slice3A_1007 {offsets = [9, 0], sizes = [1, 128], strides = [1, 1]} : vector<64x128xf32> to vector<1x128xf32>
    %min3A_1044 = vector.broadcast %slice3A_1043 : vector<1x128xf32> to vector<512x128xf32>
    %min3A_1045 = arith.minimumf %broadcast_in_dim3A_66, %min3A_1044 : vector<512x128xf32>
    %add3A_1046 = arith.addf %add3A_1042, %min3A_1045 : vector<512x128xf32>
    %slice3A_1047 = vector.extract_strided_slice %slice3A_1007 {offsets = [10, 0], sizes = [1, 128], strides = [1, 1]} : vector<64x128xf32> to vector<1x128xf32>
    %min3A_1048 = vector.broadcast %slice3A_1047 : vector<1x128xf32> to vector<512x128xf32>
    %min3A_1049 = arith.minimumf %broadcast_in_dim3A_69, %min3A_1048 : vector<512x128xf32>
    %add3A_1050 = arith.addf %add3A_1046, %min3A_1049 : vector<512x128xf32>
    %slice3A_1051 = vector.extract_strided_slice %slice3A_1007 {offsets = [11, 0], sizes = [1, 128], strides = [1, 1]} : vector<64x128xf32> to vector<1x128xf32>
    %min3A_1052 = vector.broadcast %slice3A_1051 : vector<1x128xf32> to vector<512x128xf32>
    %min3A_1053 = arith.minimumf %broadcast_in_dim3A_72, %min3A_1052 : vector<512x128xf32>
    %add3A_1054 = arith.addf %add3A_1050, %min3A_1053 : vector<512x128xf32>
    %slice3A_1055 = vector.extract_strided_slice %slice3A_1007 {offsets = [12, 0], sizes = [1, 128], strides = [1, 1]} : vector<64x128xf32> to vector<1x128xf32>
    %min3A_1056 = vector.broadcast %slice3A_1055 : vector<1x128xf32> to vector<512x128xf32>
    %min3A_1057 = arith.minimumf %broadcast_in_dim3A_75, %min3A_1056 : vector<512x128xf32>
    %add3A_1058 = arith.addf %add3A_1054, %min3A_1057 : vector<512x128xf32>
    %slice3A_1059 = vector.extract_strided_slice %slice3A_1007 {offsets = [13, 0], sizes = [1, 128], strides = [1, 1]} : vector<64x128xf32> to vector<1x128xf32>
    %min3A_1060 = vector.broadcast %slice3A_1059 : vector<1x128xf32> to vector<512x128xf32>
    %min3A_1061 = arith.minimumf %broadcast_in_dim3A_78, %min3A_1060 : vector<512x128xf32>
    %add3A_1062 = arith.addf %add3A_1058, %min3A_1061 : vector<512x128xf32>
    %slice3A_1063 = vector.extract_strided_slice %slice3A_1007 {offsets = [14, 0], sizes = [1, 128], strides = [1, 1]} : vector<64x128xf32> to vector<1x128xf32>
    %min3A_1064 = vector.broadcast %slice3A_1063 : vector<1x128xf32> to vector<512x128xf32>
    %min3A_1065 = arith.minimumf %broadcast_in_dim3A_81, %min3A_1064 : vector<512x128xf32>
    %add3A_1066 = arith.addf %add3A_1062, %min3A_1065 : vector<512x128xf32>
    %slice3A_1067 = vector.extract_strided_slice %slice3A_1007 {offsets = [15, 0], sizes = [1, 128], strides = [1, 1]} : vector<64x128xf32> to vector<1x128xf32>
    %min3A_1068 = vector.broadcast %slice3A_1067 : vector<1x128xf32> to vector<512x128xf32>
    %min3A_1069 = arith.minimumf %broadcast_in_dim3A_84, %min3A_1068 : vector<512x128xf32>
    %add3A_1070 = arith.addf %add3A_1066, %min3A_1069 : vector<512x128xf32>
    %slice3A_1071 = vector.extract_strided_slice %slice3A_1007 {offsets = [16, 0], sizes = [1, 128], strides = [1, 1]} : vector<64x128xf32> to vector<1x128xf32>
    %min3A_1072 = vector.broadcast %slice3A_1071 : vector<1x128xf32> to vector<512x128xf32>
    %min3A_1073 = arith.minimumf %broadcast_in_dim3A_87, %min3A_1072 : vector<512x128xf32>
    %add3A_1074 = arith.addf %add3A_1070, %min3A_1073 : vector<512x128xf32>
    %slice3A_1075 = vector.extract_strided_slice %slice3A_1007 {offsets = [17, 0], sizes = [1, 128], strides = [1, 1]} : vector<64x128xf32> to vector<1x128xf32>
    %min3A_1076 = vector.broadcast %slice3A_1075 : vector<1x128xf32> to vector<512x128xf32>
    %min3A_1077 = arith.minimumf %broadcast_in_dim3A_90, %min3A_1076 : vector<512x128xf32>
    %add3A_1078 = arith.addf %add3A_1074, %min3A_1077 : vector<512x128xf32>
    %slice3A_1079 = vector.extract_strided_slice %slice3A_1007 {offsets = [18, 0], sizes = [1, 128], strides = [1, 1]} : vector<64x128xf32> to vector<1x128xf32>
    %min3A_1080 = vector.broadcast %slice3A_1079 : vector<1x128xf32> to vector<512x128xf32>
    %min3A_1081 = arith.minimumf %broadcast_in_dim3A_93, %min3A_1080 : vector<512x128xf32>
    %add3A_1082 = arith.addf %add3A_1078, %min3A_1081 : vector<512x128xf32>
    %slice3A_1083 = vector.extract_strided_slice %slice3A_1007 {offsets = [19, 0], sizes = [1, 128], strides = [1, 1]} : vector<64x128xf32> to vector<1x128xf32>
    %min3A_1084 = vector.broadcast %slice3A_1083 : vector<1x128xf32> to vector<512x128xf32>
    %min3A_1085 = arith.minimumf %broadcast_in_dim3A_96, %min3A_1084 : vector<512x128xf32>
    %add3A_1086 = arith.addf %add3A_1082, %min3A_1085 : vector<512x128xf32>
    %slice3A_1087 = vector.extract_strided_slice %slice3A_1007 {offsets = [20, 0], sizes = [1, 128], strides = [1, 1]} : vector<64x128xf32> to vector<1x128xf32>
    %min3A_1088 = vector.broadcast %slice3A_1087 : vector<1x128xf32> to vector<512x128xf32>
    %min3A_1089 = arith.minimumf %broadcast_in_dim3A_99, %min3A_1088 : vector<512x128xf32>
    %add3A_1090 = arith.addf %add3A_1086, %min3A_1089 : vector<512x128xf32>
    %slice3A_1091 = vector.extract_strided_slice %slice3A_1007 {offsets = [21, 0], sizes = [1, 128], strides = [1, 1]} : vector<64x128xf32> to vector<1x128xf32>
    %min3A_1092 = vector.broadcast %slice3A_1091 : vector<1x128xf32> to vector<512x128xf32>
    %min3A_1093 = arith.minimumf %broadcast_in_dim3A_102, %min3A_1092 : vector<512x128xf32>
    %add3A_1094 = arith.addf %add3A_1090, %min3A_1093 : vector<512x128xf32>
    %slice3A_1095 = vector.extract_strided_slice %slice3A_1007 {offsets = [22, 0], sizes = [1, 128], strides = [1, 1]} : vector<64x128xf32> to vector<1x128xf32>
    %min3A_1096 = vector.broadcast %slice3A_1095 : vector<1x128xf32> to vector<512x128xf32>
    %min3A_1097 = arith.minimumf %broadcast_in_dim3A_105, %min3A_1096 : vector<512x128xf32>
    %add3A_1098 = arith.addf %add3A_1094, %min3A_1097 : vector<512x128xf32>
    %slice3A_1099 = vector.extract_strided_slice %slice3A_1007 {offsets = [23, 0], sizes = [1, 128], strides = [1, 1]} : vector<64x128xf32> to vector<1x128xf32>
    %min3A_1100 = vector.broadcast %slice3A_1099 : vector<1x128xf32> to vector<512x128xf32>
    %min3A_1101 = arith.minimumf %broadcast_in_dim3A_108, %min3A_1100 : vector<512x128xf32>
    %add3A_1102 = arith.addf %add3A_1098, %min3A_1101 : vector<512x128xf32>
    %slice3A_1103 = vector.extract_strided_slice %slice3A_1007 {offsets = [24, 0], sizes = [1, 128], strides = [1, 1]} : vector<64x128xf32> to vector<1x128xf32>
    %min3A_1104 = vector.broadcast %slice3A_1103 : vector<1x128xf32> to vector<512x128xf32>
    %min3A_1105 = arith.minimumf %broadcast_in_dim3A_111, %min3A_1104 : vector<512x128xf32>
    %add3A_1106 = arith.addf %add3A_1102, %min3A_1105 : vector<512x128xf32>
    %slice3A_1107 = vector.extract_strided_slice %slice3A_1007 {offsets = [25, 0], sizes = [1, 128], strides = [1, 1]} : vector<64x128xf32> to vector<1x128xf32>
    %min3A_1108 = vector.broadcast %slice3A_1107 : vector<1x128xf32> to vector<512x128xf32>
    %min3A_1109 = arith.minimumf %broadcast_in_dim3A_114, %min3A_1108 : vector<512x128xf32>
    %add3A_1110 = arith.addf %add3A_1106, %min3A_1109 : vector<512x128xf32>
    %slice3A_1111 = vector.extract_strided_slice %slice3A_1007 {offsets = [26, 0], sizes = [1, 128], strides = [1, 1]} : vector<64x128xf32> to vector<1x128xf32>
    %min3A_1112 = vector.broadcast %slice3A_1111 : vector<1x128xf32> to vector<512x128xf32>
    %min3A_1113 = arith.minimumf %broadcast_in_dim3A_117, %min3A_1112 : vector<512x128xf32>
    %add3A_1114 = arith.addf %add3A_1110, %min3A_1113 : vector<512x128xf32>
    %slice3A_1115 = vector.extract_strided_slice %slice3A_1007 {offsets = [27, 0], sizes = [1, 128], strides = [1, 1]} : vector<64x128xf32> to vector<1x128xf32>
    %min3A_1116 = vector.broadcast %slice3A_1115 : vector<1x128xf32> to vector<512x128xf32>
    %min3A_1117 = arith.minimumf %broadcast_in_dim3A_120, %min3A_1116 : vector<512x128xf32>
    %add3A_1118 = arith.addf %add3A_1114, %min3A_1117 : vector<512x128xf32>
    %slice3A_1119 = vector.extract_strided_slice %slice3A_1007 {offsets = [28, 0], sizes = [1, 128], strides = [1, 1]} : vector<64x128xf32> to vector<1x128xf32>
    %min3A_1120 = vector.broadcast %slice3A_1119 : vector<1x128xf32> to vector<512x128xf32>
    %min3A_1121 = arith.minimumf %broadcast_in_dim3A_123, %min3A_1120 : vector<512x128xf32>
    %add3A_1122 = arith.addf %add3A_1118, %min3A_1121 : vector<512x128xf32>
    %slice3A_1123 = vector.extract_strided_slice %slice3A_1007 {offsets = [29, 0], sizes = [1, 128], strides = [1, 1]} : vector<64x128xf32> to vector<1x128xf32>
    %min3A_1124 = vector.broadcast %slice3A_1123 : vector<1x128xf32> to vector<512x128xf32>
    %min3A_1125 = arith.minimumf %broadcast_in_dim3A_126, %min3A_1124 : vector<512x128xf32>
    %add3A_1126 = arith.addf %add3A_1122, %min3A_1125 : vector<512x128xf32>
    %slice3A_1127 = vector.extract_strided_slice %slice3A_1007 {offsets = [30, 0], sizes = [1, 128], strides = [1, 1]} : vector<64x128xf32> to vector<1x128xf32>
    %min3A_1128 = vector.broadcast %slice3A_1127 : vector<1x128xf32> to vector<512x128xf32>
    %min3A_1129 = arith.minimumf %broadcast_in_dim3A_129, %min3A_1128 : vector<512x128xf32>
    %add3A_1130 = arith.addf %add3A_1126, %min3A_1129 : vector<512x128xf32>
    %slice3A_1131 = vector.extract_strided_slice %slice3A_1007 {offsets = [31, 0], sizes = [1, 128], strides = [1, 1]} : vector<64x128xf32> to vector<1x128xf32>
    %min3A_1132 = vector.broadcast %slice3A_1131 : vector<1x128xf32> to vector<512x128xf32>
    %min3A_1133 = arith.minimumf %broadcast_in_dim3A_132, %min3A_1132 : vector<512x128xf32>
    %add3A_1134 = arith.addf %add3A_1130, %min3A_1133 : vector<512x128xf32>
    %slice3A_1135 = vector.extract_strided_slice %slice3A_1007 {offsets = [32, 0], sizes = [1, 128], strides = [1, 1]} : vector<64x128xf32> to vector<1x128xf32>
    %min3A_1136 = vector.broadcast %slice3A_1135 : vector<1x128xf32> to vector<512x128xf32>
    %min3A_1137 = arith.minimumf %broadcast_in_dim3A_135, %min3A_1136 : vector<512x128xf32>
    %add3A_1138 = arith.addf %add3A_1134, %min3A_1137 : vector<512x128xf32>
    %slice3A_1139 = vector.extract_strided_slice %slice3A_1007 {offsets = [33, 0], sizes = [1, 128], strides = [1, 1]} : vector<64x128xf32> to vector<1x128xf32>
    %min3A_1140 = vector.broadcast %slice3A_1139 : vector<1x128xf32> to vector<512x128xf32>
    %min3A_1141 = arith.minimumf %broadcast_in_dim3A_138, %min3A_1140 : vector<512x128xf32>
    %add3A_1142 = arith.addf %add3A_1138, %min3A_1141 : vector<512x128xf32>
    %slice3A_1143 = vector.extract_strided_slice %slice3A_1007 {offsets = [34, 0], sizes = [1, 128], strides = [1, 1]} : vector<64x128xf32> to vector<1x128xf32>
    %min3A_1144 = vector.broadcast %slice3A_1143 : vector<1x128xf32> to vector<512x128xf32>
    %min3A_1145 = arith.minimumf %broadcast_in_dim3A_141, %min3A_1144 : vector<512x128xf32>
    %add3A_1146 = arith.addf %add3A_1142, %min3A_1145 : vector<512x128xf32>
    %slice3A_1147 = vector.extract_strided_slice %slice3A_1007 {offsets = [35, 0], sizes = [1, 128], strides = [1, 1]} : vector<64x128xf32> to vector<1x128xf32>
    %min3A_1148 = vector.broadcast %slice3A_1147 : vector<1x128xf32> to vector<512x128xf32>
    %min3A_1149 = arith.minimumf %broadcast_in_dim3A_144, %min3A_1148 : vector<512x128xf32>
    %add3A_1150 = arith.addf %add3A_1146, %min3A_1149 : vector<512x128xf32>
    %slice3A_1151 = vector.extract_strided_slice %slice3A_1007 {offsets = [36, 0], sizes = [1, 128], strides = [1, 1]} : vector<64x128xf32> to vector<1x128xf32>
    %min3A_1152 = vector.broadcast %slice3A_1151 : vector<1x128xf32> to vector<512x128xf32>
    %min3A_1153 = arith.minimumf %broadcast_in_dim3A_147, %min3A_1152 : vector<512x128xf32>
    %add3A_1154 = arith.addf %add3A_1150, %min3A_1153 : vector<512x128xf32>
    %slice3A_1155 = vector.extract_strided_slice %slice3A_1007 {offsets = [37, 0], sizes = [1, 128], strides = [1, 1]} : vector<64x128xf32> to vector<1x128xf32>
    %min3A_1156 = vector.broadcast %slice3A_1155 : vector<1x128xf32> to vector<512x128xf32>
    %min3A_1157 = arith.minimumf %broadcast_in_dim3A_150, %min3A_1156 : vector<512x128xf32>
    %add3A_1158 = arith.addf %add3A_1154, %min3A_1157 : vector<512x128xf32>
    %slice3A_1159 = vector.extract_strided_slice %slice3A_1007 {offsets = [38, 0], sizes = [1, 128], strides = [1, 1]} : vector<64x128xf32> to vector<1x128xf32>
    %min3A_1160 = vector.broadcast %slice3A_1159 : vector<1x128xf32> to vector<512x128xf32>
    %min3A_1161 = arith.minimumf %broadcast_in_dim3A_153, %min3A_1160 : vector<512x128xf32>
    %add3A_1162 = arith.addf %add3A_1158, %min3A_1161 : vector<512x128xf32>
    %slice3A_1163 = vector.extract_strided_slice %slice3A_1007 {offsets = [39, 0], sizes = [1, 128], strides = [1, 1]} : vector<64x128xf32> to vector<1x128xf32>
    %min3A_1164 = vector.broadcast %slice3A_1163 : vector<1x128xf32> to vector<512x128xf32>
    %min3A_1165 = arith.minimumf %broadcast_in_dim3A_156, %min3A_1164 : vector<512x128xf32>
    %add3A_1166 = arith.addf %add3A_1162, %min3A_1165 : vector<512x128xf32>
    %slice3A_1167 = vector.extract_strided_slice %slice3A_1007 {offsets = [40, 0], sizes = [1, 128], strides = [1, 1]} : vector<64x128xf32> to vector<1x128xf32>
    %min3A_1168 = vector.broadcast %slice3A_1167 : vector<1x128xf32> to vector<512x128xf32>
    %min3A_1169 = arith.minimumf %broadcast_in_dim3A_159, %min3A_1168 : vector<512x128xf32>
    %add3A_1170 = arith.addf %add3A_1166, %min3A_1169 : vector<512x128xf32>
    %slice3A_1171 = vector.extract_strided_slice %slice3A_1007 {offsets = [41, 0], sizes = [1, 128], strides = [1, 1]} : vector<64x128xf32> to vector<1x128xf32>
    %min3A_1172 = vector.broadcast %slice3A_1171 : vector<1x128xf32> to vector<512x128xf32>
    %min3A_1173 = arith.minimumf %broadcast_in_dim3A_162, %min3A_1172 : vector<512x128xf32>
    %add3A_1174 = arith.addf %add3A_1170, %min3A_1173 : vector<512x128xf32>
    %slice3A_1175 = vector.extract_strided_slice %slice3A_1007 {offsets = [42, 0], sizes = [1, 128], strides = [1, 1]} : vector<64x128xf32> to vector<1x128xf32>
    %min3A_1176 = vector.broadcast %slice3A_1175 : vector<1x128xf32> to vector<512x128xf32>
    %min3A_1177 = arith.minimumf %broadcast_in_dim3A_165, %min3A_1176 : vector<512x128xf32>
    %add3A_1178 = arith.addf %add3A_1174, %min3A_1177 : vector<512x128xf32>
    %slice3A_1179 = vector.extract_strided_slice %slice3A_1007 {offsets = [43, 0], sizes = [1, 128], strides = [1, 1]} : vector<64x128xf32> to vector<1x128xf32>
    %min3A_1180 = vector.broadcast %slice3A_1179 : vector<1x128xf32> to vector<512x128xf32>
    %min3A_1181 = arith.minimumf %broadcast_in_dim3A_168, %min3A_1180 : vector<512x128xf32>
    %add3A_1182 = arith.addf %add3A_1178, %min3A_1181 : vector<512x128xf32>
    %slice3A_1183 = vector.extract_strided_slice %slice3A_1007 {offsets = [44, 0], sizes = [1, 128], strides = [1, 1]} : vector<64x128xf32> to vector<1x128xf32>
    %min3A_1184 = vector.broadcast %slice3A_1183 : vector<1x128xf32> to vector<512x128xf32>
    %min3A_1185 = arith.minimumf %broadcast_in_dim3A_171, %min3A_1184 : vector<512x128xf32>
    %add3A_1186 = arith.addf %add3A_1182, %min3A_1185 : vector<512x128xf32>
    %slice3A_1187 = vector.extract_strided_slice %slice3A_1007 {offsets = [45, 0], sizes = [1, 128], strides = [1, 1]} : vector<64x128xf32> to vector<1x128xf32>
    %min3A_1188 = vector.broadcast %slice3A_1187 : vector<1x128xf32> to vector<512x128xf32>
    %min3A_1189 = arith.minimumf %broadcast_in_dim3A_174, %min3A_1188 : vector<512x128xf32>
    %add3A_1190 = arith.addf %add3A_1186, %min3A_1189 : vector<512x128xf32>
    %slice3A_1191 = vector.extract_strided_slice %slice3A_1007 {offsets = [46, 0], sizes = [1, 128], strides = [1, 1]} : vector<64x128xf32> to vector<1x128xf32>
    %min3A_1192 = vector.broadcast %slice3A_1191 : vector<1x128xf32> to vector<512x128xf32>
    %min3A_1193 = arith.minimumf %broadcast_in_dim3A_177, %min3A_1192 : vector<512x128xf32>
    %add3A_1194 = arith.addf %add3A_1190, %min3A_1193 : vector<512x128xf32>
    %slice3A_1195 = vector.extract_strided_slice %slice3A_1007 {offsets = [47, 0], sizes = [1, 128], strides = [1, 1]} : vector<64x128xf32> to vector<1x128xf32>
    %min3A_1196 = vector.broadcast %slice3A_1195 : vector<1x128xf32> to vector<512x128xf32>
    %min3A_1197 = arith.minimumf %broadcast_in_dim3A_180, %min3A_1196 : vector<512x128xf32>
    %add3A_1198 = arith.addf %add3A_1194, %min3A_1197 : vector<512x128xf32>
    %slice3A_1199 = vector.extract_strided_slice %slice3A_1007 {offsets = [48, 0], sizes = [1, 128], strides = [1, 1]} : vector<64x128xf32> to vector<1x128xf32>
    %min3A_1200 = vector.broadcast %slice3A_1199 : vector<1x128xf32> to vector<512x128xf32>
    %min3A_1201 = arith.minimumf %broadcast_in_dim3A_183, %min3A_1200 : vector<512x128xf32>
    %add3A_1202 = arith.addf %add3A_1198, %min3A_1201 : vector<512x128xf32>
    %slice3A_1203 = vector.extract_strided_slice %slice3A_1007 {offsets = [49, 0], sizes = [1, 128], strides = [1, 1]} : vector<64x128xf32> to vector<1x128xf32>
    %min3A_1204 = vector.broadcast %slice3A_1203 : vector<1x128xf32> to vector<512x128xf32>
    %min3A_1205 = arith.minimumf %broadcast_in_dim3A_186, %min3A_1204 : vector<512x128xf32>
    %add3A_1206 = arith.addf %add3A_1202, %min3A_1205 : vector<512x128xf32>
    %slice3A_1207 = vector.extract_strided_slice %slice3A_1007 {offsets = [50, 0], sizes = [1, 128], strides = [1, 1]} : vector<64x128xf32> to vector<1x128xf32>
    %min3A_1208 = vector.broadcast %slice3A_1207 : vector<1x128xf32> to vector<512x128xf32>
    %min3A_1209 = arith.minimumf %broadcast_in_dim3A_189, %min3A_1208 : vector<512x128xf32>
    %add3A_1210 = arith.addf %add3A_1206, %min3A_1209 : vector<512x128xf32>
    %slice3A_1211 = vector.extract_strided_slice %slice3A_1007 {offsets = [51, 0], sizes = [1, 128], strides = [1, 1]} : vector<64x128xf32> to vector<1x128xf32>
    %min3A_1212 = vector.broadcast %slice3A_1211 : vector<1x128xf32> to vector<512x128xf32>
    %min3A_1213 = arith.minimumf %broadcast_in_dim3A_192, %min3A_1212 : vector<512x128xf32>
    %add3A_1214 = arith.addf %add3A_1210, %min3A_1213 : vector<512x128xf32>
    %slice3A_1215 = vector.extract_strided_slice %slice3A_1007 {offsets = [52, 0], sizes = [1, 128], strides = [1, 1]} : vector<64x128xf32> to vector<1x128xf32>
    %min3A_1216 = vector.broadcast %slice3A_1215 : vector<1x128xf32> to vector<512x128xf32>
    %min3A_1217 = arith.minimumf %broadcast_in_dim3A_195, %min3A_1216 : vector<512x128xf32>
    %add3A_1218 = arith.addf %add3A_1214, %min3A_1217 : vector<512x128xf32>
    %slice3A_1219 = vector.extract_strided_slice %slice3A_1007 {offsets = [53, 0], sizes = [1, 128], strides = [1, 1]} : vector<64x128xf32> to vector<1x128xf32>
    %min3A_1220 = vector.broadcast %slice3A_1219 : vector<1x128xf32> to vector<512x128xf32>
    %min3A_1221 = arith.minimumf %broadcast_in_dim3A_198, %min3A_1220 : vector<512x128xf32>
    %add3A_1222 = arith.addf %add3A_1218, %min3A_1221 : vector<512x128xf32>
    %slice3A_1223 = vector.extract_strided_slice %slice3A_1007 {offsets = [54, 0], sizes = [1, 128], strides = [1, 1]} : vector<64x128xf32> to vector<1x128xf32>
    %min3A_1224 = vector.broadcast %slice3A_1223 : vector<1x128xf32> to vector<512x128xf32>
    %min3A_1225 = arith.minimumf %broadcast_in_dim3A_201, %min3A_1224 : vector<512x128xf32>
    %add3A_1226 = arith.addf %add3A_1222, %min3A_1225 : vector<512x128xf32>
    %slice3A_1227 = vector.extract_strided_slice %slice3A_1007 {offsets = [55, 0], sizes = [1, 128], strides = [1, 1]} : vector<64x128xf32> to vector<1x128xf32>
    %min3A_1228 = vector.broadcast %slice3A_1227 : vector<1x128xf32> to vector<512x128xf32>
    %min3A_1229 = arith.minimumf %broadcast_in_dim3A_204, %min3A_1228 : vector<512x128xf32>
    %add3A_1230 = arith.addf %add3A_1226, %min3A_1229 : vector<512x128xf32>
    %slice3A_1231 = vector.extract_strided_slice %slice3A_1007 {offsets = [56, 0], sizes = [1, 128], strides = [1, 1]} : vector<64x128xf32> to vector<1x128xf32>
    %min3A_1232 = vector.broadcast %slice3A_1231 : vector<1x128xf32> to vector<512x128xf32>
    %min3A_1233 = arith.minimumf %broadcast_in_dim3A_207, %min3A_1232 : vector<512x128xf32>
    %add3A_1234 = arith.addf %add3A_1230, %min3A_1233 : vector<512x128xf32>
    %slice3A_1235 = vector.extract_strided_slice %slice3A_1007 {offsets = [57, 0], sizes = [1, 128], strides = [1, 1]} : vector<64x128xf32> to vector<1x128xf32>
    %min3A_1236 = vector.broadcast %slice3A_1235 : vector<1x128xf32> to vector<512x128xf32>
    %min3A_1237 = arith.minimumf %broadcast_in_dim3A_210, %min3A_1236 : vector<512x128xf32>
    %add3A_1238 = arith.addf %add3A_1234, %min3A_1237 : vector<512x128xf32>
    %slice3A_1239 = vector.extract_strided_slice %slice3A_1007 {offsets = [58, 0], sizes = [1, 128], strides = [1, 1]} : vector<64x128xf32> to vector<1x128xf32>
    %min3A_1240 = vector.broadcast %slice3A_1239 : vector<1x128xf32> to vector<512x128xf32>
    %min3A_1241 = arith.minimumf %broadcast_in_dim3A_213, %min3A_1240 : vector<512x128xf32>
    %add3A_1242 = arith.addf %add3A_1238, %min3A_1241 : vector<512x128xf32>
    %slice3A_1243 = vector.extract_strided_slice %slice3A_1007 {offsets = [59, 0], sizes = [1, 128], strides = [1, 1]} : vector<64x128xf32> to vector<1x128xf32>
    %min3A_1244 = vector.broadcast %slice3A_1243 : vector<1x128xf32> to vector<512x128xf32>
    %min3A_1245 = arith.minimumf %broadcast_in_dim3A_216, %min3A_1244 : vector<512x128xf32>
    %add3A_1246 = arith.addf %add3A_1242, %min3A_1245 : vector<512x128xf32>
    %slice3A_1247 = vector.extract_strided_slice %slice3A_1007 {offsets = [60, 0], sizes = [1, 128], strides = [1, 1]} : vector<64x128xf32> to vector<1x128xf32>
    %min3A_1248 = vector.broadcast %slice3A_1247 : vector<1x128xf32> to vector<512x128xf32>
    %min3A_1249 = arith.minimumf %broadcast_in_dim3A_219, %min3A_1248 : vector<512x128xf32>
    %add3A_1250 = arith.addf %add3A_1246, %min3A_1249 : vector<512x128xf32>
    %slice3A_1251 = vector.extract_strided_slice %slice3A_1007 {offsets = [61, 0], sizes = [1, 128], strides = [1, 1]} : vector<64x128xf32> to vector<1x128xf32>
    %min3A_1252 = vector.broadcast %slice3A_1251 : vector<1x128xf32> to vector<512x128xf32>
    %min3A_1253 = arith.minimumf %broadcast_in_dim3A_222, %min3A_1252 : vector<512x128xf32>
    %add3A_1254 = arith.addf %add3A_1250, %min3A_1253 : vector<512x128xf32>
    %slice3A_1255 = vector.extract_strided_slice %slice3A_1007 {offsets = [62, 0], sizes = [1, 128], strides = [1, 1]} : vector<64x128xf32> to vector<1x128xf32>
    %min3A_1256 = vector.broadcast %slice3A_1255 : vector<1x128xf32> to vector<512x128xf32>
    %min3A_1257 = arith.minimumf %broadcast_in_dim3A_225, %min3A_1256 : vector<512x128xf32>
    %add3A_1258 = arith.addf %add3A_1254, %min3A_1257 : vector<512x128xf32>
    %slice3A_1259 = vector.extract_strided_slice %slice3A_1007 {offsets = [63, 0], sizes = [1, 128], strides = [1, 1]} : vector<64x128xf32> to vector<1x128xf32>
    %min3A_1260 = vector.broadcast %slice3A_1259 : vector<1x128xf32> to vector<512x128xf32>
    %min3A_1261 = arith.minimumf %broadcast_in_dim3A_228, %min3A_1260 : vector<512x128xf32>
    %add3A_1262 = arith.addf %add3A_1258, %min3A_1261 : vector<512x128xf32>
    %slice3A_1263 = vector.extract_strided_slice %select_n3A {offsets = [0, 384], sizes = [1, 128], strides = [1, 1]} : vector<1x1024xf32> to vector<1x128xf32>
    %add3A_1264 = arith.addf %add3A_1262, %add3A_1262 : vector<512x128xf32>
    %sub3A_1265 = vector.broadcast %slice3A_1263 : vector<1x128xf32> to vector<512x128xf32>
    %sub3A_1266 = arith.subf %sub3A_1265, %add3A_1264 : vector<512x128xf32>
    %slice3A_1267 = vector.extract_strided_slice %div3A_31 {offsets = [0, 512], sizes = [64, 128], strides = [1, 1]} : vector<64x1024xf32> to vector<64x128xf32>
    %slice3A_1268 = vector.extract_strided_slice %slice3A_1267 {offsets = [0, 0], sizes = [1, 128], strides = [1, 1]} : vector<64x128xf32> to vector<1x128xf32>
    %min3A_1269 = vector.broadcast %slice3A_1268 : vector<1x128xf32> to vector<512x128xf32>
    %min3A_1270 = arith.minimumf %broadcast_in_dim3A_39, %min3A_1269 : vector<512x128xf32>
    %slice3A_1271 = vector.extract_strided_slice %slice3A_1267 {offsets = [1, 0], sizes = [1, 128], strides = [1, 1]} : vector<64x128xf32> to vector<1x128xf32>
    %min3A_1272 = vector.broadcast %slice3A_1271 : vector<1x128xf32> to vector<512x128xf32>
    %min3A_1273 = arith.minimumf %broadcast_in_dim3A_42, %min3A_1272 : vector<512x128xf32>
    %add3A_1274 = arith.addf %min3A_1270, %min3A_1273 : vector<512x128xf32>
    %slice3A_1275 = vector.extract_strided_slice %slice3A_1267 {offsets = [2, 0], sizes = [1, 128], strides = [1, 1]} : vector<64x128xf32> to vector<1x128xf32>
    %min3A_1276 = vector.broadcast %slice3A_1275 : vector<1x128xf32> to vector<512x128xf32>
    %min3A_1277 = arith.minimumf %broadcast_in_dim3A_45, %min3A_1276 : vector<512x128xf32>
    %add3A_1278 = arith.addf %add3A_1274, %min3A_1277 : vector<512x128xf32>
    %slice3A_1279 = vector.extract_strided_slice %slice3A_1267 {offsets = [3, 0], sizes = [1, 128], strides = [1, 1]} : vector<64x128xf32> to vector<1x128xf32>
    %min3A_1280 = vector.broadcast %slice3A_1279 : vector<1x128xf32> to vector<512x128xf32>
    %min3A_1281 = arith.minimumf %broadcast_in_dim3A_48, %min3A_1280 : vector<512x128xf32>
    %add3A_1282 = arith.addf %add3A_1278, %min3A_1281 : vector<512x128xf32>
    %slice3A_1283 = vector.extract_strided_slice %slice3A_1267 {offsets = [4, 0], sizes = [1, 128], strides = [1, 1]} : vector<64x128xf32> to vector<1x128xf32>
    %min3A_1284 = vector.broadcast %slice3A_1283 : vector<1x128xf32> to vector<512x128xf32>
    %min3A_1285 = arith.minimumf %broadcast_in_dim3A_51, %min3A_1284 : vector<512x128xf32>
    %add3A_1286 = arith.addf %add3A_1282, %min3A_1285 : vector<512x128xf32>
    %slice3A_1287 = vector.extract_strided_slice %slice3A_1267 {offsets = [5, 0], sizes = [1, 128], strides = [1, 1]} : vector<64x128xf32> to vector<1x128xf32>
    %min3A_1288 = vector.broadcast %slice3A_1287 : vector<1x128xf32> to vector<512x128xf32>
    %min3A_1289 = arith.minimumf %broadcast_in_dim3A_54, %min3A_1288 : vector<512x128xf32>
    %add3A_1290 = arith.addf %add3A_1286, %min3A_1289 : vector<512x128xf32>
    %slice3A_1291 = vector.extract_strided_slice %slice3A_1267 {offsets = [6, 0], sizes = [1, 128], strides = [1, 1]} : vector<64x128xf32> to vector<1x128xf32>
    %min3A_1292 = vector.broadcast %slice3A_1291 : vector<1x128xf32> to vector<512x128xf32>
    %min3A_1293 = arith.minimumf %broadcast_in_dim3A_57, %min3A_1292 : vector<512x128xf32>
    %add3A_1294 = arith.addf %add3A_1290, %min3A_1293 : vector<512x128xf32>
    %slice3A_1295 = vector.extract_strided_slice %slice3A_1267 {offsets = [7, 0], sizes = [1, 128], strides = [1, 1]} : vector<64x128xf32> to vector<1x128xf32>
    %min3A_1296 = vector.broadcast %slice3A_1295 : vector<1x128xf32> to vector<512x128xf32>
    %min3A_1297 = arith.minimumf %broadcast_in_dim3A_60, %min3A_1296 : vector<512x128xf32>
    %add3A_1298 = arith.addf %add3A_1294, %min3A_1297 : vector<512x128xf32>
    %slice3A_1299 = vector.extract_strided_slice %slice3A_1267 {offsets = [8, 0], sizes = [1, 128], strides = [1, 1]} : vector<64x128xf32> to vector<1x128xf32>
    %min3A_1300 = vector.broadcast %slice3A_1299 : vector<1x128xf32> to vector<512x128xf32>
    %min3A_1301 = arith.minimumf %broadcast_in_dim3A_63, %min3A_1300 : vector<512x128xf32>
    %add3A_1302 = arith.addf %add3A_1298, %min3A_1301 : vector<512x128xf32>
    %slice3A_1303 = vector.extract_strided_slice %slice3A_1267 {offsets = [9, 0], sizes = [1, 128], strides = [1, 1]} : vector<64x128xf32> to vector<1x128xf32>
    %min3A_1304 = vector.broadcast %slice3A_1303 : vector<1x128xf32> to vector<512x128xf32>
    %min3A_1305 = arith.minimumf %broadcast_in_dim3A_66, %min3A_1304 : vector<512x128xf32>
    %add3A_1306 = arith.addf %add3A_1302, %min3A_1305 : vector<512x128xf32>
    %slice3A_1307 = vector.extract_strided_slice %slice3A_1267 {offsets = [10, 0], sizes = [1, 128], strides = [1, 1]} : vector<64x128xf32> to vector<1x128xf32>
    %min3A_1308 = vector.broadcast %slice3A_1307 : vector<1x128xf32> to vector<512x128xf32>
    %min3A_1309 = arith.minimumf %broadcast_in_dim3A_69, %min3A_1308 : vector<512x128xf32>
    %add3A_1310 = arith.addf %add3A_1306, %min3A_1309 : vector<512x128xf32>
    %slice3A_1311 = vector.extract_strided_slice %slice3A_1267 {offsets = [11, 0], sizes = [1, 128], strides = [1, 1]} : vector<64x128xf32> to vector<1x128xf32>
    %min3A_1312 = vector.broadcast %slice3A_1311 : vector<1x128xf32> to vector<512x128xf32>
    %min3A_1313 = arith.minimumf %broadcast_in_dim3A_72, %min3A_1312 : vector<512x128xf32>
    %add3A_1314 = arith.addf %add3A_1310, %min3A_1313 : vector<512x128xf32>
    %slice3A_1315 = vector.extract_strided_slice %slice3A_1267 {offsets = [12, 0], sizes = [1, 128], strides = [1, 1]} : vector<64x128xf32> to vector<1x128xf32>
    %min3A_1316 = vector.broadcast %slice3A_1315 : vector<1x128xf32> to vector<512x128xf32>
    %min3A_1317 = arith.minimumf %broadcast_in_dim3A_75, %min3A_1316 : vector<512x128xf32>
    %add3A_1318 = arith.addf %add3A_1314, %min3A_1317 : vector<512x128xf32>
    %slice3A_1319 = vector.extract_strided_slice %slice3A_1267 {offsets = [13, 0], sizes = [1, 128], strides = [1, 1]} : vector<64x128xf32> to vector<1x128xf32>
    %min3A_1320 = vector.broadcast %slice3A_1319 : vector<1x128xf32> to vector<512x128xf32>
    %min3A_1321 = arith.minimumf %broadcast_in_dim3A_78, %min3A_1320 : vector<512x128xf32>
    %add3A_1322 = arith.addf %add3A_1318, %min3A_1321 : vector<512x128xf32>
    %slice3A_1323 = vector.extract_strided_slice %slice3A_1267 {offsets = [14, 0], sizes = [1, 128], strides = [1, 1]} : vector<64x128xf32> to vector<1x128xf32>
    %min3A_1324 = vector.broadcast %slice3A_1323 : vector<1x128xf32> to vector<512x128xf32>
    %min3A_1325 = arith.minimumf %broadcast_in_dim3A_81, %min3A_1324 : vector<512x128xf32>
    %add3A_1326 = arith.addf %add3A_1322, %min3A_1325 : vector<512x128xf32>
    %slice3A_1327 = vector.extract_strided_slice %slice3A_1267 {offsets = [15, 0], sizes = [1, 128], strides = [1, 1]} : vector<64x128xf32> to vector<1x128xf32>
    %min3A_1328 = vector.broadcast %slice3A_1327 : vector<1x128xf32> to vector<512x128xf32>
    %min3A_1329 = arith.minimumf %broadcast_in_dim3A_84, %min3A_1328 : vector<512x128xf32>
    %add3A_1330 = arith.addf %add3A_1326, %min3A_1329 : vector<512x128xf32>
    %slice3A_1331 = vector.extract_strided_slice %slice3A_1267 {offsets = [16, 0], sizes = [1, 128], strides = [1, 1]} : vector<64x128xf32> to vector<1x128xf32>
    %min3A_1332 = vector.broadcast %slice3A_1331 : vector<1x128xf32> to vector<512x128xf32>
    %min3A_1333 = arith.minimumf %broadcast_in_dim3A_87, %min3A_1332 : vector<512x128xf32>
    %add3A_1334 = arith.addf %add3A_1330, %min3A_1333 : vector<512x128xf32>
    %slice3A_1335 = vector.extract_strided_slice %slice3A_1267 {offsets = [17, 0], sizes = [1, 128], strides = [1, 1]} : vector<64x128xf32> to vector<1x128xf32>
    %min3A_1336 = vector.broadcast %slice3A_1335 : vector<1x128xf32> to vector<512x128xf32>
    %min3A_1337 = arith.minimumf %broadcast_in_dim3A_90, %min3A_1336 : vector<512x128xf32>
    %add3A_1338 = arith.addf %add3A_1334, %min3A_1337 : vector<512x128xf32>
    %slice3A_1339 = vector.extract_strided_slice %slice3A_1267 {offsets = [18, 0], sizes = [1, 128], strides = [1, 1]} : vector<64x128xf32> to vector<1x128xf32>
    %min3A_1340 = vector.broadcast %slice3A_1339 : vector<1x128xf32> to vector<512x128xf32>
    %min3A_1341 = arith.minimumf %broadcast_in_dim3A_93, %min3A_1340 : vector<512x128xf32>
    %add3A_1342 = arith.addf %add3A_1338, %min3A_1341 : vector<512x128xf32>
    %slice3A_1343 = vector.extract_strided_slice %slice3A_1267 {offsets = [19, 0], sizes = [1, 128], strides = [1, 1]} : vector<64x128xf32> to vector<1x128xf32>
    %min3A_1344 = vector.broadcast %slice3A_1343 : vector<1x128xf32> to vector<512x128xf32>
    %min3A_1345 = arith.minimumf %broadcast_in_dim3A_96, %min3A_1344 : vector<512x128xf32>
    %add3A_1346 = arith.addf %add3A_1342, %min3A_1345 : vector<512x128xf32>
    %slice3A_1347 = vector.extract_strided_slice %slice3A_1267 {offsets = [20, 0], sizes = [1, 128], strides = [1, 1]} : vector<64x128xf32> to vector<1x128xf32>
    %min3A_1348 = vector.broadcast %slice3A_1347 : vector<1x128xf32> to vector<512x128xf32>
    %min3A_1349 = arith.minimumf %broadcast_in_dim3A_99, %min3A_1348 : vector<512x128xf32>
    %add3A_1350 = arith.addf %add3A_1346, %min3A_1349 : vector<512x128xf32>
    %slice3A_1351 = vector.extract_strided_slice %slice3A_1267 {offsets = [21, 0], sizes = [1, 128], strides = [1, 1]} : vector<64x128xf32> to vector<1x128xf32>
    %min3A_1352 = vector.broadcast %slice3A_1351 : vector<1x128xf32> to vector<512x128xf32>
    %min3A_1353 = arith.minimumf %broadcast_in_dim3A_102, %min3A_1352 : vector<512x128xf32>
    %add3A_1354 = arith.addf %add3A_1350, %min3A_1353 : vector<512x128xf32>
    %slice3A_1355 = vector.extract_strided_slice %slice3A_1267 {offsets = [22, 0], sizes = [1, 128], strides = [1, 1]} : vector<64x128xf32> to vector<1x128xf32>
    %min3A_1356 = vector.broadcast %slice3A_1355 : vector<1x128xf32> to vector<512x128xf32>
    %min3A_1357 = arith.minimumf %broadcast_in_dim3A_105, %min3A_1356 : vector<512x128xf32>
    %add3A_1358 = arith.addf %add3A_1354, %min3A_1357 : vector<512x128xf32>
    %slice3A_1359 = vector.extract_strided_slice %slice3A_1267 {offsets = [23, 0], sizes = [1, 128], strides = [1, 1]} : vector<64x128xf32> to vector<1x128xf32>
    %min3A_1360 = vector.broadcast %slice3A_1359 : vector<1x128xf32> to vector<512x128xf32>
    %min3A_1361 = arith.minimumf %broadcast_in_dim3A_108, %min3A_1360 : vector<512x128xf32>
    %add3A_1362 = arith.addf %add3A_1358, %min3A_1361 : vector<512x128xf32>
    %slice3A_1363 = vector.extract_strided_slice %slice3A_1267 {offsets = [24, 0], sizes = [1, 128], strides = [1, 1]} : vector<64x128xf32> to vector<1x128xf32>
    %min3A_1364 = vector.broadcast %slice3A_1363 : vector<1x128xf32> to vector<512x128xf32>
    %min3A_1365 = arith.minimumf %broadcast_in_dim3A_111, %min3A_1364 : vector<512x128xf32>
    %add3A_1366 = arith.addf %add3A_1362, %min3A_1365 : vector<512x128xf32>
    %slice3A_1367 = vector.extract_strided_slice %slice3A_1267 {offsets = [25, 0], sizes = [1, 128], strides = [1, 1]} : vector<64x128xf32> to vector<1x128xf32>
    %min3A_1368 = vector.broadcast %slice3A_1367 : vector<1x128xf32> to vector<512x128xf32>
    %min3A_1369 = arith.minimumf %broadcast_in_dim3A_114, %min3A_1368 : vector<512x128xf32>
    %add3A_1370 = arith.addf %add3A_1366, %min3A_1369 : vector<512x128xf32>
    %slice3A_1371 = vector.extract_strided_slice %slice3A_1267 {offsets = [26, 0], sizes = [1, 128], strides = [1, 1]} : vector<64x128xf32> to vector<1x128xf32>
    %min3A_1372 = vector.broadcast %slice3A_1371 : vector<1x128xf32> to vector<512x128xf32>
    %min3A_1373 = arith.minimumf %broadcast_in_dim3A_117, %min3A_1372 : vector<512x128xf32>
    %add3A_1374 = arith.addf %add3A_1370, %min3A_1373 : vector<512x128xf32>
    %slice3A_1375 = vector.extract_strided_slice %slice3A_1267 {offsets = [27, 0], sizes = [1, 128], strides = [1, 1]} : vector<64x128xf32> to vector<1x128xf32>
    %min3A_1376 = vector.broadcast %slice3A_1375 : vector<1x128xf32> to vector<512x128xf32>
    %min3A_1377 = arith.minimumf %broadcast_in_dim3A_120, %min3A_1376 : vector<512x128xf32>
    %add3A_1378 = arith.addf %add3A_1374, %min3A_1377 : vector<512x128xf32>
    %slice3A_1379 = vector.extract_strided_slice %slice3A_1267 {offsets = [28, 0], sizes = [1, 128], strides = [1, 1]} : vector<64x128xf32> to vector<1x128xf32>
    %min3A_1380 = vector.broadcast %slice3A_1379 : vector<1x128xf32> to vector<512x128xf32>
    %min3A_1381 = arith.minimumf %broadcast_in_dim3A_123, %min3A_1380 : vector<512x128xf32>
    %add3A_1382 = arith.addf %add3A_1378, %min3A_1381 : vector<512x128xf32>
    %slice3A_1383 = vector.extract_strided_slice %slice3A_1267 {offsets = [29, 0], sizes = [1, 128], strides = [1, 1]} : vector<64x128xf32> to vector<1x128xf32>
    %min3A_1384 = vector.broadcast %slice3A_1383 : vector<1x128xf32> to vector<512x128xf32>
    %min3A_1385 = arith.minimumf %broadcast_in_dim3A_126, %min3A_1384 : vector<512x128xf32>
    %add3A_1386 = arith.addf %add3A_1382, %min3A_1385 : vector<512x128xf32>
    %slice3A_1387 = vector.extract_strided_slice %slice3A_1267 {offsets = [30, 0], sizes = [1, 128], strides = [1, 1]} : vector<64x128xf32> to vector<1x128xf32>
    %min3A_1388 = vector.broadcast %slice3A_1387 : vector<1x128xf32> to vector<512x128xf32>
    %min3A_1389 = arith.minimumf %broadcast_in_dim3A_129, %min3A_1388 : vector<512x128xf32>
    %add3A_1390 = arith.addf %add3A_1386, %min3A_1389 : vector<512x128xf32>
    %slice3A_1391 = vector.extract_strided_slice %slice3A_1267 {offsets = [31, 0], sizes = [1, 128], strides = [1, 1]} : vector<64x128xf32> to vector<1x128xf32>
    %min3A_1392 = vector.broadcast %slice3A_1391 : vector<1x128xf32> to vector<512x128xf32>
    %min3A_1393 = arith.minimumf %broadcast_in_dim3A_132, %min3A_1392 : vector<512x128xf32>
    %add3A_1394 = arith.addf %add3A_1390, %min3A_1393 : vector<512x128xf32>
    %slice3A_1395 = vector.extract_strided_slice %slice3A_1267 {offsets = [32, 0], sizes = [1, 128], strides = [1, 1]} : vector<64x128xf32> to vector<1x128xf32>
    %min3A_1396 = vector.broadcast %slice3A_1395 : vector<1x128xf32> to vector<512x128xf32>
    %min3A_1397 = arith.minimumf %broadcast_in_dim3A_135, %min3A_1396 : vector<512x128xf32>
    %add3A_1398 = arith.addf %add3A_1394, %min3A_1397 : vector<512x128xf32>
    %slice3A_1399 = vector.extract_strided_slice %slice3A_1267 {offsets = [33, 0], sizes = [1, 128], strides = [1, 1]} : vector<64x128xf32> to vector<1x128xf32>
    %min3A_1400 = vector.broadcast %slice3A_1399 : vector<1x128xf32> to vector<512x128xf32>
    %min3A_1401 = arith.minimumf %broadcast_in_dim3A_138, %min3A_1400 : vector<512x128xf32>
    %add3A_1402 = arith.addf %add3A_1398, %min3A_1401 : vector<512x128xf32>
    %slice3A_1403 = vector.extract_strided_slice %slice3A_1267 {offsets = [34, 0], sizes = [1, 128], strides = [1, 1]} : vector<64x128xf32> to vector<1x128xf32>
    %min3A_1404 = vector.broadcast %slice3A_1403 : vector<1x128xf32> to vector<512x128xf32>
    %min3A_1405 = arith.minimumf %broadcast_in_dim3A_141, %min3A_1404 : vector<512x128xf32>
    %add3A_1406 = arith.addf %add3A_1402, %min3A_1405 : vector<512x128xf32>
    %slice3A_1407 = vector.extract_strided_slice %slice3A_1267 {offsets = [35, 0], sizes = [1, 128], strides = [1, 1]} : vector<64x128xf32> to vector<1x128xf32>
    %min3A_1408 = vector.broadcast %slice3A_1407 : vector<1x128xf32> to vector<512x128xf32>
    %min3A_1409 = arith.minimumf %broadcast_in_dim3A_144, %min3A_1408 : vector<512x128xf32>
    %add3A_1410 = arith.addf %add3A_1406, %min3A_1409 : vector<512x128xf32>
    %slice3A_1411 = vector.extract_strided_slice %slice3A_1267 {offsets = [36, 0], sizes = [1, 128], strides = [1, 1]} : vector<64x128xf32> to vector<1x128xf32>
    %min3A_1412 = vector.broadcast %slice3A_1411 : vector<1x128xf32> to vector<512x128xf32>
    %min3A_1413 = arith.minimumf %broadcast_in_dim3A_147, %min3A_1412 : vector<512x128xf32>
    %add3A_1414 = arith.addf %add3A_1410, %min3A_1413 : vector<512x128xf32>
    %slice3A_1415 = vector.extract_strided_slice %slice3A_1267 {offsets = [37, 0], sizes = [1, 128], strides = [1, 1]} : vector<64x128xf32> to vector<1x128xf32>
    %min3A_1416 = vector.broadcast %slice3A_1415 : vector<1x128xf32> to vector<512x128xf32>
    %min3A_1417 = arith.minimumf %broadcast_in_dim3A_150, %min3A_1416 : vector<512x128xf32>
    %add3A_1418 = arith.addf %add3A_1414, %min3A_1417 : vector<512x128xf32>
    %slice3A_1419 = vector.extract_strided_slice %slice3A_1267 {offsets = [38, 0], sizes = [1, 128], strides = [1, 1]} : vector<64x128xf32> to vector<1x128xf32>
    %min3A_1420 = vector.broadcast %slice3A_1419 : vector<1x128xf32> to vector<512x128xf32>
    %min3A_1421 = arith.minimumf %broadcast_in_dim3A_153, %min3A_1420 : vector<512x128xf32>
    %add3A_1422 = arith.addf %add3A_1418, %min3A_1421 : vector<512x128xf32>
    %slice3A_1423 = vector.extract_strided_slice %slice3A_1267 {offsets = [39, 0], sizes = [1, 128], strides = [1, 1]} : vector<64x128xf32> to vector<1x128xf32>
    %min3A_1424 = vector.broadcast %slice3A_1423 : vector<1x128xf32> to vector<512x128xf32>
    %min3A_1425 = arith.minimumf %broadcast_in_dim3A_156, %min3A_1424 : vector<512x128xf32>
    %add3A_1426 = arith.addf %add3A_1422, %min3A_1425 : vector<512x128xf32>
    %slice3A_1427 = vector.extract_strided_slice %slice3A_1267 {offsets = [40, 0], sizes = [1, 128], strides = [1, 1]} : vector<64x128xf32> to vector<1x128xf32>
    %min3A_1428 = vector.broadcast %slice3A_1427 : vector<1x128xf32> to vector<512x128xf32>
    %min3A_1429 = arith.minimumf %broadcast_in_dim3A_159, %min3A_1428 : vector<512x128xf32>
    %add3A_1430 = arith.addf %add3A_1426, %min3A_1429 : vector<512x128xf32>
    %slice3A_1431 = vector.extract_strided_slice %slice3A_1267 {offsets = [41, 0], sizes = [1, 128], strides = [1, 1]} : vector<64x128xf32> to vector<1x128xf32>
    %min3A_1432 = vector.broadcast %slice3A_1431 : vector<1x128xf32> to vector<512x128xf32>
    %min3A_1433 = arith.minimumf %broadcast_in_dim3A_162, %min3A_1432 : vector<512x128xf32>
    %add3A_1434 = arith.addf %add3A_1430, %min3A_1433 : vector<512x128xf32>
    %slice3A_1435 = vector.extract_strided_slice %slice3A_1267 {offsets = [42, 0], sizes = [1, 128], strides = [1, 1]} : vector<64x128xf32> to vector<1x128xf32>
    %min3A_1436 = vector.broadcast %slice3A_1435 : vector<1x128xf32> to vector<512x128xf32>
    %min3A_1437 = arith.minimumf %broadcast_in_dim3A_165, %min3A_1436 : vector<512x128xf32>
    %add3A_1438 = arith.addf %add3A_1434, %min3A_1437 : vector<512x128xf32>
    %slice3A_1439 = vector.extract_strided_slice %slice3A_1267 {offsets = [43, 0], sizes = [1, 128], strides = [1, 1]} : vector<64x128xf32> to vector<1x128xf32>
    %min3A_1440 = vector.broadcast %slice3A_1439 : vector<1x128xf32> to vector<512x128xf32>
    %min3A_1441 = arith.minimumf %broadcast_in_dim3A_168, %min3A_1440 : vector<512x128xf32>
    %add3A_1442 = arith.addf %add3A_1438, %min3A_1441 : vector<512x128xf32>
    %slice3A_1443 = vector.extract_strided_slice %slice3A_1267 {offsets = [44, 0], sizes = [1, 128], strides = [1, 1]} : vector<64x128xf32> to vector<1x128xf32>
    %min3A_1444 = vector.broadcast %slice3A_1443 : vector<1x128xf32> to vector<512x128xf32>
    %min3A_1445 = arith.minimumf %broadcast_in_dim3A_171, %min3A_1444 : vector<512x128xf32>
    %add3A_1446 = arith.addf %add3A_1442, %min3A_1445 : vector<512x128xf32>
    %slice3A_1447 = vector.extract_strided_slice %slice3A_1267 {offsets = [45, 0], sizes = [1, 128], strides = [1, 1]} : vector<64x128xf32> to vector<1x128xf32>
    %min3A_1448 = vector.broadcast %slice3A_1447 : vector<1x128xf32> to vector<512x128xf32>
    %min3A_1449 = arith.minimumf %broadcast_in_dim3A_174, %min3A_1448 : vector<512x128xf32>
    %add3A_1450 = arith.addf %add3A_1446, %min3A_1449 : vector<512x128xf32>
    %slice3A_1451 = vector.extract_strided_slice %slice3A_1267 {offsets = [46, 0], sizes = [1, 128], strides = [1, 1]} : vector<64x128xf32> to vector<1x128xf32>
    %min3A_1452 = vector.broadcast %slice3A_1451 : vector<1x128xf32> to vector<512x128xf32>
    %min3A_1453 = arith.minimumf %broadcast_in_dim3A_177, %min3A_1452 : vector<512x128xf32>
    %add3A_1454 = arith.addf %add3A_1450, %min3A_1453 : vector<512x128xf32>
    %slice3A_1455 = vector.extract_strided_slice %slice3A_1267 {offsets = [47, 0], sizes = [1, 128], strides = [1, 1]} : vector<64x128xf32> to vector<1x128xf32>
    %min3A_1456 = vector.broadcast %slice3A_1455 : vector<1x128xf32> to vector<512x128xf32>
    %min3A_1457 = arith.minimumf %broadcast_in_dim3A_180, %min3A_1456 : vector<512x128xf32>
    %add3A_1458 = arith.addf %add3A_1454, %min3A_1457 : vector<512x128xf32>
    %slice3A_1459 = vector.extract_strided_slice %slice3A_1267 {offsets = [48, 0], sizes = [1, 128], strides = [1, 1]} : vector<64x128xf32> to vector<1x128xf32>
    %min3A_1460 = vector.broadcast %slice3A_1459 : vector<1x128xf32> to vector<512x128xf32>
    %min3A_1461 = arith.minimumf %broadcast_in_dim3A_183, %min3A_1460 : vector<512x128xf32>
    %add3A_1462 = arith.addf %add3A_1458, %min3A_1461 : vector<512x128xf32>
    %slice3A_1463 = vector.extract_strided_slice %slice3A_1267 {offsets = [49, 0], sizes = [1, 128], strides = [1, 1]} : vector<64x128xf32> to vector<1x128xf32>
    %min3A_1464 = vector.broadcast %slice3A_1463 : vector<1x128xf32> to vector<512x128xf32>
    %min3A_1465 = arith.minimumf %broadcast_in_dim3A_186, %min3A_1464 : vector<512x128xf32>
    %add3A_1466 = arith.addf %add3A_1462, %min3A_1465 : vector<512x128xf32>
    %slice3A_1467 = vector.extract_strided_slice %slice3A_1267 {offsets = [50, 0], sizes = [1, 128], strides = [1, 1]} : vector<64x128xf32> to vector<1x128xf32>
    %min3A_1468 = vector.broadcast %slice3A_1467 : vector<1x128xf32> to vector<512x128xf32>
    %min3A_1469 = arith.minimumf %broadcast_in_dim3A_189, %min3A_1468 : vector<512x128xf32>
    %add3A_1470 = arith.addf %add3A_1466, %min3A_1469 : vector<512x128xf32>
    %slice3A_1471 = vector.extract_strided_slice %slice3A_1267 {offsets = [51, 0], sizes = [1, 128], strides = [1, 1]} : vector<64x128xf32> to vector<1x128xf32>
    %min3A_1472 = vector.broadcast %slice3A_1471 : vector<1x128xf32> to vector<512x128xf32>
    %min3A_1473 = arith.minimumf %broadcast_in_dim3A_192, %min3A_1472 : vector<512x128xf32>
    %add3A_1474 = arith.addf %add3A_1470, %min3A_1473 : vector<512x128xf32>
    %slice3A_1475 = vector.extract_strided_slice %slice3A_1267 {offsets = [52, 0], sizes = [1, 128], strides = [1, 1]} : vector<64x128xf32> to vector<1x128xf32>
    %min3A_1476 = vector.broadcast %slice3A_1475 : vector<1x128xf32> to vector<512x128xf32>
    %min3A_1477 = arith.minimumf %broadcast_in_dim3A_195, %min3A_1476 : vector<512x128xf32>
    %add3A_1478 = arith.addf %add3A_1474, %min3A_1477 : vector<512x128xf32>
    %slice3A_1479 = vector.extract_strided_slice %slice3A_1267 {offsets = [53, 0], sizes = [1, 128], strides = [1, 1]} : vector<64x128xf32> to vector<1x128xf32>
    %min3A_1480 = vector.broadcast %slice3A_1479 : vector<1x128xf32> to vector<512x128xf32>
    %min3A_1481 = arith.minimumf %broadcast_in_dim3A_198, %min3A_1480 : vector<512x128xf32>
    %add3A_1482 = arith.addf %add3A_1478, %min3A_1481 : vector<512x128xf32>
    %slice3A_1483 = vector.extract_strided_slice %slice3A_1267 {offsets = [54, 0], sizes = [1, 128], strides = [1, 1]} : vector<64x128xf32> to vector<1x128xf32>
    %min3A_1484 = vector.broadcast %slice3A_1483 : vector<1x128xf32> to vector<512x128xf32>
    %min3A_1485 = arith.minimumf %broadcast_in_dim3A_201, %min3A_1484 : vector<512x128xf32>
    %add3A_1486 = arith.addf %add3A_1482, %min3A_1485 : vector<512x128xf32>
    %slice3A_1487 = vector.extract_strided_slice %slice3A_1267 {offsets = [55, 0], sizes = [1, 128], strides = [1, 1]} : vector<64x128xf32> to vector<1x128xf32>
    %min3A_1488 = vector.broadcast %slice3A_1487 : vector<1x128xf32> to vector<512x128xf32>
    %min3A_1489 = arith.minimumf %broadcast_in_dim3A_204, %min3A_1488 : vector<512x128xf32>
    %add3A_1490 = arith.addf %add3A_1486, %min3A_1489 : vector<512x128xf32>
    %slice3A_1491 = vector.extract_strided_slice %slice3A_1267 {offsets = [56, 0], sizes = [1, 128], strides = [1, 1]} : vector<64x128xf32> to vector<1x128xf32>
    %min3A_1492 = vector.broadcast %slice3A_1491 : vector<1x128xf32> to vector<512x128xf32>
    %min3A_1493 = arith.minimumf %broadcast_in_dim3A_207, %min3A_1492 : vector<512x128xf32>
    %add3A_1494 = arith.addf %add3A_1490, %min3A_1493 : vector<512x128xf32>
    %slice3A_1495 = vector.extract_strided_slice %slice3A_1267 {offsets = [57, 0], sizes = [1, 128], strides = [1, 1]} : vector<64x128xf32> to vector<1x128xf32>
    %min3A_1496 = vector.broadcast %slice3A_1495 : vector<1x128xf32> to vector<512x128xf32>
    %min3A_1497 = arith.minimumf %broadcast_in_dim3A_210, %min3A_1496 : vector<512x128xf32>
    %add3A_1498 = arith.addf %add3A_1494, %min3A_1497 : vector<512x128xf32>
    %slice3A_1499 = vector.extract_strided_slice %slice3A_1267 {offsets = [58, 0], sizes = [1, 128], strides = [1, 1]} : vector<64x128xf32> to vector<1x128xf32>
    %min3A_1500 = vector.broadcast %slice3A_1499 : vector<1x128xf32> to vector<512x128xf32>
    %min3A_1501 = arith.minimumf %broadcast_in_dim3A_213, %min3A_1500 : vector<512x128xf32>
    %add3A_1502 = arith.addf %add3A_1498, %min3A_1501 : vector<512x128xf32>
    %slice3A_1503 = vector.extract_strided_slice %slice3A_1267 {offsets = [59, 0], sizes = [1, 128], strides = [1, 1]} : vector<64x128xf32> to vector<1x128xf32>
    %min3A_1504 = vector.broadcast %slice3A_1503 : vector<1x128xf32> to vector<512x128xf32>
    %min3A_1505 = arith.minimumf %broadcast_in_dim3A_216, %min3A_1504 : vector<512x128xf32>
    %add3A_1506 = arith.addf %add3A_1502, %min3A_1505 : vector<512x128xf32>
    %slice3A_1507 = vector.extract_strided_slice %slice3A_1267 {offsets = [60, 0], sizes = [1, 128], strides = [1, 1]} : vector<64x128xf32> to vector<1x128xf32>
    %min3A_1508 = vector.broadcast %slice3A_1507 : vector<1x128xf32> to vector<512x128xf32>
    %min3A_1509 = arith.minimumf %broadcast_in_dim3A_219, %min3A_1508 : vector<512x128xf32>
    %add3A_1510 = arith.addf %add3A_1506, %min3A_1509 : vector<512x128xf32>
    %slice3A_1511 = vector.extract_strided_slice %slice3A_1267 {offsets = [61, 0], sizes = [1, 128], strides = [1, 1]} : vector<64x128xf32> to vector<1x128xf32>
    %min3A_1512 = vector.broadcast %slice3A_1511 : vector<1x128xf32> to vector<512x128xf32>
    %min3A_1513 = arith.minimumf %broadcast_in_dim3A_222, %min3A_1512 : vector<512x128xf32>
    %add3A_1514 = arith.addf %add3A_1510, %min3A_1513 : vector<512x128xf32>
    %slice3A_1515 = vector.extract_strided_slice %slice3A_1267 {offsets = [62, 0], sizes = [1, 128], strides = [1, 1]} : vector<64x128xf32> to vector<1x128xf32>
    %min3A_1516 = vector.broadcast %slice3A_1515 : vector<1x128xf32> to vector<512x128xf32>
    %min3A_1517 = arith.minimumf %broadcast_in_dim3A_225, %min3A_1516 : vector<512x128xf32>
    %add3A_1518 = arith.addf %add3A_1514, %min3A_1517 : vector<512x128xf32>
    %slice3A_1519 = vector.extract_strided_slice %slice3A_1267 {offsets = [63, 0], sizes = [1, 128], strides = [1, 1]} : vector<64x128xf32> to vector<1x128xf32>
    %min3A_1520 = vector.broadcast %slice3A_1519 : vector<1x128xf32> to vector<512x128xf32>
    %min3A_1521 = arith.minimumf %broadcast_in_dim3A_228, %min3A_1520 : vector<512x128xf32>
    %add3A_1522 = arith.addf %add3A_1518, %min3A_1521 : vector<512x128xf32>
    %slice3A_1523 = vector.extract_strided_slice %select_n3A {offsets = [0, 512], sizes = [1, 128], strides = [1, 1]} : vector<1x1024xf32> to vector<1x128xf32>
    %add3A_1524 = arith.addf %add3A_1522, %add3A_1522 : vector<512x128xf32>
    %sub3A_1525 = vector.broadcast %slice3A_1523 : vector<1x128xf32> to vector<512x128xf32>
    %sub3A_1526 = arith.subf %sub3A_1525, %add3A_1524 : vector<512x128xf32>
    %slice3A_1527 = vector.extract_strided_slice %div3A_31 {offsets = [0, 640], sizes = [64, 128], strides = [1, 1]} : vector<64x1024xf32> to vector<64x128xf32>
    %slice3A_1528 = vector.extract_strided_slice %slice3A_1527 {offsets = [0, 0], sizes = [1, 128], strides = [1, 1]} : vector<64x128xf32> to vector<1x128xf32>
    %min3A_1529 = vector.broadcast %slice3A_1528 : vector<1x128xf32> to vector<512x128xf32>
    %min3A_1530 = arith.minimumf %broadcast_in_dim3A_39, %min3A_1529 : vector<512x128xf32>
    %slice3A_1531 = vector.extract_strided_slice %slice3A_1527 {offsets = [1, 0], sizes = [1, 128], strides = [1, 1]} : vector<64x128xf32> to vector<1x128xf32>
    %min3A_1532 = vector.broadcast %slice3A_1531 : vector<1x128xf32> to vector<512x128xf32>
    %min3A_1533 = arith.minimumf %broadcast_in_dim3A_42, %min3A_1532 : vector<512x128xf32>
    %add3A_1534 = arith.addf %min3A_1530, %min3A_1533 : vector<512x128xf32>
    %slice3A_1535 = vector.extract_strided_slice %slice3A_1527 {offsets = [2, 0], sizes = [1, 128], strides = [1, 1]} : vector<64x128xf32> to vector<1x128xf32>
    %min3A_1536 = vector.broadcast %slice3A_1535 : vector<1x128xf32> to vector<512x128xf32>
    %min3A_1537 = arith.minimumf %broadcast_in_dim3A_45, %min3A_1536 : vector<512x128xf32>
    %add3A_1538 = arith.addf %add3A_1534, %min3A_1537 : vector<512x128xf32>
    %slice3A_1539 = vector.extract_strided_slice %slice3A_1527 {offsets = [3, 0], sizes = [1, 128], strides = [1, 1]} : vector<64x128xf32> to vector<1x128xf32>
    %min3A_1540 = vector.broadcast %slice3A_1539 : vector<1x128xf32> to vector<512x128xf32>
    %min3A_1541 = arith.minimumf %broadcast_in_dim3A_48, %min3A_1540 : vector<512x128xf32>
    %add3A_1542 = arith.addf %add3A_1538, %min3A_1541 : vector<512x128xf32>
    %slice3A_1543 = vector.extract_strided_slice %slice3A_1527 {offsets = [4, 0], sizes = [1, 128], strides = [1, 1]} : vector<64x128xf32> to vector<1x128xf32>
    %min3A_1544 = vector.broadcast %slice3A_1543 : vector<1x128xf32> to vector<512x128xf32>
    %min3A_1545 = arith.minimumf %broadcast_in_dim3A_51, %min3A_1544 : vector<512x128xf32>
    %add3A_1546 = arith.addf %add3A_1542, %min3A_1545 : vector<512x128xf32>
    %slice3A_1547 = vector.extract_strided_slice %slice3A_1527 {offsets = [5, 0], sizes = [1, 128], strides = [1, 1]} : vector<64x128xf32> to vector<1x128xf32>
    %min3A_1548 = vector.broadcast %slice3A_1547 : vector<1x128xf32> to vector<512x128xf32>
    %min3A_1549 = arith.minimumf %broadcast_in_dim3A_54, %min3A_1548 : vector<512x128xf32>
    %add3A_1550 = arith.addf %add3A_1546, %min3A_1549 : vector<512x128xf32>
    %slice3A_1551 = vector.extract_strided_slice %slice3A_1527 {offsets = [6, 0], sizes = [1, 128], strides = [1, 1]} : vector<64x128xf32> to vector<1x128xf32>
    %min3A_1552 = vector.broadcast %slice3A_1551 : vector<1x128xf32> to vector<512x128xf32>
    %min3A_1553 = arith.minimumf %broadcast_in_dim3A_57, %min3A_1552 : vector<512x128xf32>
    %add3A_1554 = arith.addf %add3A_1550, %min3A_1553 : vector<512x128xf32>
    %slice3A_1555 = vector.extract_strided_slice %slice3A_1527 {offsets = [7, 0], sizes = [1, 128], strides = [1, 1]} : vector<64x128xf32> to vector<1x128xf32>
    %min3A_1556 = vector.broadcast %slice3A_1555 : vector<1x128xf32> to vector<512x128xf32>
    %min3A_1557 = arith.minimumf %broadcast_in_dim3A_60, %min3A_1556 : vector<512x128xf32>
    %add3A_1558 = arith.addf %add3A_1554, %min3A_1557 : vector<512x128xf32>
    %slice3A_1559 = vector.extract_strided_slice %slice3A_1527 {offsets = [8, 0], sizes = [1, 128], strides = [1, 1]} : vector<64x128xf32> to vector<1x128xf32>
    %min3A_1560 = vector.broadcast %slice3A_1559 : vector<1x128xf32> to vector<512x128xf32>
    %min3A_1561 = arith.minimumf %broadcast_in_dim3A_63, %min3A_1560 : vector<512x128xf32>
    %add3A_1562 = arith.addf %add3A_1558, %min3A_1561 : vector<512x128xf32>
    %slice3A_1563 = vector.extract_strided_slice %slice3A_1527 {offsets = [9, 0], sizes = [1, 128], strides = [1, 1]} : vector<64x128xf32> to vector<1x128xf32>
    %min3A_1564 = vector.broadcast %slice3A_1563 : vector<1x128xf32> to vector<512x128xf32>
    %min3A_1565 = arith.minimumf %broadcast_in_dim3A_66, %min3A_1564 : vector<512x128xf32>
    %add3A_1566 = arith.addf %add3A_1562, %min3A_1565 : vector<512x128xf32>
    %slice3A_1567 = vector.extract_strided_slice %slice3A_1527 {offsets = [10, 0], sizes = [1, 128], strides = [1, 1]} : vector<64x128xf32> to vector<1x128xf32>
    %min3A_1568 = vector.broadcast %slice3A_1567 : vector<1x128xf32> to vector<512x128xf32>
    %min3A_1569 = arith.minimumf %broadcast_in_dim3A_69, %min3A_1568 : vector<512x128xf32>
    %add3A_1570 = arith.addf %add3A_1566, %min3A_1569 : vector<512x128xf32>
    %slice3A_1571 = vector.extract_strided_slice %slice3A_1527 {offsets = [11, 0], sizes = [1, 128], strides = [1, 1]} : vector<64x128xf32> to vector<1x128xf32>
    %min3A_1572 = vector.broadcast %slice3A_1571 : vector<1x128xf32> to vector<512x128xf32>
    %min3A_1573 = arith.minimumf %broadcast_in_dim3A_72, %min3A_1572 : vector<512x128xf32>
    %add3A_1574 = arith.addf %add3A_1570, %min3A_1573 : vector<512x128xf32>
    %slice3A_1575 = vector.extract_strided_slice %slice3A_1527 {offsets = [12, 0], sizes = [1, 128], strides = [1, 1]} : vector<64x128xf32> to vector<1x128xf32>
    %min3A_1576 = vector.broadcast %slice3A_1575 : vector<1x128xf32> to vector<512x128xf32>
    %min3A_1577 = arith.minimumf %broadcast_in_dim3A_75, %min3A_1576 : vector<512x128xf32>
    %add3A_1578 = arith.addf %add3A_1574, %min3A_1577 : vector<512x128xf32>
    %slice3A_1579 = vector.extract_strided_slice %slice3A_1527 {offsets = [13, 0], sizes = [1, 128], strides = [1, 1]} : vector<64x128xf32> to vector<1x128xf32>
    %min3A_1580 = vector.broadcast %slice3A_1579 : vector<1x128xf32> to vector<512x128xf32>
    %min3A_1581 = arith.minimumf %broadcast_in_dim3A_78, %min3A_1580 : vector<512x128xf32>
    %add3A_1582 = arith.addf %add3A_1578, %min3A_1581 : vector<512x128xf32>
    %slice3A_1583 = vector.extract_strided_slice %slice3A_1527 {offsets = [14, 0], sizes = [1, 128], strides = [1, 1]} : vector<64x128xf32> to vector<1x128xf32>
    %min3A_1584 = vector.broadcast %slice3A_1583 : vector<1x128xf32> to vector<512x128xf32>
    %min3A_1585 = arith.minimumf %broadcast_in_dim3A_81, %min3A_1584 : vector<512x128xf32>
    %add3A_1586 = arith.addf %add3A_1582, %min3A_1585 : vector<512x128xf32>
    %slice3A_1587 = vector.extract_strided_slice %slice3A_1527 {offsets = [15, 0], sizes = [1, 128], strides = [1, 1]} : vector<64x128xf32> to vector<1x128xf32>
    %min3A_1588 = vector.broadcast %slice3A_1587 : vector<1x128xf32> to vector<512x128xf32>
    %min3A_1589 = arith.minimumf %broadcast_in_dim3A_84, %min3A_1588 : vector<512x128xf32>
    %add3A_1590 = arith.addf %add3A_1586, %min3A_1589 : vector<512x128xf32>
    %slice3A_1591 = vector.extract_strided_slice %slice3A_1527 {offsets = [16, 0], sizes = [1, 128], strides = [1, 1]} : vector<64x128xf32> to vector<1x128xf32>
    %min3A_1592 = vector.broadcast %slice3A_1591 : vector<1x128xf32> to vector<512x128xf32>
    %min3A_1593 = arith.minimumf %broadcast_in_dim3A_87, %min3A_1592 : vector<512x128xf32>
    %add3A_1594 = arith.addf %add3A_1590, %min3A_1593 : vector<512x128xf32>
    %slice3A_1595 = vector.extract_strided_slice %slice3A_1527 {offsets = [17, 0], sizes = [1, 128], strides = [1, 1]} : vector<64x128xf32> to vector<1x128xf32>
    %min3A_1596 = vector.broadcast %slice3A_1595 : vector<1x128xf32> to vector<512x128xf32>
    %min3A_1597 = arith.minimumf %broadcast_in_dim3A_90, %min3A_1596 : vector<512x128xf32>
    %add3A_1598 = arith.addf %add3A_1594, %min3A_1597 : vector<512x128xf32>
    %slice3A_1599 = vector.extract_strided_slice %slice3A_1527 {offsets = [18, 0], sizes = [1, 128], strides = [1, 1]} : vector<64x128xf32> to vector<1x128xf32>
    %min3A_1600 = vector.broadcast %slice3A_1599 : vector<1x128xf32> to vector<512x128xf32>
    %min3A_1601 = arith.minimumf %broadcast_in_dim3A_93, %min3A_1600 : vector<512x128xf32>
    %add3A_1602 = arith.addf %add3A_1598, %min3A_1601 : vector<512x128xf32>
    %slice3A_1603 = vector.extract_strided_slice %slice3A_1527 {offsets = [19, 0], sizes = [1, 128], strides = [1, 1]} : vector<64x128xf32> to vector<1x128xf32>
    %min3A_1604 = vector.broadcast %slice3A_1603 : vector<1x128xf32> to vector<512x128xf32>
    %min3A_1605 = arith.minimumf %broadcast_in_dim3A_96, %min3A_1604 : vector<512x128xf32>
    %add3A_1606 = arith.addf %add3A_1602, %min3A_1605 : vector<512x128xf32>
    %slice3A_1607 = vector.extract_strided_slice %slice3A_1527 {offsets = [20, 0], sizes = [1, 128], strides = [1, 1]} : vector<64x128xf32> to vector<1x128xf32>
    %min3A_1608 = vector.broadcast %slice3A_1607 : vector<1x128xf32> to vector<512x128xf32>
    %min3A_1609 = arith.minimumf %broadcast_in_dim3A_99, %min3A_1608 : vector<512x128xf32>
    %add3A_1610 = arith.addf %add3A_1606, %min3A_1609 : vector<512x128xf32>
    %slice3A_1611 = vector.extract_strided_slice %slice3A_1527 {offsets = [21, 0], sizes = [1, 128], strides = [1, 1]} : vector<64x128xf32> to vector<1x128xf32>
    %min3A_1612 = vector.broadcast %slice3A_1611 : vector<1x128xf32> to vector<512x128xf32>
    %min3A_1613 = arith.minimumf %broadcast_in_dim3A_102, %min3A_1612 : vector<512x128xf32>
    %add3A_1614 = arith.addf %add3A_1610, %min3A_1613 : vector<512x128xf32>
    %slice3A_1615 = vector.extract_strided_slice %slice3A_1527 {offsets = [22, 0], sizes = [1, 128], strides = [1, 1]} : vector<64x128xf32> to vector<1x128xf32>
    %min3A_1616 = vector.broadcast %slice3A_1615 : vector<1x128xf32> to vector<512x128xf32>
    %min3A_1617 = arith.minimumf %broadcast_in_dim3A_105, %min3A_1616 : vector<512x128xf32>
    %add3A_1618 = arith.addf %add3A_1614, %min3A_1617 : vector<512x128xf32>
    %slice3A_1619 = vector.extract_strided_slice %slice3A_1527 {offsets = [23, 0], sizes = [1, 128], strides = [1, 1]} : vector<64x128xf32> to vector<1x128xf32>
    %min3A_1620 = vector.broadcast %slice3A_1619 : vector<1x128xf32> to vector<512x128xf32>
    %min3A_1621 = arith.minimumf %broadcast_in_dim3A_108, %min3A_1620 : vector<512x128xf32>
    %add3A_1622 = arith.addf %add3A_1618, %min3A_1621 : vector<512x128xf32>
    %slice3A_1623 = vector.extract_strided_slice %slice3A_1527 {offsets = [24, 0], sizes = [1, 128], strides = [1, 1]} : vector<64x128xf32> to vector<1x128xf32>
    %min3A_1624 = vector.broadcast %slice3A_1623 : vector<1x128xf32> to vector<512x128xf32>
    %min3A_1625 = arith.minimumf %broadcast_in_dim3A_111, %min3A_1624 : vector<512x128xf32>
    %add3A_1626 = arith.addf %add3A_1622, %min3A_1625 : vector<512x128xf32>
    %slice3A_1627 = vector.extract_strided_slice %slice3A_1527 {offsets = [25, 0], sizes = [1, 128], strides = [1, 1]} : vector<64x128xf32> to vector<1x128xf32>
    %min3A_1628 = vector.broadcast %slice3A_1627 : vector<1x128xf32> to vector<512x128xf32>
    %min3A_1629 = arith.minimumf %broadcast_in_dim3A_114, %min3A_1628 : vector<512x128xf32>
    %add3A_1630 = arith.addf %add3A_1626, %min3A_1629 : vector<512x128xf32>
    %slice3A_1631 = vector.extract_strided_slice %slice3A_1527 {offsets = [26, 0], sizes = [1, 128], strides = [1, 1]} : vector<64x128xf32> to vector<1x128xf32>
    %min3A_1632 = vector.broadcast %slice3A_1631 : vector<1x128xf32> to vector<512x128xf32>
    %min3A_1633 = arith.minimumf %broadcast_in_dim3A_117, %min3A_1632 : vector<512x128xf32>
    %add3A_1634 = arith.addf %add3A_1630, %min3A_1633 : vector<512x128xf32>
    %slice3A_1635 = vector.extract_strided_slice %slice3A_1527 {offsets = [27, 0], sizes = [1, 128], strides = [1, 1]} : vector<64x128xf32> to vector<1x128xf32>
    %min3A_1636 = vector.broadcast %slice3A_1635 : vector<1x128xf32> to vector<512x128xf32>
    %min3A_1637 = arith.minimumf %broadcast_in_dim3A_120, %min3A_1636 : vector<512x128xf32>
    %add3A_1638 = arith.addf %add3A_1634, %min3A_1637 : vector<512x128xf32>
    %slice3A_1639 = vector.extract_strided_slice %slice3A_1527 {offsets = [28, 0], sizes = [1, 128], strides = [1, 1]} : vector<64x128xf32> to vector<1x128xf32>
    %min3A_1640 = vector.broadcast %slice3A_1639 : vector<1x128xf32> to vector<512x128xf32>
    %min3A_1641 = arith.minimumf %broadcast_in_dim3A_123, %min3A_1640 : vector<512x128xf32>
    %add3A_1642 = arith.addf %add3A_1638, %min3A_1641 : vector<512x128xf32>
    %slice3A_1643 = vector.extract_strided_slice %slice3A_1527 {offsets = [29, 0], sizes = [1, 128], strides = [1, 1]} : vector<64x128xf32> to vector<1x128xf32>
    %min3A_1644 = vector.broadcast %slice3A_1643 : vector<1x128xf32> to vector<512x128xf32>
    %min3A_1645 = arith.minimumf %broadcast_in_dim3A_126, %min3A_1644 : vector<512x128xf32>
    %add3A_1646 = arith.addf %add3A_1642, %min3A_1645 : vector<512x128xf32>
    %slice3A_1647 = vector.extract_strided_slice %slice3A_1527 {offsets = [30, 0], sizes = [1, 128], strides = [1, 1]} : vector<64x128xf32> to vector<1x128xf32>
    %min3A_1648 = vector.broadcast %slice3A_1647 : vector<1x128xf32> to vector<512x128xf32>
    %min3A_1649 = arith.minimumf %broadcast_in_dim3A_129, %min3A_1648 : vector<512x128xf32>
    %add3A_1650 = arith.addf %add3A_1646, %min3A_1649 : vector<512x128xf32>
    %slice3A_1651 = vector.extract_strided_slice %slice3A_1527 {offsets = [31, 0], sizes = [1, 128], strides = [1, 1]} : vector<64x128xf32> to vector<1x128xf32>
    %min3A_1652 = vector.broadcast %slice3A_1651 : vector<1x128xf32> to vector<512x128xf32>
    %min3A_1653 = arith.minimumf %broadcast_in_dim3A_132, %min3A_1652 : vector<512x128xf32>
    %add3A_1654 = arith.addf %add3A_1650, %min3A_1653 : vector<512x128xf32>
    %slice3A_1655 = vector.extract_strided_slice %slice3A_1527 {offsets = [32, 0], sizes = [1, 128], strides = [1, 1]} : vector<64x128xf32> to vector<1x128xf32>
    %min3A_1656 = vector.broadcast %slice3A_1655 : vector<1x128xf32> to vector<512x128xf32>
    %min3A_1657 = arith.minimumf %broadcast_in_dim3A_135, %min3A_1656 : vector<512x128xf32>
    %add3A_1658 = arith.addf %add3A_1654, %min3A_1657 : vector<512x128xf32>
    %slice3A_1659 = vector.extract_strided_slice %slice3A_1527 {offsets = [33, 0], sizes = [1, 128], strides = [1, 1]} : vector<64x128xf32> to vector<1x128xf32>
    %min3A_1660 = vector.broadcast %slice3A_1659 : vector<1x128xf32> to vector<512x128xf32>
    %min3A_1661 = arith.minimumf %broadcast_in_dim3A_138, %min3A_1660 : vector<512x128xf32>
    %add3A_1662 = arith.addf %add3A_1658, %min3A_1661 : vector<512x128xf32>
    %slice3A_1663 = vector.extract_strided_slice %slice3A_1527 {offsets = [34, 0], sizes = [1, 128], strides = [1, 1]} : vector<64x128xf32> to vector<1x128xf32>
    %min3A_1664 = vector.broadcast %slice3A_1663 : vector<1x128xf32> to vector<512x128xf32>
    %min3A_1665 = arith.minimumf %broadcast_in_dim3A_141, %min3A_1664 : vector<512x128xf32>
    %add3A_1666 = arith.addf %add3A_1662, %min3A_1665 : vector<512x128xf32>
    %slice3A_1667 = vector.extract_strided_slice %slice3A_1527 {offsets = [35, 0], sizes = [1, 128], strides = [1, 1]} : vector<64x128xf32> to vector<1x128xf32>
    %min3A_1668 = vector.broadcast %slice3A_1667 : vector<1x128xf32> to vector<512x128xf32>
    %min3A_1669 = arith.minimumf %broadcast_in_dim3A_144, %min3A_1668 : vector<512x128xf32>
    %add3A_1670 = arith.addf %add3A_1666, %min3A_1669 : vector<512x128xf32>
    %slice3A_1671 = vector.extract_strided_slice %slice3A_1527 {offsets = [36, 0], sizes = [1, 128], strides = [1, 1]} : vector<64x128xf32> to vector<1x128xf32>
    %min3A_1672 = vector.broadcast %slice3A_1671 : vector<1x128xf32> to vector<512x128xf32>
    %min3A_1673 = arith.minimumf %broadcast_in_dim3A_147, %min3A_1672 : vector<512x128xf32>
    %add3A_1674 = arith.addf %add3A_1670, %min3A_1673 : vector<512x128xf32>
    %slice3A_1675 = vector.extract_strided_slice %slice3A_1527 {offsets = [37, 0], sizes = [1, 128], strides = [1, 1]} : vector<64x128xf32> to vector<1x128xf32>
    %min3A_1676 = vector.broadcast %slice3A_1675 : vector<1x128xf32> to vector<512x128xf32>
    %min3A_1677 = arith.minimumf %broadcast_in_dim3A_150, %min3A_1676 : vector<512x128xf32>
    %add3A_1678 = arith.addf %add3A_1674, %min3A_1677 : vector<512x128xf32>
    %slice3A_1679 = vector.extract_strided_slice %slice3A_1527 {offsets = [38, 0], sizes = [1, 128], strides = [1, 1]} : vector<64x128xf32> to vector<1x128xf32>
    %min3A_1680 = vector.broadcast %slice3A_1679 : vector<1x128xf32> to vector<512x128xf32>
    %min3A_1681 = arith.minimumf %broadcast_in_dim3A_153, %min3A_1680 : vector<512x128xf32>
    %add3A_1682 = arith.addf %add3A_1678, %min3A_1681 : vector<512x128xf32>
    %slice3A_1683 = vector.extract_strided_slice %slice3A_1527 {offsets = [39, 0], sizes = [1, 128], strides = [1, 1]} : vector<64x128xf32> to vector<1x128xf32>
    %min3A_1684 = vector.broadcast %slice3A_1683 : vector<1x128xf32> to vector<512x128xf32>
    %min3A_1685 = arith.minimumf %broadcast_in_dim3A_156, %min3A_1684 : vector<512x128xf32>
    %add3A_1686 = arith.addf %add3A_1682, %min3A_1685 : vector<512x128xf32>
    %slice3A_1687 = vector.extract_strided_slice %slice3A_1527 {offsets = [40, 0], sizes = [1, 128], strides = [1, 1]} : vector<64x128xf32> to vector<1x128xf32>
    %min3A_1688 = vector.broadcast %slice3A_1687 : vector<1x128xf32> to vector<512x128xf32>
    %min3A_1689 = arith.minimumf %broadcast_in_dim3A_159, %min3A_1688 : vector<512x128xf32>
    %add3A_1690 = arith.addf %add3A_1686, %min3A_1689 : vector<512x128xf32>
    %slice3A_1691 = vector.extract_strided_slice %slice3A_1527 {offsets = [41, 0], sizes = [1, 128], strides = [1, 1]} : vector<64x128xf32> to vector<1x128xf32>
    %min3A_1692 = vector.broadcast %slice3A_1691 : vector<1x128xf32> to vector<512x128xf32>
    %min3A_1693 = arith.minimumf %broadcast_in_dim3A_162, %min3A_1692 : vector<512x128xf32>
    %add3A_1694 = arith.addf %add3A_1690, %min3A_1693 : vector<512x128xf32>
    %slice3A_1695 = vector.extract_strided_slice %slice3A_1527 {offsets = [42, 0], sizes = [1, 128], strides = [1, 1]} : vector<64x128xf32> to vector<1x128xf32>
    %min3A_1696 = vector.broadcast %slice3A_1695 : vector<1x128xf32> to vector<512x128xf32>
    %min3A_1697 = arith.minimumf %broadcast_in_dim3A_165, %min3A_1696 : vector<512x128xf32>
    %add3A_1698 = arith.addf %add3A_1694, %min3A_1697 : vector<512x128xf32>
    %slice3A_1699 = vector.extract_strided_slice %slice3A_1527 {offsets = [43, 0], sizes = [1, 128], strides = [1, 1]} : vector<64x128xf32> to vector<1x128xf32>
    %min3A_1700 = vector.broadcast %slice3A_1699 : vector<1x128xf32> to vector<512x128xf32>
    %min3A_1701 = arith.minimumf %broadcast_in_dim3A_168, %min3A_1700 : vector<512x128xf32>
    %add3A_1702 = arith.addf %add3A_1698, %min3A_1701 : vector<512x128xf32>
    %slice3A_1703 = vector.extract_strided_slice %slice3A_1527 {offsets = [44, 0], sizes = [1, 128], strides = [1, 1]} : vector<64x128xf32> to vector<1x128xf32>
    %min3A_1704 = vector.broadcast %slice3A_1703 : vector<1x128xf32> to vector<512x128xf32>
    %min3A_1705 = arith.minimumf %broadcast_in_dim3A_171, %min3A_1704 : vector<512x128xf32>
    %add3A_1706 = arith.addf %add3A_1702, %min3A_1705 : vector<512x128xf32>
    %slice3A_1707 = vector.extract_strided_slice %slice3A_1527 {offsets = [45, 0], sizes = [1, 128], strides = [1, 1]} : vector<64x128xf32> to vector<1x128xf32>
    %min3A_1708 = vector.broadcast %slice3A_1707 : vector<1x128xf32> to vector<512x128xf32>
    %min3A_1709 = arith.minimumf %broadcast_in_dim3A_174, %min3A_1708 : vector<512x128xf32>
    %add3A_1710 = arith.addf %add3A_1706, %min3A_1709 : vector<512x128xf32>
    %slice3A_1711 = vector.extract_strided_slice %slice3A_1527 {offsets = [46, 0], sizes = [1, 128], strides = [1, 1]} : vector<64x128xf32> to vector<1x128xf32>
    %min3A_1712 = vector.broadcast %slice3A_1711 : vector<1x128xf32> to vector<512x128xf32>
    %min3A_1713 = arith.minimumf %broadcast_in_dim3A_177, %min3A_1712 : vector<512x128xf32>
    %add3A_1714 = arith.addf %add3A_1710, %min3A_1713 : vector<512x128xf32>
    %slice3A_1715 = vector.extract_strided_slice %slice3A_1527 {offsets = [47, 0], sizes = [1, 128], strides = [1, 1]} : vector<64x128xf32> to vector<1x128xf32>
    %min3A_1716 = vector.broadcast %slice3A_1715 : vector<1x128xf32> to vector<512x128xf32>
    %min3A_1717 = arith.minimumf %broadcast_in_dim3A_180, %min3A_1716 : vector<512x128xf32>
    %add3A_1718 = arith.addf %add3A_1714, %min3A_1717 : vector<512x128xf32>
    %slice3A_1719 = vector.extract_strided_slice %slice3A_1527 {offsets = [48, 0], sizes = [1, 128], strides = [1, 1]} : vector<64x128xf32> to vector<1x128xf32>
    %min3A_1720 = vector.broadcast %slice3A_1719 : vector<1x128xf32> to vector<512x128xf32>
    %min3A_1721 = arith.minimumf %broadcast_in_dim3A_183, %min3A_1720 : vector<512x128xf32>
    %add3A_1722 = arith.addf %add3A_1718, %min3A_1721 : vector<512x128xf32>
    %slice3A_1723 = vector.extract_strided_slice %slice3A_1527 {offsets = [49, 0], sizes = [1, 128], strides = [1, 1]} : vector<64x128xf32> to vector<1x128xf32>
    %min3A_1724 = vector.broadcast %slice3A_1723 : vector<1x128xf32> to vector<512x128xf32>
    %min3A_1725 = arith.minimumf %broadcast_in_dim3A_186, %min3A_1724 : vector<512x128xf32>
    %add3A_1726 = arith.addf %add3A_1722, %min3A_1725 : vector<512x128xf32>
    %slice3A_1727 = vector.extract_strided_slice %slice3A_1527 {offsets = [50, 0], sizes = [1, 128], strides = [1, 1]} : vector<64x128xf32> to vector<1x128xf32>
    %min3A_1728 = vector.broadcast %slice3A_1727 : vector<1x128xf32> to vector<512x128xf32>
    %min3A_1729 = arith.minimumf %broadcast_in_dim3A_189, %min3A_1728 : vector<512x128xf32>
    %add3A_1730 = arith.addf %add3A_1726, %min3A_1729 : vector<512x128xf32>
    %slice3A_1731 = vector.extract_strided_slice %slice3A_1527 {offsets = [51, 0], sizes = [1, 128], strides = [1, 1]} : vector<64x128xf32> to vector<1x128xf32>
    %min3A_1732 = vector.broadcast %slice3A_1731 : vector<1x128xf32> to vector<512x128xf32>
    %min3A_1733 = arith.minimumf %broadcast_in_dim3A_192, %min3A_1732 : vector<512x128xf32>
    %add3A_1734 = arith.addf %add3A_1730, %min3A_1733 : vector<512x128xf32>
    %slice3A_1735 = vector.extract_strided_slice %slice3A_1527 {offsets = [52, 0], sizes = [1, 128], strides = [1, 1]} : vector<64x128xf32> to vector<1x128xf32>
    %min3A_1736 = vector.broadcast %slice3A_1735 : vector<1x128xf32> to vector<512x128xf32>
    %min3A_1737 = arith.minimumf %broadcast_in_dim3A_195, %min3A_1736 : vector<512x128xf32>
    %add3A_1738 = arith.addf %add3A_1734, %min3A_1737 : vector<512x128xf32>
    %slice3A_1739 = vector.extract_strided_slice %slice3A_1527 {offsets = [53, 0], sizes = [1, 128], strides = [1, 1]} : vector<64x128xf32> to vector<1x128xf32>
    %min3A_1740 = vector.broadcast %slice3A_1739 : vector<1x128xf32> to vector<512x128xf32>
    %min3A_1741 = arith.minimumf %broadcast_in_dim3A_198, %min3A_1740 : vector<512x128xf32>
    %add3A_1742 = arith.addf %add3A_1738, %min3A_1741 : vector<512x128xf32>
    %slice3A_1743 = vector.extract_strided_slice %slice3A_1527 {offsets = [54, 0], sizes = [1, 128], strides = [1, 1]} : vector<64x128xf32> to vector<1x128xf32>
    %min3A_1744 = vector.broadcast %slice3A_1743 : vector<1x128xf32> to vector<512x128xf32>
    %min3A_1745 = arith.minimumf %broadcast_in_dim3A_201, %min3A_1744 : vector<512x128xf32>
    %add3A_1746 = arith.addf %add3A_1742, %min3A_1745 : vector<512x128xf32>
    %slice3A_1747 = vector.extract_strided_slice %slice3A_1527 {offsets = [55, 0], sizes = [1, 128], strides = [1, 1]} : vector<64x128xf32> to vector<1x128xf32>
    %min3A_1748 = vector.broadcast %slice3A_1747 : vector<1x128xf32> to vector<512x128xf32>
    %min3A_1749 = arith.minimumf %broadcast_in_dim3A_204, %min3A_1748 : vector<512x128xf32>
    %add3A_1750 = arith.addf %add3A_1746, %min3A_1749 : vector<512x128xf32>
    %slice3A_1751 = vector.extract_strided_slice %slice3A_1527 {offsets = [56, 0], sizes = [1, 128], strides = [1, 1]} : vector<64x128xf32> to vector<1x128xf32>
    %min3A_1752 = vector.broadcast %slice3A_1751 : vector<1x128xf32> to vector<512x128xf32>
    %min3A_1753 = arith.minimumf %broadcast_in_dim3A_207, %min3A_1752 : vector<512x128xf32>
    %add3A_1754 = arith.addf %add3A_1750, %min3A_1753 : vector<512x128xf32>
    %slice3A_1755 = vector.extract_strided_slice %slice3A_1527 {offsets = [57, 0], sizes = [1, 128], strides = [1, 1]} : vector<64x128xf32> to vector<1x128xf32>
    %min3A_1756 = vector.broadcast %slice3A_1755 : vector<1x128xf32> to vector<512x128xf32>
    %min3A_1757 = arith.minimumf %broadcast_in_dim3A_210, %min3A_1756 : vector<512x128xf32>
    %add3A_1758 = arith.addf %add3A_1754, %min3A_1757 : vector<512x128xf32>
    %slice3A_1759 = vector.extract_strided_slice %slice3A_1527 {offsets = [58, 0], sizes = [1, 128], strides = [1, 1]} : vector<64x128xf32> to vector<1x128xf32>
    %min3A_1760 = vector.broadcast %slice3A_1759 : vector<1x128xf32> to vector<512x128xf32>
    %min3A_1761 = arith.minimumf %broadcast_in_dim3A_213, %min3A_1760 : vector<512x128xf32>
    %add3A_1762 = arith.addf %add3A_1758, %min3A_1761 : vector<512x128xf32>
    %slice3A_1763 = vector.extract_strided_slice %slice3A_1527 {offsets = [59, 0], sizes = [1, 128], strides = [1, 1]} : vector<64x128xf32> to vector<1x128xf32>
    %min3A_1764 = vector.broadcast %slice3A_1763 : vector<1x128xf32> to vector<512x128xf32>
    %min3A_1765 = arith.minimumf %broadcast_in_dim3A_216, %min3A_1764 : vector<512x128xf32>
    %add3A_1766 = arith.addf %add3A_1762, %min3A_1765 : vector<512x128xf32>
    %slice3A_1767 = vector.extract_strided_slice %slice3A_1527 {offsets = [60, 0], sizes = [1, 128], strides = [1, 1]} : vector<64x128xf32> to vector<1x128xf32>
    %min3A_1768 = vector.broadcast %slice3A_1767 : vector<1x128xf32> to vector<512x128xf32>
    %min3A_1769 = arith.minimumf %broadcast_in_dim3A_219, %min3A_1768 : vector<512x128xf32>
    %add3A_1770 = arith.addf %add3A_1766, %min3A_1769 : vector<512x128xf32>
    %slice3A_1771 = vector.extract_strided_slice %slice3A_1527 {offsets = [61, 0], sizes = [1, 128], strides = [1, 1]} : vector<64x128xf32> to vector<1x128xf32>
    %min3A_1772 = vector.broadcast %slice3A_1771 : vector<1x128xf32> to vector<512x128xf32>
    %min3A_1773 = arith.minimumf %broadcast_in_dim3A_222, %min3A_1772 : vector<512x128xf32>
    %add3A_1774 = arith.addf %add3A_1770, %min3A_1773 : vector<512x128xf32>
    %slice3A_1775 = vector.extract_strided_slice %slice3A_1527 {offsets = [62, 0], sizes = [1, 128], strides = [1, 1]} : vector<64x128xf32> to vector<1x128xf32>
    %min3A_1776 = vector.broadcast %slice3A_1775 : vector<1x128xf32> to vector<512x128xf32>
    %min3A_1777 = arith.minimumf %broadcast_in_dim3A_225, %min3A_1776 : vector<512x128xf32>
    %add3A_1778 = arith.addf %add3A_1774, %min3A_1777 : vector<512x128xf32>
    %slice3A_1779 = vector.extract_strided_slice %slice3A_1527 {offsets = [63, 0], sizes = [1, 128], strides = [1, 1]} : vector<64x128xf32> to vector<1x128xf32>
    %min3A_1780 = vector.broadcast %slice3A_1779 : vector<1x128xf32> to vector<512x128xf32>
    %min3A_1781 = arith.minimumf %broadcast_in_dim3A_228, %min3A_1780 : vector<512x128xf32>
    %add3A_1782 = arith.addf %add3A_1778, %min3A_1781 : vector<512x128xf32>
    %slice3A_1783 = vector.extract_strided_slice %select_n3A {offsets = [0, 640], sizes = [1, 128], strides = [1, 1]} : vector<1x1024xf32> to vector<1x128xf32>
    %add3A_1784 = arith.addf %add3A_1782, %add3A_1782 : vector<512x128xf32>
    %sub3A_1785 = vector.broadcast %slice3A_1783 : vector<1x128xf32> to vector<512x128xf32>
    %sub3A_1786 = arith.subf %sub3A_1785, %add3A_1784 : vector<512x128xf32>
    %slice3A_1787 = vector.extract_strided_slice %div3A_31 {offsets = [0, 768], sizes = [64, 128], strides = [1, 1]} : vector<64x1024xf32> to vector<64x128xf32>
    %slice3A_1788 = vector.extract_strided_slice %slice3A_1787 {offsets = [0, 0], sizes = [1, 128], strides = [1, 1]} : vector<64x128xf32> to vector<1x128xf32>
    %min3A_1789 = vector.broadcast %slice3A_1788 : vector<1x128xf32> to vector<512x128xf32>
    %min3A_1790 = arith.minimumf %broadcast_in_dim3A_39, %min3A_1789 : vector<512x128xf32>
    %slice3A_1791 = vector.extract_strided_slice %slice3A_1787 {offsets = [1, 0], sizes = [1, 128], strides = [1, 1]} : vector<64x128xf32> to vector<1x128xf32>
    %min3A_1792 = vector.broadcast %slice3A_1791 : vector<1x128xf32> to vector<512x128xf32>
    %min3A_1793 = arith.minimumf %broadcast_in_dim3A_42, %min3A_1792 : vector<512x128xf32>
    %add3A_1794 = arith.addf %min3A_1790, %min3A_1793 : vector<512x128xf32>
    %slice3A_1795 = vector.extract_strided_slice %slice3A_1787 {offsets = [2, 0], sizes = [1, 128], strides = [1, 1]} : vector<64x128xf32> to vector<1x128xf32>
    %min3A_1796 = vector.broadcast %slice3A_1795 : vector<1x128xf32> to vector<512x128xf32>
    %min3A_1797 = arith.minimumf %broadcast_in_dim3A_45, %min3A_1796 : vector<512x128xf32>
    %add3A_1798 = arith.addf %add3A_1794, %min3A_1797 : vector<512x128xf32>
    %slice3A_1799 = vector.extract_strided_slice %slice3A_1787 {offsets = [3, 0], sizes = [1, 128], strides = [1, 1]} : vector<64x128xf32> to vector<1x128xf32>
    %min3A_1800 = vector.broadcast %slice3A_1799 : vector<1x128xf32> to vector<512x128xf32>
    %min3A_1801 = arith.minimumf %broadcast_in_dim3A_48, %min3A_1800 : vector<512x128xf32>
    %add3A_1802 = arith.addf %add3A_1798, %min3A_1801 : vector<512x128xf32>
    %slice3A_1803 = vector.extract_strided_slice %slice3A_1787 {offsets = [4, 0], sizes = [1, 128], strides = [1, 1]} : vector<64x128xf32> to vector<1x128xf32>
    %min3A_1804 = vector.broadcast %slice3A_1803 : vector<1x128xf32> to vector<512x128xf32>
    %min3A_1805 = arith.minimumf %broadcast_in_dim3A_51, %min3A_1804 : vector<512x128xf32>
    %add3A_1806 = arith.addf %add3A_1802, %min3A_1805 : vector<512x128xf32>
    %slice3A_1807 = vector.extract_strided_slice %slice3A_1787 {offsets = [5, 0], sizes = [1, 128], strides = [1, 1]} : vector<64x128xf32> to vector<1x128xf32>
    %min3A_1808 = vector.broadcast %slice3A_1807 : vector<1x128xf32> to vector<512x128xf32>
    %min3A_1809 = arith.minimumf %broadcast_in_dim3A_54, %min3A_1808 : vector<512x128xf32>
    %add3A_1810 = arith.addf %add3A_1806, %min3A_1809 : vector<512x128xf32>
    %slice3A_1811 = vector.extract_strided_slice %slice3A_1787 {offsets = [6, 0], sizes = [1, 128], strides = [1, 1]} : vector<64x128xf32> to vector<1x128xf32>
    %min3A_1812 = vector.broadcast %slice3A_1811 : vector<1x128xf32> to vector<512x128xf32>
    %min3A_1813 = arith.minimumf %broadcast_in_dim3A_57, %min3A_1812 : vector<512x128xf32>
    %add3A_1814 = arith.addf %add3A_1810, %min3A_1813 : vector<512x128xf32>
    %slice3A_1815 = vector.extract_strided_slice %slice3A_1787 {offsets = [7, 0], sizes = [1, 128], strides = [1, 1]} : vector<64x128xf32> to vector<1x128xf32>
    %min3A_1816 = vector.broadcast %slice3A_1815 : vector<1x128xf32> to vector<512x128xf32>
    %min3A_1817 = arith.minimumf %broadcast_in_dim3A_60, %min3A_1816 : vector<512x128xf32>
    %add3A_1818 = arith.addf %add3A_1814, %min3A_1817 : vector<512x128xf32>
    %slice3A_1819 = vector.extract_strided_slice %slice3A_1787 {offsets = [8, 0], sizes = [1, 128], strides = [1, 1]} : vector<64x128xf32> to vector<1x128xf32>
    %min3A_1820 = vector.broadcast %slice3A_1819 : vector<1x128xf32> to vector<512x128xf32>
    %min3A_1821 = arith.minimumf %broadcast_in_dim3A_63, %min3A_1820 : vector<512x128xf32>
    %add3A_1822 = arith.addf %add3A_1818, %min3A_1821 : vector<512x128xf32>
    %slice3A_1823 = vector.extract_strided_slice %slice3A_1787 {offsets = [9, 0], sizes = [1, 128], strides = [1, 1]} : vector<64x128xf32> to vector<1x128xf32>
    %min3A_1824 = vector.broadcast %slice3A_1823 : vector<1x128xf32> to vector<512x128xf32>
    %min3A_1825 = arith.minimumf %broadcast_in_dim3A_66, %min3A_1824 : vector<512x128xf32>
    %add3A_1826 = arith.addf %add3A_1822, %min3A_1825 : vector<512x128xf32>
    %slice3A_1827 = vector.extract_strided_slice %slice3A_1787 {offsets = [10, 0], sizes = [1, 128], strides = [1, 1]} : vector<64x128xf32> to vector<1x128xf32>
    %min3A_1828 = vector.broadcast %slice3A_1827 : vector<1x128xf32> to vector<512x128xf32>
    %min3A_1829 = arith.minimumf %broadcast_in_dim3A_69, %min3A_1828 : vector<512x128xf32>
    %add3A_1830 = arith.addf %add3A_1826, %min3A_1829 : vector<512x128xf32>
    %slice3A_1831 = vector.extract_strided_slice %slice3A_1787 {offsets = [11, 0], sizes = [1, 128], strides = [1, 1]} : vector<64x128xf32> to vector<1x128xf32>
    %min3A_1832 = vector.broadcast %slice3A_1831 : vector<1x128xf32> to vector<512x128xf32>
    %min3A_1833 = arith.minimumf %broadcast_in_dim3A_72, %min3A_1832 : vector<512x128xf32>
    %add3A_1834 = arith.addf %add3A_1830, %min3A_1833 : vector<512x128xf32>
    %slice3A_1835 = vector.extract_strided_slice %slice3A_1787 {offsets = [12, 0], sizes = [1, 128], strides = [1, 1]} : vector<64x128xf32> to vector<1x128xf32>
    %min3A_1836 = vector.broadcast %slice3A_1835 : vector<1x128xf32> to vector<512x128xf32>
    %min3A_1837 = arith.minimumf %broadcast_in_dim3A_75, %min3A_1836 : vector<512x128xf32>
    %add3A_1838 = arith.addf %add3A_1834, %min3A_1837 : vector<512x128xf32>
    %slice3A_1839 = vector.extract_strided_slice %slice3A_1787 {offsets = [13, 0], sizes = [1, 128], strides = [1, 1]} : vector<64x128xf32> to vector<1x128xf32>
    %min3A_1840 = vector.broadcast %slice3A_1839 : vector<1x128xf32> to vector<512x128xf32>
    %min3A_1841 = arith.minimumf %broadcast_in_dim3A_78, %min3A_1840 : vector<512x128xf32>
    %add3A_1842 = arith.addf %add3A_1838, %min3A_1841 : vector<512x128xf32>
    %slice3A_1843 = vector.extract_strided_slice %slice3A_1787 {offsets = [14, 0], sizes = [1, 128], strides = [1, 1]} : vector<64x128xf32> to vector<1x128xf32>
    %min3A_1844 = vector.broadcast %slice3A_1843 : vector<1x128xf32> to vector<512x128xf32>
    %min3A_1845 = arith.minimumf %broadcast_in_dim3A_81, %min3A_1844 : vector<512x128xf32>
    %add3A_1846 = arith.addf %add3A_1842, %min3A_1845 : vector<512x128xf32>
    %slice3A_1847 = vector.extract_strided_slice %slice3A_1787 {offsets = [15, 0], sizes = [1, 128], strides = [1, 1]} : vector<64x128xf32> to vector<1x128xf32>
    %min3A_1848 = vector.broadcast %slice3A_1847 : vector<1x128xf32> to vector<512x128xf32>
    %min3A_1849 = arith.minimumf %broadcast_in_dim3A_84, %min3A_1848 : vector<512x128xf32>
    %add3A_1850 = arith.addf %add3A_1846, %min3A_1849 : vector<512x128xf32>
    %slice3A_1851 = vector.extract_strided_slice %slice3A_1787 {offsets = [16, 0], sizes = [1, 128], strides = [1, 1]} : vector<64x128xf32> to vector<1x128xf32>
    %min3A_1852 = vector.broadcast %slice3A_1851 : vector<1x128xf32> to vector<512x128xf32>
    %min3A_1853 = arith.minimumf %broadcast_in_dim3A_87, %min3A_1852 : vector<512x128xf32>
    %add3A_1854 = arith.addf %add3A_1850, %min3A_1853 : vector<512x128xf32>
    %slice3A_1855 = vector.extract_strided_slice %slice3A_1787 {offsets = [17, 0], sizes = [1, 128], strides = [1, 1]} : vector<64x128xf32> to vector<1x128xf32>
    %min3A_1856 = vector.broadcast %slice3A_1855 : vector<1x128xf32> to vector<512x128xf32>
    %min3A_1857 = arith.minimumf %broadcast_in_dim3A_90, %min3A_1856 : vector<512x128xf32>
    %add3A_1858 = arith.addf %add3A_1854, %min3A_1857 : vector<512x128xf32>
    %slice3A_1859 = vector.extract_strided_slice %slice3A_1787 {offsets = [18, 0], sizes = [1, 128], strides = [1, 1]} : vector<64x128xf32> to vector<1x128xf32>
    %min3A_1860 = vector.broadcast %slice3A_1859 : vector<1x128xf32> to vector<512x128xf32>
    %min3A_1861 = arith.minimumf %broadcast_in_dim3A_93, %min3A_1860 : vector<512x128xf32>
    %add3A_1862 = arith.addf %add3A_1858, %min3A_1861 : vector<512x128xf32>
    %slice3A_1863 = vector.extract_strided_slice %slice3A_1787 {offsets = [19, 0], sizes = [1, 128], strides = [1, 1]} : vector<64x128xf32> to vector<1x128xf32>
    %min3A_1864 = vector.broadcast %slice3A_1863 : vector<1x128xf32> to vector<512x128xf32>
    %min3A_1865 = arith.minimumf %broadcast_in_dim3A_96, %min3A_1864 : vector<512x128xf32>
    %add3A_1866 = arith.addf %add3A_1862, %min3A_1865 : vector<512x128xf32>
    %slice3A_1867 = vector.extract_strided_slice %slice3A_1787 {offsets = [20, 0], sizes = [1, 128], strides = [1, 1]} : vector<64x128xf32> to vector<1x128xf32>
    %min3A_1868 = vector.broadcast %slice3A_1867 : vector<1x128xf32> to vector<512x128xf32>
    %min3A_1869 = arith.minimumf %broadcast_in_dim3A_99, %min3A_1868 : vector<512x128xf32>
    %add3A_1870 = arith.addf %add3A_1866, %min3A_1869 : vector<512x128xf32>
    %slice3A_1871 = vector.extract_strided_slice %slice3A_1787 {offsets = [21, 0], sizes = [1, 128], strides = [1, 1]} : vector<64x128xf32> to vector<1x128xf32>
    %min3A_1872 = vector.broadcast %slice3A_1871 : vector<1x128xf32> to vector<512x128xf32>
    %min3A_1873 = arith.minimumf %broadcast_in_dim3A_102, %min3A_1872 : vector<512x128xf32>
    %add3A_1874 = arith.addf %add3A_1870, %min3A_1873 : vector<512x128xf32>
    %slice3A_1875 = vector.extract_strided_slice %slice3A_1787 {offsets = [22, 0], sizes = [1, 128], strides = [1, 1]} : vector<64x128xf32> to vector<1x128xf32>
    %min3A_1876 = vector.broadcast %slice3A_1875 : vector<1x128xf32> to vector<512x128xf32>
    %min3A_1877 = arith.minimumf %broadcast_in_dim3A_105, %min3A_1876 : vector<512x128xf32>
    %add3A_1878 = arith.addf %add3A_1874, %min3A_1877 : vector<512x128xf32>
    %slice3A_1879 = vector.extract_strided_slice %slice3A_1787 {offsets = [23, 0], sizes = [1, 128], strides = [1, 1]} : vector<64x128xf32> to vector<1x128xf32>
    %min3A_1880 = vector.broadcast %slice3A_1879 : vector<1x128xf32> to vector<512x128xf32>
    %min3A_1881 = arith.minimumf %broadcast_in_dim3A_108, %min3A_1880 : vector<512x128xf32>
    %add3A_1882 = arith.addf %add3A_1878, %min3A_1881 : vector<512x128xf32>
    %slice3A_1883 = vector.extract_strided_slice %slice3A_1787 {offsets = [24, 0], sizes = [1, 128], strides = [1, 1]} : vector<64x128xf32> to vector<1x128xf32>
    %min3A_1884 = vector.broadcast %slice3A_1883 : vector<1x128xf32> to vector<512x128xf32>
    %min3A_1885 = arith.minimumf %broadcast_in_dim3A_111, %min3A_1884 : vector<512x128xf32>
    %add3A_1886 = arith.addf %add3A_1882, %min3A_1885 : vector<512x128xf32>
    %slice3A_1887 = vector.extract_strided_slice %slice3A_1787 {offsets = [25, 0], sizes = [1, 128], strides = [1, 1]} : vector<64x128xf32> to vector<1x128xf32>
    %min3A_1888 = vector.broadcast %slice3A_1887 : vector<1x128xf32> to vector<512x128xf32>
    %min3A_1889 = arith.minimumf %broadcast_in_dim3A_114, %min3A_1888 : vector<512x128xf32>
    %add3A_1890 = arith.addf %add3A_1886, %min3A_1889 : vector<512x128xf32>
    %slice3A_1891 = vector.extract_strided_slice %slice3A_1787 {offsets = [26, 0], sizes = [1, 128], strides = [1, 1]} : vector<64x128xf32> to vector<1x128xf32>
    %min3A_1892 = vector.broadcast %slice3A_1891 : vector<1x128xf32> to vector<512x128xf32>
    %min3A_1893 = arith.minimumf %broadcast_in_dim3A_117, %min3A_1892 : vector<512x128xf32>
    %add3A_1894 = arith.addf %add3A_1890, %min3A_1893 : vector<512x128xf32>
    %slice3A_1895 = vector.extract_strided_slice %slice3A_1787 {offsets = [27, 0], sizes = [1, 128], strides = [1, 1]} : vector<64x128xf32> to vector<1x128xf32>
    %min3A_1896 = vector.broadcast %slice3A_1895 : vector<1x128xf32> to vector<512x128xf32>
    %min3A_1897 = arith.minimumf %broadcast_in_dim3A_120, %min3A_1896 : vector<512x128xf32>
    %add3A_1898 = arith.addf %add3A_1894, %min3A_1897 : vector<512x128xf32>
    %slice3A_1899 = vector.extract_strided_slice %slice3A_1787 {offsets = [28, 0], sizes = [1, 128], strides = [1, 1]} : vector<64x128xf32> to vector<1x128xf32>
    %min3A_1900 = vector.broadcast %slice3A_1899 : vector<1x128xf32> to vector<512x128xf32>
    %min3A_1901 = arith.minimumf %broadcast_in_dim3A_123, %min3A_1900 : vector<512x128xf32>
    %add3A_1902 = arith.addf %add3A_1898, %min3A_1901 : vector<512x128xf32>
    %slice3A_1903 = vector.extract_strided_slice %slice3A_1787 {offsets = [29, 0], sizes = [1, 128], strides = [1, 1]} : vector<64x128xf32> to vector<1x128xf32>
    %min3A_1904 = vector.broadcast %slice3A_1903 : vector<1x128xf32> to vector<512x128xf32>
    %min3A_1905 = arith.minimumf %broadcast_in_dim3A_126, %min3A_1904 : vector<512x128xf32>
    %add3A_1906 = arith.addf %add3A_1902, %min3A_1905 : vector<512x128xf32>
    %slice3A_1907 = vector.extract_strided_slice %slice3A_1787 {offsets = [30, 0], sizes = [1, 128], strides = [1, 1]} : vector<64x128xf32> to vector<1x128xf32>
    %min3A_1908 = vector.broadcast %slice3A_1907 : vector<1x128xf32> to vector<512x128xf32>
    %min3A_1909 = arith.minimumf %broadcast_in_dim3A_129, %min3A_1908 : vector<512x128xf32>
    %add3A_1910 = arith.addf %add3A_1906, %min3A_1909 : vector<512x128xf32>
    %slice3A_1911 = vector.extract_strided_slice %slice3A_1787 {offsets = [31, 0], sizes = [1, 128], strides = [1, 1]} : vector<64x128xf32> to vector<1x128xf32>
    %min3A_1912 = vector.broadcast %slice3A_1911 : vector<1x128xf32> to vector<512x128xf32>
    %min3A_1913 = arith.minimumf %broadcast_in_dim3A_132, %min3A_1912 : vector<512x128xf32>
    %add3A_1914 = arith.addf %add3A_1910, %min3A_1913 : vector<512x128xf32>
    %slice3A_1915 = vector.extract_strided_slice %slice3A_1787 {offsets = [32, 0], sizes = [1, 128], strides = [1, 1]} : vector<64x128xf32> to vector<1x128xf32>
    %min3A_1916 = vector.broadcast %slice3A_1915 : vector<1x128xf32> to vector<512x128xf32>
    %min3A_1917 = arith.minimumf %broadcast_in_dim3A_135, %min3A_1916 : vector<512x128xf32>
    %add3A_1918 = arith.addf %add3A_1914, %min3A_1917 : vector<512x128xf32>
    %slice3A_1919 = vector.extract_strided_slice %slice3A_1787 {offsets = [33, 0], sizes = [1, 128], strides = [1, 1]} : vector<64x128xf32> to vector<1x128xf32>
    %min3A_1920 = vector.broadcast %slice3A_1919 : vector<1x128xf32> to vector<512x128xf32>
    %min3A_1921 = arith.minimumf %broadcast_in_dim3A_138, %min3A_1920 : vector<512x128xf32>
    %add3A_1922 = arith.addf %add3A_1918, %min3A_1921 : vector<512x128xf32>
    %slice3A_1923 = vector.extract_strided_slice %slice3A_1787 {offsets = [34, 0], sizes = [1, 128], strides = [1, 1]} : vector<64x128xf32> to vector<1x128xf32>
    %min3A_1924 = vector.broadcast %slice3A_1923 : vector<1x128xf32> to vector<512x128xf32>
    %min3A_1925 = arith.minimumf %broadcast_in_dim3A_141, %min3A_1924 : vector<512x128xf32>
    %add3A_1926 = arith.addf %add3A_1922, %min3A_1925 : vector<512x128xf32>
    %slice3A_1927 = vector.extract_strided_slice %slice3A_1787 {offsets = [35, 0], sizes = [1, 128], strides = [1, 1]} : vector<64x128xf32> to vector<1x128xf32>
    %min3A_1928 = vector.broadcast %slice3A_1927 : vector<1x128xf32> to vector<512x128xf32>
    %min3A_1929 = arith.minimumf %broadcast_in_dim3A_144, %min3A_1928 : vector<512x128xf32>
    %add3A_1930 = arith.addf %add3A_1926, %min3A_1929 : vector<512x128xf32>
    %slice3A_1931 = vector.extract_strided_slice %slice3A_1787 {offsets = [36, 0], sizes = [1, 128], strides = [1, 1]} : vector<64x128xf32> to vector<1x128xf32>
    %min3A_1932 = vector.broadcast %slice3A_1931 : vector<1x128xf32> to vector<512x128xf32>
    %min3A_1933 = arith.minimumf %broadcast_in_dim3A_147, %min3A_1932 : vector<512x128xf32>
    %add3A_1934 = arith.addf %add3A_1930, %min3A_1933 : vector<512x128xf32>
    %slice3A_1935 = vector.extract_strided_slice %slice3A_1787 {offsets = [37, 0], sizes = [1, 128], strides = [1, 1]} : vector<64x128xf32> to vector<1x128xf32>
    %min3A_1936 = vector.broadcast %slice3A_1935 : vector<1x128xf32> to vector<512x128xf32>
    %min3A_1937 = arith.minimumf %broadcast_in_dim3A_150, %min3A_1936 : vector<512x128xf32>
    %add3A_1938 = arith.addf %add3A_1934, %min3A_1937 : vector<512x128xf32>
    %slice3A_1939 = vector.extract_strided_slice %slice3A_1787 {offsets = [38, 0], sizes = [1, 128], strides = [1, 1]} : vector<64x128xf32> to vector<1x128xf32>
    %min3A_1940 = vector.broadcast %slice3A_1939 : vector<1x128xf32> to vector<512x128xf32>
    %min3A_1941 = arith.minimumf %broadcast_in_dim3A_153, %min3A_1940 : vector<512x128xf32>
    %add3A_1942 = arith.addf %add3A_1938, %min3A_1941 : vector<512x128xf32>
    %slice3A_1943 = vector.extract_strided_slice %slice3A_1787 {offsets = [39, 0], sizes = [1, 128], strides = [1, 1]} : vector<64x128xf32> to vector<1x128xf32>
    %min3A_1944 = vector.broadcast %slice3A_1943 : vector<1x128xf32> to vector<512x128xf32>
    %min3A_1945 = arith.minimumf %broadcast_in_dim3A_156, %min3A_1944 : vector<512x128xf32>
    %add3A_1946 = arith.addf %add3A_1942, %min3A_1945 : vector<512x128xf32>
    %slice3A_1947 = vector.extract_strided_slice %slice3A_1787 {offsets = [40, 0], sizes = [1, 128], strides = [1, 1]} : vector<64x128xf32> to vector<1x128xf32>
    %min3A_1948 = vector.broadcast %slice3A_1947 : vector<1x128xf32> to vector<512x128xf32>
    %min3A_1949 = arith.minimumf %broadcast_in_dim3A_159, %min3A_1948 : vector<512x128xf32>
    %add3A_1950 = arith.addf %add3A_1946, %min3A_1949 : vector<512x128xf32>
    %slice3A_1951 = vector.extract_strided_slice %slice3A_1787 {offsets = [41, 0], sizes = [1, 128], strides = [1, 1]} : vector<64x128xf32> to vector<1x128xf32>
    %min3A_1952 = vector.broadcast %slice3A_1951 : vector<1x128xf32> to vector<512x128xf32>
    %min3A_1953 = arith.minimumf %broadcast_in_dim3A_162, %min3A_1952 : vector<512x128xf32>
    %add3A_1954 = arith.addf %add3A_1950, %min3A_1953 : vector<512x128xf32>
    %slice3A_1955 = vector.extract_strided_slice %slice3A_1787 {offsets = [42, 0], sizes = [1, 128], strides = [1, 1]} : vector<64x128xf32> to vector<1x128xf32>
    %min3A_1956 = vector.broadcast %slice3A_1955 : vector<1x128xf32> to vector<512x128xf32>
    %min3A_1957 = arith.minimumf %broadcast_in_dim3A_165, %min3A_1956 : vector<512x128xf32>
    %add3A_1958 = arith.addf %add3A_1954, %min3A_1957 : vector<512x128xf32>
    %slice3A_1959 = vector.extract_strided_slice %slice3A_1787 {offsets = [43, 0], sizes = [1, 128], strides = [1, 1]} : vector<64x128xf32> to vector<1x128xf32>
    %min3A_1960 = vector.broadcast %slice3A_1959 : vector<1x128xf32> to vector<512x128xf32>
    %min3A_1961 = arith.minimumf %broadcast_in_dim3A_168, %min3A_1960 : vector<512x128xf32>
    %add3A_1962 = arith.addf %add3A_1958, %min3A_1961 : vector<512x128xf32>
    %slice3A_1963 = vector.extract_strided_slice %slice3A_1787 {offsets = [44, 0], sizes = [1, 128], strides = [1, 1]} : vector<64x128xf32> to vector<1x128xf32>
    %min3A_1964 = vector.broadcast %slice3A_1963 : vector<1x128xf32> to vector<512x128xf32>
    %min3A_1965 = arith.minimumf %broadcast_in_dim3A_171, %min3A_1964 : vector<512x128xf32>
    %add3A_1966 = arith.addf %add3A_1962, %min3A_1965 : vector<512x128xf32>
    %slice3A_1967 = vector.extract_strided_slice %slice3A_1787 {offsets = [45, 0], sizes = [1, 128], strides = [1, 1]} : vector<64x128xf32> to vector<1x128xf32>
    %min3A_1968 = vector.broadcast %slice3A_1967 : vector<1x128xf32> to vector<512x128xf32>
    %min3A_1969 = arith.minimumf %broadcast_in_dim3A_174, %min3A_1968 : vector<512x128xf32>
    %add3A_1970 = arith.addf %add3A_1966, %min3A_1969 : vector<512x128xf32>
    %slice3A_1971 = vector.extract_strided_slice %slice3A_1787 {offsets = [46, 0], sizes = [1, 128], strides = [1, 1]} : vector<64x128xf32> to vector<1x128xf32>
    %min3A_1972 = vector.broadcast %slice3A_1971 : vector<1x128xf32> to vector<512x128xf32>
    %min3A_1973 = arith.minimumf %broadcast_in_dim3A_177, %min3A_1972 : vector<512x128xf32>
    %add3A_1974 = arith.addf %add3A_1970, %min3A_1973 : vector<512x128xf32>
    %slice3A_1975 = vector.extract_strided_slice %slice3A_1787 {offsets = [47, 0], sizes = [1, 128], strides = [1, 1]} : vector<64x128xf32> to vector<1x128xf32>
    %min3A_1976 = vector.broadcast %slice3A_1975 : vector<1x128xf32> to vector<512x128xf32>
    %min3A_1977 = arith.minimumf %broadcast_in_dim3A_180, %min3A_1976 : vector<512x128xf32>
    %add3A_1978 = arith.addf %add3A_1974, %min3A_1977 : vector<512x128xf32>
    %slice3A_1979 = vector.extract_strided_slice %slice3A_1787 {offsets = [48, 0], sizes = [1, 128], strides = [1, 1]} : vector<64x128xf32> to vector<1x128xf32>
    %min3A_1980 = vector.broadcast %slice3A_1979 : vector<1x128xf32> to vector<512x128xf32>
    %min3A_1981 = arith.minimumf %broadcast_in_dim3A_183, %min3A_1980 : vector<512x128xf32>
    %add3A_1982 = arith.addf %add3A_1978, %min3A_1981 : vector<512x128xf32>
    %slice3A_1983 = vector.extract_strided_slice %slice3A_1787 {offsets = [49, 0], sizes = [1, 128], strides = [1, 1]} : vector<64x128xf32> to vector<1x128xf32>
    %min3A_1984 = vector.broadcast %slice3A_1983 : vector<1x128xf32> to vector<512x128xf32>
    %min3A_1985 = arith.minimumf %broadcast_in_dim3A_186, %min3A_1984 : vector<512x128xf32>
    %add3A_1986 = arith.addf %add3A_1982, %min3A_1985 : vector<512x128xf32>
    %slice3A_1987 = vector.extract_strided_slice %slice3A_1787 {offsets = [50, 0], sizes = [1, 128], strides = [1, 1]} : vector<64x128xf32> to vector<1x128xf32>
    %min3A_1988 = vector.broadcast %slice3A_1987 : vector<1x128xf32> to vector<512x128xf32>
    %min3A_1989 = arith.minimumf %broadcast_in_dim3A_189, %min3A_1988 : vector<512x128xf32>
    %add3A_1990 = arith.addf %add3A_1986, %min3A_1989 : vector<512x128xf32>
    %slice3A_1991 = vector.extract_strided_slice %slice3A_1787 {offsets = [51, 0], sizes = [1, 128], strides = [1, 1]} : vector<64x128xf32> to vector<1x128xf32>
    %min3A_1992 = vector.broadcast %slice3A_1991 : vector<1x128xf32> to vector<512x128xf32>
    %min3A_1993 = arith.minimumf %broadcast_in_dim3A_192, %min3A_1992 : vector<512x128xf32>
    %add3A_1994 = arith.addf %add3A_1990, %min3A_1993 : vector<512x128xf32>
    %slice3A_1995 = vector.extract_strided_slice %slice3A_1787 {offsets = [52, 0], sizes = [1, 128], strides = [1, 1]} : vector<64x128xf32> to vector<1x128xf32>
    %min3A_1996 = vector.broadcast %slice3A_1995 : vector<1x128xf32> to vector<512x128xf32>
    %min3A_1997 = arith.minimumf %broadcast_in_dim3A_195, %min3A_1996 : vector<512x128xf32>
    %add3A_1998 = arith.addf %add3A_1994, %min3A_1997 : vector<512x128xf32>
    %slice3A_1999 = vector.extract_strided_slice %slice3A_1787 {offsets = [53, 0], sizes = [1, 128], strides = [1, 1]} : vector<64x128xf32> to vector<1x128xf32>
    %min3A_2000 = vector.broadcast %slice3A_1999 : vector<1x128xf32> to vector<512x128xf32>
    %min3A_2001 = arith.minimumf %broadcast_in_dim3A_198, %min3A_2000 : vector<512x128xf32>
    %add3A_2002 = arith.addf %add3A_1998, %min3A_2001 : vector<512x128xf32>
    %slice3A_2003 = vector.extract_strided_slice %slice3A_1787 {offsets = [54, 0], sizes = [1, 128], strides = [1, 1]} : vector<64x128xf32> to vector<1x128xf32>
    %min3A_2004 = vector.broadcast %slice3A_2003 : vector<1x128xf32> to vector<512x128xf32>
    %min3A_2005 = arith.minimumf %broadcast_in_dim3A_201, %min3A_2004 : vector<512x128xf32>
    %add3A_2006 = arith.addf %add3A_2002, %min3A_2005 : vector<512x128xf32>
    %slice3A_2007 = vector.extract_strided_slice %slice3A_1787 {offsets = [55, 0], sizes = [1, 128], strides = [1, 1]} : vector<64x128xf32> to vector<1x128xf32>
    %min3A_2008 = vector.broadcast %slice3A_2007 : vector<1x128xf32> to vector<512x128xf32>
    %min3A_2009 = arith.minimumf %broadcast_in_dim3A_204, %min3A_2008 : vector<512x128xf32>
    %add3A_2010 = arith.addf %add3A_2006, %min3A_2009 : vector<512x128xf32>
    %slice3A_2011 = vector.extract_strided_slice %slice3A_1787 {offsets = [56, 0], sizes = [1, 128], strides = [1, 1]} : vector<64x128xf32> to vector<1x128xf32>
    %min3A_2012 = vector.broadcast %slice3A_2011 : vector<1x128xf32> to vector<512x128xf32>
    %min3A_2013 = arith.minimumf %broadcast_in_dim3A_207, %min3A_2012 : vector<512x128xf32>
    %add3A_2014 = arith.addf %add3A_2010, %min3A_2013 : vector<512x128xf32>
    %slice3A_2015 = vector.extract_strided_slice %slice3A_1787 {offsets = [57, 0], sizes = [1, 128], strides = [1, 1]} : vector<64x128xf32> to vector<1x128xf32>
    %min3A_2016 = vector.broadcast %slice3A_2015 : vector<1x128xf32> to vector<512x128xf32>
    %min3A_2017 = arith.minimumf %broadcast_in_dim3A_210, %min3A_2016 : vector<512x128xf32>
    %add3A_2018 = arith.addf %add3A_2014, %min3A_2017 : vector<512x128xf32>
    %slice3A_2019 = vector.extract_strided_slice %slice3A_1787 {offsets = [58, 0], sizes = [1, 128], strides = [1, 1]} : vector<64x128xf32> to vector<1x128xf32>
    %min3A_2020 = vector.broadcast %slice3A_2019 : vector<1x128xf32> to vector<512x128xf32>
    %min3A_2021 = arith.minimumf %broadcast_in_dim3A_213, %min3A_2020 : vector<512x128xf32>
    %add3A_2022 = arith.addf %add3A_2018, %min3A_2021 : vector<512x128xf32>
    %slice3A_2023 = vector.extract_strided_slice %slice3A_1787 {offsets = [59, 0], sizes = [1, 128], strides = [1, 1]} : vector<64x128xf32> to vector<1x128xf32>
    %min3A_2024 = vector.broadcast %slice3A_2023 : vector<1x128xf32> to vector<512x128xf32>
    %min3A_2025 = arith.minimumf %broadcast_in_dim3A_216, %min3A_2024 : vector<512x128xf32>
    %add3A_2026 = arith.addf %add3A_2022, %min3A_2025 : vector<512x128xf32>
    %slice3A_2027 = vector.extract_strided_slice %slice3A_1787 {offsets = [60, 0], sizes = [1, 128], strides = [1, 1]} : vector<64x128xf32> to vector<1x128xf32>
    %min3A_2028 = vector.broadcast %slice3A_2027 : vector<1x128xf32> to vector<512x128xf32>
    %min3A_2029 = arith.minimumf %broadcast_in_dim3A_219, %min3A_2028 : vector<512x128xf32>
    %add3A_2030 = arith.addf %add3A_2026, %min3A_2029 : vector<512x128xf32>
    %slice3A_2031 = vector.extract_strided_slice %slice3A_1787 {offsets = [61, 0], sizes = [1, 128], strides = [1, 1]} : vector<64x128xf32> to vector<1x128xf32>
    %min3A_2032 = vector.broadcast %slice3A_2031 : vector<1x128xf32> to vector<512x128xf32>
    %min3A_2033 = arith.minimumf %broadcast_in_dim3A_222, %min3A_2032 : vector<512x128xf32>
    %add3A_2034 = arith.addf %add3A_2030, %min3A_2033 : vector<512x128xf32>
    %slice3A_2035 = vector.extract_strided_slice %slice3A_1787 {offsets = [62, 0], sizes = [1, 128], strides = [1, 1]} : vector<64x128xf32> to vector<1x128xf32>
    %min3A_2036 = vector.broadcast %slice3A_2035 : vector<1x128xf32> to vector<512x128xf32>
    %min3A_2037 = arith.minimumf %broadcast_in_dim3A_225, %min3A_2036 : vector<512x128xf32>
    %add3A_2038 = arith.addf %add3A_2034, %min3A_2037 : vector<512x128xf32>
    %slice3A_2039 = vector.extract_strided_slice %slice3A_1787 {offsets = [63, 0], sizes = [1, 128], strides = [1, 1]} : vector<64x128xf32> to vector<1x128xf32>
    %min3A_2040 = vector.broadcast %slice3A_2039 : vector<1x128xf32> to vector<512x128xf32>
    %min3A_2041 = arith.minimumf %broadcast_in_dim3A_228, %min3A_2040 : vector<512x128xf32>
    %add3A_2042 = arith.addf %add3A_2038, %min3A_2041 : vector<512x128xf32>
    %slice3A_2043 = vector.extract_strided_slice %select_n3A {offsets = [0, 768], sizes = [1, 128], strides = [1, 1]} : vector<1x1024xf32> to vector<1x128xf32>
    %add3A_2044 = arith.addf %add3A_2042, %add3A_2042 : vector<512x128xf32>
    %sub3A_2045 = vector.broadcast %slice3A_2043 : vector<1x128xf32> to vector<512x128xf32>
    %sub3A_2046 = arith.subf %sub3A_2045, %add3A_2044 : vector<512x128xf32>
    %slice3A_2047 = vector.extract_strided_slice %div3A_31 {offsets = [0, 896], sizes = [64, 128], strides = [1, 1]} : vector<64x1024xf32> to vector<64x128xf32>
    %slice3A_2048 = vector.extract_strided_slice %slice3A_2047 {offsets = [0, 0], sizes = [1, 128], strides = [1, 1]} : vector<64x128xf32> to vector<1x128xf32>
    %min3A_2049 = vector.broadcast %slice3A_2048 : vector<1x128xf32> to vector<512x128xf32>
    %min3A_2050 = arith.minimumf %broadcast_in_dim3A_39, %min3A_2049 : vector<512x128xf32>
    %slice3A_2051 = vector.extract_strided_slice %slice3A_2047 {offsets = [1, 0], sizes = [1, 128], strides = [1, 1]} : vector<64x128xf32> to vector<1x128xf32>
    %min3A_2052 = vector.broadcast %slice3A_2051 : vector<1x128xf32> to vector<512x128xf32>
    %min3A_2053 = arith.minimumf %broadcast_in_dim3A_42, %min3A_2052 : vector<512x128xf32>
    %add3A_2054 = arith.addf %min3A_2050, %min3A_2053 : vector<512x128xf32>
    %slice3A_2055 = vector.extract_strided_slice %slice3A_2047 {offsets = [2, 0], sizes = [1, 128], strides = [1, 1]} : vector<64x128xf32> to vector<1x128xf32>
    %min3A_2056 = vector.broadcast %slice3A_2055 : vector<1x128xf32> to vector<512x128xf32>
    %min3A_2057 = arith.minimumf %broadcast_in_dim3A_45, %min3A_2056 : vector<512x128xf32>
    %add3A_2058 = arith.addf %add3A_2054, %min3A_2057 : vector<512x128xf32>
    %slice3A_2059 = vector.extract_strided_slice %slice3A_2047 {offsets = [3, 0], sizes = [1, 128], strides = [1, 1]} : vector<64x128xf32> to vector<1x128xf32>
    %min3A_2060 = vector.broadcast %slice3A_2059 : vector<1x128xf32> to vector<512x128xf32>
    %min3A_2061 = arith.minimumf %broadcast_in_dim3A_48, %min3A_2060 : vector<512x128xf32>
    %add3A_2062 = arith.addf %add3A_2058, %min3A_2061 : vector<512x128xf32>
    %slice3A_2063 = vector.extract_strided_slice %slice3A_2047 {offsets = [4, 0], sizes = [1, 128], strides = [1, 1]} : vector<64x128xf32> to vector<1x128xf32>
    %min3A_2064 = vector.broadcast %slice3A_2063 : vector<1x128xf32> to vector<512x128xf32>
    %min3A_2065 = arith.minimumf %broadcast_in_dim3A_51, %min3A_2064 : vector<512x128xf32>
    %add3A_2066 = arith.addf %add3A_2062, %min3A_2065 : vector<512x128xf32>
    %slice3A_2067 = vector.extract_strided_slice %slice3A_2047 {offsets = [5, 0], sizes = [1, 128], strides = [1, 1]} : vector<64x128xf32> to vector<1x128xf32>
    %min3A_2068 = vector.broadcast %slice3A_2067 : vector<1x128xf32> to vector<512x128xf32>
    %min3A_2069 = arith.minimumf %broadcast_in_dim3A_54, %min3A_2068 : vector<512x128xf32>
    %add3A_2070 = arith.addf %add3A_2066, %min3A_2069 : vector<512x128xf32>
    %slice3A_2071 = vector.extract_strided_slice %slice3A_2047 {offsets = [6, 0], sizes = [1, 128], strides = [1, 1]} : vector<64x128xf32> to vector<1x128xf32>
    %min3A_2072 = vector.broadcast %slice3A_2071 : vector<1x128xf32> to vector<512x128xf32>
    %min3A_2073 = arith.minimumf %broadcast_in_dim3A_57, %min3A_2072 : vector<512x128xf32>
    %add3A_2074 = arith.addf %add3A_2070, %min3A_2073 : vector<512x128xf32>
    %slice3A_2075 = vector.extract_strided_slice %slice3A_2047 {offsets = [7, 0], sizes = [1, 128], strides = [1, 1]} : vector<64x128xf32> to vector<1x128xf32>
    %min3A_2076 = vector.broadcast %slice3A_2075 : vector<1x128xf32> to vector<512x128xf32>
    %min3A_2077 = arith.minimumf %broadcast_in_dim3A_60, %min3A_2076 : vector<512x128xf32>
    %add3A_2078 = arith.addf %add3A_2074, %min3A_2077 : vector<512x128xf32>
    %slice3A_2079 = vector.extract_strided_slice %slice3A_2047 {offsets = [8, 0], sizes = [1, 128], strides = [1, 1]} : vector<64x128xf32> to vector<1x128xf32>
    %min3A_2080 = vector.broadcast %slice3A_2079 : vector<1x128xf32> to vector<512x128xf32>
    %min3A_2081 = arith.minimumf %broadcast_in_dim3A_63, %min3A_2080 : vector<512x128xf32>
    %add3A_2082 = arith.addf %add3A_2078, %min3A_2081 : vector<512x128xf32>
    %slice3A_2083 = vector.extract_strided_slice %slice3A_2047 {offsets = [9, 0], sizes = [1, 128], strides = [1, 1]} : vector<64x128xf32> to vector<1x128xf32>
    %min3A_2084 = vector.broadcast %slice3A_2083 : vector<1x128xf32> to vector<512x128xf32>
    %min3A_2085 = arith.minimumf %broadcast_in_dim3A_66, %min3A_2084 : vector<512x128xf32>
    %add3A_2086 = arith.addf %add3A_2082, %min3A_2085 : vector<512x128xf32>
    %slice3A_2087 = vector.extract_strided_slice %slice3A_2047 {offsets = [10, 0], sizes = [1, 128], strides = [1, 1]} : vector<64x128xf32> to vector<1x128xf32>
    %min3A_2088 = vector.broadcast %slice3A_2087 : vector<1x128xf32> to vector<512x128xf32>
    %min3A_2089 = arith.minimumf %broadcast_in_dim3A_69, %min3A_2088 : vector<512x128xf32>
    %add3A_2090 = arith.addf %add3A_2086, %min3A_2089 : vector<512x128xf32>
    %slice3A_2091 = vector.extract_strided_slice %slice3A_2047 {offsets = [11, 0], sizes = [1, 128], strides = [1, 1]} : vector<64x128xf32> to vector<1x128xf32>
    %min3A_2092 = vector.broadcast %slice3A_2091 : vector<1x128xf32> to vector<512x128xf32>
    %min3A_2093 = arith.minimumf %broadcast_in_dim3A_72, %min3A_2092 : vector<512x128xf32>
    %add3A_2094 = arith.addf %add3A_2090, %min3A_2093 : vector<512x128xf32>
    %slice3A_2095 = vector.extract_strided_slice %slice3A_2047 {offsets = [12, 0], sizes = [1, 128], strides = [1, 1]} : vector<64x128xf32> to vector<1x128xf32>
    %min3A_2096 = vector.broadcast %slice3A_2095 : vector<1x128xf32> to vector<512x128xf32>
    %min3A_2097 = arith.minimumf %broadcast_in_dim3A_75, %min3A_2096 : vector<512x128xf32>
    %add3A_2098 = arith.addf %add3A_2094, %min3A_2097 : vector<512x128xf32>
    %slice3A_2099 = vector.extract_strided_slice %slice3A_2047 {offsets = [13, 0], sizes = [1, 128], strides = [1, 1]} : vector<64x128xf32> to vector<1x128xf32>
    %min3A_2100 = vector.broadcast %slice3A_2099 : vector<1x128xf32> to vector<512x128xf32>
    %min3A_2101 = arith.minimumf %broadcast_in_dim3A_78, %min3A_2100 : vector<512x128xf32>
    %add3A_2102 = arith.addf %add3A_2098, %min3A_2101 : vector<512x128xf32>
    %slice3A_2103 = vector.extract_strided_slice %slice3A_2047 {offsets = [14, 0], sizes = [1, 128], strides = [1, 1]} : vector<64x128xf32> to vector<1x128xf32>
    %min3A_2104 = vector.broadcast %slice3A_2103 : vector<1x128xf32> to vector<512x128xf32>
    %min3A_2105 = arith.minimumf %broadcast_in_dim3A_81, %min3A_2104 : vector<512x128xf32>
    %add3A_2106 = arith.addf %add3A_2102, %min3A_2105 : vector<512x128xf32>
    %slice3A_2107 = vector.extract_strided_slice %slice3A_2047 {offsets = [15, 0], sizes = [1, 128], strides = [1, 1]} : vector<64x128xf32> to vector<1x128xf32>
    %min3A_2108 = vector.broadcast %slice3A_2107 : vector<1x128xf32> to vector<512x128xf32>
    %min3A_2109 = arith.minimumf %broadcast_in_dim3A_84, %min3A_2108 : vector<512x128xf32>
    %add3A_2110 = arith.addf %add3A_2106, %min3A_2109 : vector<512x128xf32>
    %slice3A_2111 = vector.extract_strided_slice %slice3A_2047 {offsets = [16, 0], sizes = [1, 128], strides = [1, 1]} : vector<64x128xf32> to vector<1x128xf32>
    %min3A_2112 = vector.broadcast %slice3A_2111 : vector<1x128xf32> to vector<512x128xf32>
    %min3A_2113 = arith.minimumf %broadcast_in_dim3A_87, %min3A_2112 : vector<512x128xf32>
    %add3A_2114 = arith.addf %add3A_2110, %min3A_2113 : vector<512x128xf32>
    %slice3A_2115 = vector.extract_strided_slice %slice3A_2047 {offsets = [17, 0], sizes = [1, 128], strides = [1, 1]} : vector<64x128xf32> to vector<1x128xf32>
    %min3A_2116 = vector.broadcast %slice3A_2115 : vector<1x128xf32> to vector<512x128xf32>
    %min3A_2117 = arith.minimumf %broadcast_in_dim3A_90, %min3A_2116 : vector<512x128xf32>
    %add3A_2118 = arith.addf %add3A_2114, %min3A_2117 : vector<512x128xf32>
    %slice3A_2119 = vector.extract_strided_slice %slice3A_2047 {offsets = [18, 0], sizes = [1, 128], strides = [1, 1]} : vector<64x128xf32> to vector<1x128xf32>
    %min3A_2120 = vector.broadcast %slice3A_2119 : vector<1x128xf32> to vector<512x128xf32>
    %min3A_2121 = arith.minimumf %broadcast_in_dim3A_93, %min3A_2120 : vector<512x128xf32>
    %add3A_2122 = arith.addf %add3A_2118, %min3A_2121 : vector<512x128xf32>
    %slice3A_2123 = vector.extract_strided_slice %slice3A_2047 {offsets = [19, 0], sizes = [1, 128], strides = [1, 1]} : vector<64x128xf32> to vector<1x128xf32>
    %min3A_2124 = vector.broadcast %slice3A_2123 : vector<1x128xf32> to vector<512x128xf32>
    %min3A_2125 = arith.minimumf %broadcast_in_dim3A_96, %min3A_2124 : vector<512x128xf32>
    %add3A_2126 = arith.addf %add3A_2122, %min3A_2125 : vector<512x128xf32>
    %slice3A_2127 = vector.extract_strided_slice %slice3A_2047 {offsets = [20, 0], sizes = [1, 128], strides = [1, 1]} : vector<64x128xf32> to vector<1x128xf32>
    %min3A_2128 = vector.broadcast %slice3A_2127 : vector<1x128xf32> to vector<512x128xf32>
    %min3A_2129 = arith.minimumf %broadcast_in_dim3A_99, %min3A_2128 : vector<512x128xf32>
    %add3A_2130 = arith.addf %add3A_2126, %min3A_2129 : vector<512x128xf32>
    %slice3A_2131 = vector.extract_strided_slice %slice3A_2047 {offsets = [21, 0], sizes = [1, 128], strides = [1, 1]} : vector<64x128xf32> to vector<1x128xf32>
    %min3A_2132 = vector.broadcast %slice3A_2131 : vector<1x128xf32> to vector<512x128xf32>
    %min3A_2133 = arith.minimumf %broadcast_in_dim3A_102, %min3A_2132 : vector<512x128xf32>
    %add3A_2134 = arith.addf %add3A_2130, %min3A_2133 : vector<512x128xf32>
    %slice3A_2135 = vector.extract_strided_slice %slice3A_2047 {offsets = [22, 0], sizes = [1, 128], strides = [1, 1]} : vector<64x128xf32> to vector<1x128xf32>
    %min3A_2136 = vector.broadcast %slice3A_2135 : vector<1x128xf32> to vector<512x128xf32>
    %min3A_2137 = arith.minimumf %broadcast_in_dim3A_105, %min3A_2136 : vector<512x128xf32>
    %add3A_2138 = arith.addf %add3A_2134, %min3A_2137 : vector<512x128xf32>
    %slice3A_2139 = vector.extract_strided_slice %slice3A_2047 {offsets = [23, 0], sizes = [1, 128], strides = [1, 1]} : vector<64x128xf32> to vector<1x128xf32>
    %min3A_2140 = vector.broadcast %slice3A_2139 : vector<1x128xf32> to vector<512x128xf32>
    %min3A_2141 = arith.minimumf %broadcast_in_dim3A_108, %min3A_2140 : vector<512x128xf32>
    %add3A_2142 = arith.addf %add3A_2138, %min3A_2141 : vector<512x128xf32>
    %slice3A_2143 = vector.extract_strided_slice %slice3A_2047 {offsets = [24, 0], sizes = [1, 128], strides = [1, 1]} : vector<64x128xf32> to vector<1x128xf32>
    %min3A_2144 = vector.broadcast %slice3A_2143 : vector<1x128xf32> to vector<512x128xf32>
    %min3A_2145 = arith.minimumf %broadcast_in_dim3A_111, %min3A_2144 : vector<512x128xf32>
    %add3A_2146 = arith.addf %add3A_2142, %min3A_2145 : vector<512x128xf32>
    %slice3A_2147 = vector.extract_strided_slice %slice3A_2047 {offsets = [25, 0], sizes = [1, 128], strides = [1, 1]} : vector<64x128xf32> to vector<1x128xf32>
    %min3A_2148 = vector.broadcast %slice3A_2147 : vector<1x128xf32> to vector<512x128xf32>
    %min3A_2149 = arith.minimumf %broadcast_in_dim3A_114, %min3A_2148 : vector<512x128xf32>
    %add3A_2150 = arith.addf %add3A_2146, %min3A_2149 : vector<512x128xf32>
    %slice3A_2151 = vector.extract_strided_slice %slice3A_2047 {offsets = [26, 0], sizes = [1, 128], strides = [1, 1]} : vector<64x128xf32> to vector<1x128xf32>
    %min3A_2152 = vector.broadcast %slice3A_2151 : vector<1x128xf32> to vector<512x128xf32>
    %min3A_2153 = arith.minimumf %broadcast_in_dim3A_117, %min3A_2152 : vector<512x128xf32>
    %add3A_2154 = arith.addf %add3A_2150, %min3A_2153 : vector<512x128xf32>
    %slice3A_2155 = vector.extract_strided_slice %slice3A_2047 {offsets = [27, 0], sizes = [1, 128], strides = [1, 1]} : vector<64x128xf32> to vector<1x128xf32>
    %min3A_2156 = vector.broadcast %slice3A_2155 : vector<1x128xf32> to vector<512x128xf32>
    %min3A_2157 = arith.minimumf %broadcast_in_dim3A_120, %min3A_2156 : vector<512x128xf32>
    %add3A_2158 = arith.addf %add3A_2154, %min3A_2157 : vector<512x128xf32>
    %slice3A_2159 = vector.extract_strided_slice %slice3A_2047 {offsets = [28, 0], sizes = [1, 128], strides = [1, 1]} : vector<64x128xf32> to vector<1x128xf32>
    %min3A_2160 = vector.broadcast %slice3A_2159 : vector<1x128xf32> to vector<512x128xf32>
    %min3A_2161 = arith.minimumf %broadcast_in_dim3A_123, %min3A_2160 : vector<512x128xf32>
    %add3A_2162 = arith.addf %add3A_2158, %min3A_2161 : vector<512x128xf32>
    %slice3A_2163 = vector.extract_strided_slice %slice3A_2047 {offsets = [29, 0], sizes = [1, 128], strides = [1, 1]} : vector<64x128xf32> to vector<1x128xf32>
    %min3A_2164 = vector.broadcast %slice3A_2163 : vector<1x128xf32> to vector<512x128xf32>
    %min3A_2165 = arith.minimumf %broadcast_in_dim3A_126, %min3A_2164 : vector<512x128xf32>
    %add3A_2166 = arith.addf %add3A_2162, %min3A_2165 : vector<512x128xf32>
    %slice3A_2167 = vector.extract_strided_slice %slice3A_2047 {offsets = [30, 0], sizes = [1, 128], strides = [1, 1]} : vector<64x128xf32> to vector<1x128xf32>
    %min3A_2168 = vector.broadcast %slice3A_2167 : vector<1x128xf32> to vector<512x128xf32>
    %min3A_2169 = arith.minimumf %broadcast_in_dim3A_129, %min3A_2168 : vector<512x128xf32>
    %add3A_2170 = arith.addf %add3A_2166, %min3A_2169 : vector<512x128xf32>
    %slice3A_2171 = vector.extract_strided_slice %slice3A_2047 {offsets = [31, 0], sizes = [1, 128], strides = [1, 1]} : vector<64x128xf32> to vector<1x128xf32>
    %min3A_2172 = vector.broadcast %slice3A_2171 : vector<1x128xf32> to vector<512x128xf32>
    %min3A_2173 = arith.minimumf %broadcast_in_dim3A_132, %min3A_2172 : vector<512x128xf32>
    %add3A_2174 = arith.addf %add3A_2170, %min3A_2173 : vector<512x128xf32>
    %slice3A_2175 = vector.extract_strided_slice %slice3A_2047 {offsets = [32, 0], sizes = [1, 128], strides = [1, 1]} : vector<64x128xf32> to vector<1x128xf32>
    %min3A_2176 = vector.broadcast %slice3A_2175 : vector<1x128xf32> to vector<512x128xf32>
    %min3A_2177 = arith.minimumf %broadcast_in_dim3A_135, %min3A_2176 : vector<512x128xf32>
    %add3A_2178 = arith.addf %add3A_2174, %min3A_2177 : vector<512x128xf32>
    %slice3A_2179 = vector.extract_strided_slice %slice3A_2047 {offsets = [33, 0], sizes = [1, 128], strides = [1, 1]} : vector<64x128xf32> to vector<1x128xf32>
    %min3A_2180 = vector.broadcast %slice3A_2179 : vector<1x128xf32> to vector<512x128xf32>
    %min3A_2181 = arith.minimumf %broadcast_in_dim3A_138, %min3A_2180 : vector<512x128xf32>
    %add3A_2182 = arith.addf %add3A_2178, %min3A_2181 : vector<512x128xf32>
    %slice3A_2183 = vector.extract_strided_slice %slice3A_2047 {offsets = [34, 0], sizes = [1, 128], strides = [1, 1]} : vector<64x128xf32> to vector<1x128xf32>
    %min3A_2184 = vector.broadcast %slice3A_2183 : vector<1x128xf32> to vector<512x128xf32>
    %min3A_2185 = arith.minimumf %broadcast_in_dim3A_141, %min3A_2184 : vector<512x128xf32>
    %add3A_2186 = arith.addf %add3A_2182, %min3A_2185 : vector<512x128xf32>
    %slice3A_2187 = vector.extract_strided_slice %slice3A_2047 {offsets = [35, 0], sizes = [1, 128], strides = [1, 1]} : vector<64x128xf32> to vector<1x128xf32>
    %min3A_2188 = vector.broadcast %slice3A_2187 : vector<1x128xf32> to vector<512x128xf32>
    %min3A_2189 = arith.minimumf %broadcast_in_dim3A_144, %min3A_2188 : vector<512x128xf32>
    %add3A_2190 = arith.addf %add3A_2186, %min3A_2189 : vector<512x128xf32>
    %slice3A_2191 = vector.extract_strided_slice %slice3A_2047 {offsets = [36, 0], sizes = [1, 128], strides = [1, 1]} : vector<64x128xf32> to vector<1x128xf32>
    %min3A_2192 = vector.broadcast %slice3A_2191 : vector<1x128xf32> to vector<512x128xf32>
    %min3A_2193 = arith.minimumf %broadcast_in_dim3A_147, %min3A_2192 : vector<512x128xf32>
    %add3A_2194 = arith.addf %add3A_2190, %min3A_2193 : vector<512x128xf32>
    %slice3A_2195 = vector.extract_strided_slice %slice3A_2047 {offsets = [37, 0], sizes = [1, 128], strides = [1, 1]} : vector<64x128xf32> to vector<1x128xf32>
    %min3A_2196 = vector.broadcast %slice3A_2195 : vector<1x128xf32> to vector<512x128xf32>
    %min3A_2197 = arith.minimumf %broadcast_in_dim3A_150, %min3A_2196 : vector<512x128xf32>
    %add3A_2198 = arith.addf %add3A_2194, %min3A_2197 : vector<512x128xf32>
    %slice3A_2199 = vector.extract_strided_slice %slice3A_2047 {offsets = [38, 0], sizes = [1, 128], strides = [1, 1]} : vector<64x128xf32> to vector<1x128xf32>
    %min3A_2200 = vector.broadcast %slice3A_2199 : vector<1x128xf32> to vector<512x128xf32>
    %min3A_2201 = arith.minimumf %broadcast_in_dim3A_153, %min3A_2200 : vector<512x128xf32>
    %add3A_2202 = arith.addf %add3A_2198, %min3A_2201 : vector<512x128xf32>
    %slice3A_2203 = vector.extract_strided_slice %slice3A_2047 {offsets = [39, 0], sizes = [1, 128], strides = [1, 1]} : vector<64x128xf32> to vector<1x128xf32>
    %min3A_2204 = vector.broadcast %slice3A_2203 : vector<1x128xf32> to vector<512x128xf32>
    %min3A_2205 = arith.minimumf %broadcast_in_dim3A_156, %min3A_2204 : vector<512x128xf32>
    %add3A_2206 = arith.addf %add3A_2202, %min3A_2205 : vector<512x128xf32>
    %slice3A_2207 = vector.extract_strided_slice %slice3A_2047 {offsets = [40, 0], sizes = [1, 128], strides = [1, 1]} : vector<64x128xf32> to vector<1x128xf32>
    %min3A_2208 = vector.broadcast %slice3A_2207 : vector<1x128xf32> to vector<512x128xf32>
    %min3A_2209 = arith.minimumf %broadcast_in_dim3A_159, %min3A_2208 : vector<512x128xf32>
    %add3A_2210 = arith.addf %add3A_2206, %min3A_2209 : vector<512x128xf32>
    %slice3A_2211 = vector.extract_strided_slice %slice3A_2047 {offsets = [41, 0], sizes = [1, 128], strides = [1, 1]} : vector<64x128xf32> to vector<1x128xf32>
    %min3A_2212 = vector.broadcast %slice3A_2211 : vector<1x128xf32> to vector<512x128xf32>
    %min3A_2213 = arith.minimumf %broadcast_in_dim3A_162, %min3A_2212 : vector<512x128xf32>
    %add3A_2214 = arith.addf %add3A_2210, %min3A_2213 : vector<512x128xf32>
    %slice3A_2215 = vector.extract_strided_slice %slice3A_2047 {offsets = [42, 0], sizes = [1, 128], strides = [1, 1]} : vector<64x128xf32> to vector<1x128xf32>
    %min3A_2216 = vector.broadcast %slice3A_2215 : vector<1x128xf32> to vector<512x128xf32>
    %min3A_2217 = arith.minimumf %broadcast_in_dim3A_165, %min3A_2216 : vector<512x128xf32>
    %add3A_2218 = arith.addf %add3A_2214, %min3A_2217 : vector<512x128xf32>
    %slice3A_2219 = vector.extract_strided_slice %slice3A_2047 {offsets = [43, 0], sizes = [1, 128], strides = [1, 1]} : vector<64x128xf32> to vector<1x128xf32>
    %min3A_2220 = vector.broadcast %slice3A_2219 : vector<1x128xf32> to vector<512x128xf32>
    %min3A_2221 = arith.minimumf %broadcast_in_dim3A_168, %min3A_2220 : vector<512x128xf32>
    %add3A_2222 = arith.addf %add3A_2218, %min3A_2221 : vector<512x128xf32>
    %slice3A_2223 = vector.extract_strided_slice %slice3A_2047 {offsets = [44, 0], sizes = [1, 128], strides = [1, 1]} : vector<64x128xf32> to vector<1x128xf32>
    %min3A_2224 = vector.broadcast %slice3A_2223 : vector<1x128xf32> to vector<512x128xf32>
    %min3A_2225 = arith.minimumf %broadcast_in_dim3A_171, %min3A_2224 : vector<512x128xf32>
    %add3A_2226 = arith.addf %add3A_2222, %min3A_2225 : vector<512x128xf32>
    %slice3A_2227 = vector.extract_strided_slice %slice3A_2047 {offsets = [45, 0], sizes = [1, 128], strides = [1, 1]} : vector<64x128xf32> to vector<1x128xf32>
    %min3A_2228 = vector.broadcast %slice3A_2227 : vector<1x128xf32> to vector<512x128xf32>
    %min3A_2229 = arith.minimumf %broadcast_in_dim3A_174, %min3A_2228 : vector<512x128xf32>
    %add3A_2230 = arith.addf %add3A_2226, %min3A_2229 : vector<512x128xf32>
    %slice3A_2231 = vector.extract_strided_slice %slice3A_2047 {offsets = [46, 0], sizes = [1, 128], strides = [1, 1]} : vector<64x128xf32> to vector<1x128xf32>
    %min3A_2232 = vector.broadcast %slice3A_2231 : vector<1x128xf32> to vector<512x128xf32>
    %min3A_2233 = arith.minimumf %broadcast_in_dim3A_177, %min3A_2232 : vector<512x128xf32>
    %add3A_2234 = arith.addf %add3A_2230, %min3A_2233 : vector<512x128xf32>
    %slice3A_2235 = vector.extract_strided_slice %slice3A_2047 {offsets = [47, 0], sizes = [1, 128], strides = [1, 1]} : vector<64x128xf32> to vector<1x128xf32>
    %min3A_2236 = vector.broadcast %slice3A_2235 : vector<1x128xf32> to vector<512x128xf32>
    %min3A_2237 = arith.minimumf %broadcast_in_dim3A_180, %min3A_2236 : vector<512x128xf32>
    %add3A_2238 = arith.addf %add3A_2234, %min3A_2237 : vector<512x128xf32>
    %slice3A_2239 = vector.extract_strided_slice %slice3A_2047 {offsets = [48, 0], sizes = [1, 128], strides = [1, 1]} : vector<64x128xf32> to vector<1x128xf32>
    %min3A_2240 = vector.broadcast %slice3A_2239 : vector<1x128xf32> to vector<512x128xf32>
    %min3A_2241 = arith.minimumf %broadcast_in_dim3A_183, %min3A_2240 : vector<512x128xf32>
    %add3A_2242 = arith.addf %add3A_2238, %min3A_2241 : vector<512x128xf32>
    %slice3A_2243 = vector.extract_strided_slice %slice3A_2047 {offsets = [49, 0], sizes = [1, 128], strides = [1, 1]} : vector<64x128xf32> to vector<1x128xf32>
    %min3A_2244 = vector.broadcast %slice3A_2243 : vector<1x128xf32> to vector<512x128xf32>
    %min3A_2245 = arith.minimumf %broadcast_in_dim3A_186, %min3A_2244 : vector<512x128xf32>
    %add3A_2246 = arith.addf %add3A_2242, %min3A_2245 : vector<512x128xf32>
    %slice3A_2247 = vector.extract_strided_slice %slice3A_2047 {offsets = [50, 0], sizes = [1, 128], strides = [1, 1]} : vector<64x128xf32> to vector<1x128xf32>
    %min3A_2248 = vector.broadcast %slice3A_2247 : vector<1x128xf32> to vector<512x128xf32>
    %min3A_2249 = arith.minimumf %broadcast_in_dim3A_189, %min3A_2248 : vector<512x128xf32>
    %add3A_2250 = arith.addf %add3A_2246, %min3A_2249 : vector<512x128xf32>
    %slice3A_2251 = vector.extract_strided_slice %slice3A_2047 {offsets = [51, 0], sizes = [1, 128], strides = [1, 1]} : vector<64x128xf32> to vector<1x128xf32>
    %min3A_2252 = vector.broadcast %slice3A_2251 : vector<1x128xf32> to vector<512x128xf32>
    %min3A_2253 = arith.minimumf %broadcast_in_dim3A_192, %min3A_2252 : vector<512x128xf32>
    %add3A_2254 = arith.addf %add3A_2250, %min3A_2253 : vector<512x128xf32>
    %slice3A_2255 = vector.extract_strided_slice %slice3A_2047 {offsets = [52, 0], sizes = [1, 128], strides = [1, 1]} : vector<64x128xf32> to vector<1x128xf32>
    %min3A_2256 = vector.broadcast %slice3A_2255 : vector<1x128xf32> to vector<512x128xf32>
    %min3A_2257 = arith.minimumf %broadcast_in_dim3A_195, %min3A_2256 : vector<512x128xf32>
    %add3A_2258 = arith.addf %add3A_2254, %min3A_2257 : vector<512x128xf32>
    %slice3A_2259 = vector.extract_strided_slice %slice3A_2047 {offsets = [53, 0], sizes = [1, 128], strides = [1, 1]} : vector<64x128xf32> to vector<1x128xf32>
    %min3A_2260 = vector.broadcast %slice3A_2259 : vector<1x128xf32> to vector<512x128xf32>
    %min3A_2261 = arith.minimumf %broadcast_in_dim3A_198, %min3A_2260 : vector<512x128xf32>
    %add3A_2262 = arith.addf %add3A_2258, %min3A_2261 : vector<512x128xf32>
    %slice3A_2263 = vector.extract_strided_slice %slice3A_2047 {offsets = [54, 0], sizes = [1, 128], strides = [1, 1]} : vector<64x128xf32> to vector<1x128xf32>
    %min3A_2264 = vector.broadcast %slice3A_2263 : vector<1x128xf32> to vector<512x128xf32>
    %min3A_2265 = arith.minimumf %broadcast_in_dim3A_201, %min3A_2264 : vector<512x128xf32>
    %add3A_2266 = arith.addf %add3A_2262, %min3A_2265 : vector<512x128xf32>
    %slice3A_2267 = vector.extract_strided_slice %slice3A_2047 {offsets = [55, 0], sizes = [1, 128], strides = [1, 1]} : vector<64x128xf32> to vector<1x128xf32>
    %min3A_2268 = vector.broadcast %slice3A_2267 : vector<1x128xf32> to vector<512x128xf32>
    %min3A_2269 = arith.minimumf %broadcast_in_dim3A_204, %min3A_2268 : vector<512x128xf32>
    %add3A_2270 = arith.addf %add3A_2266, %min3A_2269 : vector<512x128xf32>
    %slice3A_2271 = vector.extract_strided_slice %slice3A_2047 {offsets = [56, 0], sizes = [1, 128], strides = [1, 1]} : vector<64x128xf32> to vector<1x128xf32>
    %min3A_2272 = vector.broadcast %slice3A_2271 : vector<1x128xf32> to vector<512x128xf32>
    %min3A_2273 = arith.minimumf %broadcast_in_dim3A_207, %min3A_2272 : vector<512x128xf32>
    %add3A_2274 = arith.addf %add3A_2270, %min3A_2273 : vector<512x128xf32>
    %slice3A_2275 = vector.extract_strided_slice %slice3A_2047 {offsets = [57, 0], sizes = [1, 128], strides = [1, 1]} : vector<64x128xf32> to vector<1x128xf32>
    %min3A_2276 = vector.broadcast %slice3A_2275 : vector<1x128xf32> to vector<512x128xf32>
    %min3A_2277 = arith.minimumf %broadcast_in_dim3A_210, %min3A_2276 : vector<512x128xf32>
    %add3A_2278 = arith.addf %add3A_2274, %min3A_2277 : vector<512x128xf32>
    %slice3A_2279 = vector.extract_strided_slice %slice3A_2047 {offsets = [58, 0], sizes = [1, 128], strides = [1, 1]} : vector<64x128xf32> to vector<1x128xf32>
    %min3A_2280 = vector.broadcast %slice3A_2279 : vector<1x128xf32> to vector<512x128xf32>
    %min3A_2281 = arith.minimumf %broadcast_in_dim3A_213, %min3A_2280 : vector<512x128xf32>
    %add3A_2282 = arith.addf %add3A_2278, %min3A_2281 : vector<512x128xf32>
    %slice3A_2283 = vector.extract_strided_slice %slice3A_2047 {offsets = [59, 0], sizes = [1, 128], strides = [1, 1]} : vector<64x128xf32> to vector<1x128xf32>
    %min3A_2284 = vector.broadcast %slice3A_2283 : vector<1x128xf32> to vector<512x128xf32>
    %min3A_2285 = arith.minimumf %broadcast_in_dim3A_216, %min3A_2284 : vector<512x128xf32>
    %add3A_2286 = arith.addf %add3A_2282, %min3A_2285 : vector<512x128xf32>
    %slice3A_2287 = vector.extract_strided_slice %slice3A_2047 {offsets = [60, 0], sizes = [1, 128], strides = [1, 1]} : vector<64x128xf32> to vector<1x128xf32>
    %min3A_2288 = vector.broadcast %slice3A_2287 : vector<1x128xf32> to vector<512x128xf32>
    %min3A_2289 = arith.minimumf %broadcast_in_dim3A_219, %min3A_2288 : vector<512x128xf32>
    %add3A_2290 = arith.addf %add3A_2286, %min3A_2289 : vector<512x128xf32>
    %slice3A_2291 = vector.extract_strided_slice %slice3A_2047 {offsets = [61, 0], sizes = [1, 128], strides = [1, 1]} : vector<64x128xf32> to vector<1x128xf32>
    %min3A_2292 = vector.broadcast %slice3A_2291 : vector<1x128xf32> to vector<512x128xf32>
    %min3A_2293 = arith.minimumf %broadcast_in_dim3A_222, %min3A_2292 : vector<512x128xf32>
    %add3A_2294 = arith.addf %add3A_2290, %min3A_2293 : vector<512x128xf32>
    %slice3A_2295 = vector.extract_strided_slice %slice3A_2047 {offsets = [62, 0], sizes = [1, 128], strides = [1, 1]} : vector<64x128xf32> to vector<1x128xf32>
    %min3A_2296 = vector.broadcast %slice3A_2295 : vector<1x128xf32> to vector<512x128xf32>
    %min3A_2297 = arith.minimumf %broadcast_in_dim3A_225, %min3A_2296 : vector<512x128xf32>
    %add3A_2298 = arith.addf %add3A_2294, %min3A_2297 : vector<512x128xf32>
    %slice3A_2299 = vector.extract_strided_slice %slice3A_2047 {offsets = [63, 0], sizes = [1, 128], strides = [1, 1]} : vector<64x128xf32> to vector<1x128xf32>
    %min3A_2300 = vector.broadcast %slice3A_2299 : vector<1x128xf32> to vector<512x128xf32>
    %min3A_2301 = arith.minimumf %broadcast_in_dim3A_228, %min3A_2300 : vector<512x128xf32>
    %add3A_2302 = arith.addf %add3A_2298, %min3A_2301 : vector<512x128xf32>
    %slice3A_2303 = vector.extract_strided_slice %select_n3A {offsets = [0, 896], sizes = [1, 128], strides = [1, 1]} : vector<1x1024xf32> to vector<1x128xf32>
    %add3A_2304 = arith.addf %add3A_2302, %add3A_2302 : vector<512x128xf32>
    %sub3A_2305 = vector.broadcast %slice3A_2303 : vector<1x128xf32> to vector<512x128xf32>
    %sub3A_2306 = arith.subf %sub3A_2305, %add3A_2304 : vector<512x128xf32>
    %concatenate3A = tpu.concatenate %sub3A_486, %sub3A_746, %sub3A_1006, %sub3A_1266, %sub3A_1526, %sub3A_1786, %sub3A_2046, %sub3A_2306 in 1 : vector<512x128xf32>, vector<512x128xf32>, vector<512x128xf32>, vector<512x128xf32>, vector<512x128xf32>, vector<512x128xf32>, vector<512x128xf32>, vector<512x128xf32> -> vector<512x1024xf32>
    %reduce_max3A = arith.constant dense<0xFF800000> : vector<512xf32>
    %reduce_max3A_2307 = vector.multi_reduction <maximumf>, %concatenate3A, %reduce_max3A [1] : vector<512x1024xf32> to vector<512xf32>
    %broadcast_in_dim3A_2308 = vector.shape_cast %reduce_max3A_2307 : vector<512xf32> to vector<512x1xf32>
    %sub3A_2309 = vector.broadcast %broadcast_in_dim3A_2308 : vector<512x1xf32> to vector<512x1024xf32>
    %sub3A_2310 = arith.subf %concatenate3A, %sub3A_2309 : vector<512x1024xf32>
    %exp3A = math.exp %sub3A_2310 : vector<512x1024xf32>
    %reduce_sum3A_2311 = arith.constant dense<0.000000e+00> : vector<512xf32>
    %reduce_sum3A_2312 = vector.multi_reduction <add>, %exp3A, %reduce_sum3A_2311 [1] : vector<512x1024xf32> to vector<512xf32>
    %broadcast_in_dim3A_2313 = vector.shape_cast %reduce_sum3A_2312 : vector<512xf32> to vector<512x1xf32>
    %div3A_2314 = vector.broadcast %broadcast_in_dim3A_2313 : vector<512x1xf32> to vector<512x1024xf32>
    %div3A_2315 = arith.divf %exp3A, %div3A_2314 : vector<512x1024xf32>
    %slice3A_2316 = vector.extract_strided_slice %div3A_2315 {offsets = [0, 0], sizes = [512, 1000], strides = [1, 1]} : vector<512x1024xf32> to vector<512x1000xf32>
    %swap3A = arith.constant 0 : index
    %swap3A_2317 = arith.constant 0 : index
    %swap3A_2318 = vector.load %arg4[%swap3A, %swap3A_2317] : memref<512x1000xf32, #tpu.memory_space<vmem>>, vector<512x1000xf32>
    tpu.vector_store %arg4[%swap3A, %swap3A_2317], %slice3A_2316 {strides = array<i32>} : memref<512x1000xf32, #tpu.memory_space<vmem>>, vector<512x1000xf32>,
    return
  }
  func.func @transform_0(%arg0: i32) -> (i32, i32) {
    %c0_i32 = arith.constant 0 : i32
    %c0_i32_0 = arith.constant 0 : i32
    return %arg0, %c0_i32 : i32, i32
  }
  func.func @transform_1(%arg0: i32) -> (i32, i32) {
    %c0_i32 = arith.constant 0 : i32
    %c0_i32_0 = arith.constant 0 : i32
    return %arg0, %c0_i32 : i32, i32
  }
  func.func @transform_2(%arg0: i32) -> (i32, i32) {
    %c0_i32 = arith.constant 0 : i32
    %c0_i32_0 = arith.constant 0 : i32
    %c0_i32_1 = arith.constant 0 : i32
    return %c0_i32, %c0_i32_0 : i32, i32
  }
  func.func @transform_3(%arg0: i32) -> (i32, i32) {
    %c0_i32 = arith.constant 0 : i32
    %c0_i32_0 = arith.constant 0 : i32
    return %arg0, %c0_i32 : i32, i32
  }
}

</mosaic_0001>

<sc_bundles>
// kernel: kernel.4.cloned.1.call-start
scs
__scs_entry_jumppad:
0x0: {  	(pc) =	sbr.rel $0x88, $3  }
0x1: {  	(tag) =	ssettag $0x0;
	lr =	simm.s32 $0x1  }
0x2: {  	[smem:$0x3F9D] =	sst lr;
	_ =	strace $0xD0000000  }
0x3: {  	_ = 	snop  }
0x4: {  	_ = 	snop  }
0x5: {  	_ = 	snop  }
0x6: {  	_ = 	snop  }
0x7: {  	_ = 	snop  }
__scs_overlays_trampoline_lowered:
0x8: {  	[smem:$0x3FAC] =	sst s0  }
0x9: {  	[smem:$0x3FAD] =	sst s1  }
0xa: {  	[smem:$0x3FAE] =	sst s2  }
0xb: {  	[smem:$0x3FAF] =	sst s3  }
0xc: {  	[smem:$0x3FB0] =	sst s4  }
0xd: {  	[smem:$0x3FB1] =	sst s5  }
0xe: {  	[smem:$0x3FB2] =	sst s6  }
0xf: {  	[smem:$0x3FB3] =	sst s7  }
0x10: {  	[smem:$0x3FB4] =	sst s8  }
0x11: {  	[smem:$0x3FB5] =	sst s9;
	s0 =	simm.s32 @!p0 $0x0  }
0x12: {  	s1 =	sld [smem:$0x3F9B];
	s0 =	simm.s32 @p0 $0x1  }
0x13: {  	[smem:$0x3FB6] =	sst s0;
	s0 =	simm.s32 @!p1 $0x0  }
0x14: {  	s2 =	sld [smem:$0x3F9A];
	s0 =	simm.s32 @p1 $0x1  }
0x15: {  	[smem:$0x3FB7] =	sst s0;
	s0 =	simm.s32 @!p2 $0x0  }
0x16: {  	s3 =	sld [smem:$0x3FDB];
	s0 =	simm.s32 @p2 $0x1  }
0x17: {  	s4 =	simm.s32 $0x1BF5;
	[smem:$0x3FB9] =	sst s0  }
0x18: {  	s0 =	sld [smem:$0x3F9C];
	_ =	swait.ge [sflag:s4], $0x0  }
0x19: {  	s7 =	sld [smem:$0x3F9D]  }
0x1a: {  	s8 =	sadd.s32 $0xFFFFE003, lr  }
0x1b: {  	s9 =	sadd.s32 $0xFFFFFEF7, lr;
	s5 =	simm.s32 $0xFFFFFFFF;
	p2 =	slt.u32 s8, $0xFFFFF086  }
0x1c: {  	p1 =	slt.u32 s9, $0xF7A;
	s5 =	simm.s32 @!p2 $0x0  }
0x1d: {  	s5 =	simm.s32 @p1 $0x1;
	p0 =	seq.s32 s7, s2  }
0x1e: {  	s7 =	smul.u32 @!p0 $0xF7A, s2;
	p2 =	seq.s32 @!p0 s5, $0x0  }
0x1f: {  	s9 =	smul.u32 $0xF7A, s1;
	s8 =	simm.s32 @!p0 $0x1BF5;
	p2 =	por !p2, p0  }
0x20: {  	[sflag:s8] =	ssyncset.s32 @!p0 $0xFFFFF086;
	s6 =	sadd.s32 @!p0 s3, s7;
	s7 =	simm.s32 @!p0 $0x108  }
0x21: {  	s3 =	sadd.s32 s3, s9;
	s6 =	sadd.s32 @!p0 $0x88, s6;
	s7 =	simm.s32 @p2 $0x1082  }
0x22: {  	[simem:s7], [sflag:s8] =	dma.local @!p0 [hbm:s6], $0xF7A  }
0x23: {  	s9 =	sor.u32 $0xD0000000, s2;
	s6 =	simm.s32 $0x108;
	_ =	swait.ge @!p0 [sflag:s8], $0x0  }
0x24: {  	s3 =	sadd.s32 $0x88, s3;
	s6 =	simm.s32 @!p1 $0x1082;
	[sflag:s4] =	ssyncset.s32 $0xFFFFF086  }
0x25: {  	[simem:s6], [sflag:s4] =	dma.local [hbm:s3], $0xF7A  }
0x26: {  	[smem:$0x3F9D] =	sst s1;
	(tag) =	ssettag s2;
	_ =	strace s9  }
0x27: {  	s1 =	sld [smem:$0x3FAD]  }
0x28: {  	s2 =	sld [smem:$0x3FAE]  }
0x29: {  	s4 =	sld [smem:$0x3FB0]  }
0x2a: {  	p0 =	seq.s32 s5, $0x0;
	s5 =	sld [smem:$0x3FB1]  }
0x2b: {  	s6 =	sld [smem:$0x3FB2]  }
0x2c: {  	s7 =	sld [smem:$0x3FB3]  }
0x2d: {  	s3 =	simm.s32 $0x108;
	s8 =	sld [smem:$0x3FB4]  }
0x2e: {  	s3 =	simm.s32 @!p0 $0x1082;
	s9 =	sld [smem:$0x3FB5]  }
0x2f: {  	lr =	sadd.s32 s0, s3;
	s0 =	sld [smem:$0x3FAC]  }
0x30: {  	s3 =	sld [smem:$0x3FAF]  }
0x31: {  	[smem:$0x3FB8] =	sst s10  }
0x32: {  	s10 =	sld [smem:$0x3FB6];
	_ =	sdelay $0x3  }
0x33: {  	p0 =	seq.s32 s10, $0x1;
	s10 =	sld [smem:$0x3FB8];
	_ =	sdelay $0x3  }
0x34: {  	[smem:$0x3FB8] =	sst s10  }
0x35: {  	s10 =	sld [smem:$0x3FB7];
	_ =	sdelay $0x3  }
0x36: {  	p1 =	seq.s32 s10, $0x1;
	s10 =	sld [smem:$0x3FB8];
	_ =	sdelay $0x3  }
0x37: {  	[smem:$0x3FB8] =	sst s10  }
0x38: {  	s10 =	sld [smem:$0x3FB9]  }
0x39: {  	_ = 	snop;
	(pc) =	sbr.ind lr, $3  }
0x3a: {  	_ = 	snop  }
0x3b: {  	_ = 	snop  }
0x3c: {  	p2 =	seq.s32 s10, $0x1;
	s10 =	sld [smem:$0x3FB8]  }
0x3d: {  	_ =	shalt  }
0x3e: {  	_ =	shalt  }
0x3f: {  	_ =	shalt  }
0x40: {  	_ =	shalt  }
0x41: {  	_ =	shalt  }
0x42: {  	_ =	shalt  }
0x43: {  	_ =	shalt  }
0x44: {  	_ =	shalt  }
0x45: {  	_ =	shalt  }
0x46: {  	_ =	shalt  }
0x47: {  	_ =	shalt  }
0x48: {  	_ =	shalt  }
0x49: {  	_ =	shalt  }
0x4a: {  	_ =	shalt  }
0x4b: {  	_ =	shalt  }
0x4c: {  	_ =	shalt  }
0x4d: {  	_ =	shalt  }
0x4e: {  	_ =	shalt  }
0x4f: {  	_ =	shalt  }
0x50: {  	_ =	shalt  }
0x51: {  	_ =	shalt  }
0x52: {  	_ =	shalt  }
0x53: {  	_ =	shalt  }
0x54: {  	_ =	shalt  }
0x55: {  	_ =	shalt  }
0x56: {  	_ =	shalt  }
0x57: {  	_ =	shalt  }
0x58: {  	_ =	shalt  }
0x59: {  	_ =	shalt  }
0x5a: {  	_ =	shalt  }
0x5b: {  	_ =	shalt  }
0x5c: {  	_ =	shalt  }
0x5d: {  	_ =	shalt  }
0x5e: {  	_ =	shalt  }
0x5f: {  	_ =	shalt  }
0x60: {  	_ =	shalt  }
0x61: {  	_ =	shalt  }
0x62: {  	_ =	shalt  }
0x63: {  	_ =	shalt  }
0x64: {  	_ =	shalt  }
0x65: {  	_ =	shalt  }
0x66: {  	_ =	shalt  }
0x67: {  	_ =	shalt  }
0x68: {  	_ =	shalt  }
0x69: {  	_ =	shalt  }
0x6a: {  	_ =	shalt  }
0x6b: {  	_ =	shalt  }
0x6c: {  	_ =	shalt  }
0x6d: {  	_ =	shalt  }
0x6e: {  	_ =	shalt  }
0x6f: {  	_ =	shalt  }
0x70: {  	_ =	shalt  }
0x71: {  	_ =	shalt  }
0x72: {  	_ =	shalt  }
0x73: {  	_ =	shalt  }
0x74: {  	_ =	shalt  }
0x75: {  	_ =	shalt  }
0x76: {  	_ =	shalt  }
0x77: {  	_ =	shalt  }
0x78: {  	_ =	shalt  }
0x79: {  	_ =	shalt  }
0x7a: {  	_ =	shalt  }
0x7b: {  	_ =	shalt  }
0x7c: {  	_ =	shalt  }
0x7d: {  	_ =	shalt  }
0x7e: {  	_ =	shalt  }
0x7f: {  	_ =	shalt  }
0x80: {  	_ =	shalt  }
0x81: {  	_ =	shalt  }
0x82: {  	_ =	shalt  }
0x83: {  	_ =	shalt  }
0x84: {  	_ =	shalt  }
0x85: {  	_ =	shalt  }
0x86: {  	_ =	shalt  }
0x87: {  	_ =	shalt  }
.Lfunc_end0:
.L_simem_size_0:
called_computation_lowered:
.L_overlay_start_0:
0x88: {  	s2 =	sld [smem:$0x3FD9]  }
0x89: {  	s3 =	sld [smem:$0x3FFE];
	_ =	sdelay $0x1  }
0x8a: {  	s1 =	srdreg.scid  }
0x8b: {  	s0 =	sand.u32 $0x1, s1  }
0x8c: {  	s17 =	sshll.u32 s0, $0xA;
	s2 =	sadd.s32 s3, s2  }
0x8d: {  	s2 =	sadd.s32 s2, s17  }
0x8e: {  	[smem:$0x3FC4] =	sst s2  }
0x8f: {  	_ = 	snop  }
0x90: {  	s2 =	sld [smem:$0x3FC9]  }
0x91: {  	s18 =	sld [smem:$0x3FC8]  }
0x92: {  	s4 =	sld [smem:$0x3FD0];
	(tm) =	ssettm $0x1  }
0x93: {  	s5 =	sld [smem:$0x3FFB];
	_ =	sdelay $0x3  }
0x94: {  	_ =	strace s5  }
0x95: {  	s5 =	sld [smem:$0x3FFC];
	_ =	sdelay $0x3  }
0x96: {  	_ =	strace s5  }
0x97: {  	s5 =	sld [smem:$0x3FFD];
	_ =	sdelay $0x3  }
0x98: {  	_ =	strace s5  }
0x99: {  	_ =	strace $0x8FFFFFFF  }
0x9a: {  	s19 =	sld [smem:$0x3FDB];
	_ =	sdelay $0x1  }
0x9b: {  	s6 =	simm.s32 $_scs_section_size  }
0x9c: {  	s7 =	simm.s32 $_size__tile_overlayer_lowered;
	s8 =	simm.s32 $_tile_overlayer_lowered  }
0x9d: {  	s22 =	simm.s32 $0x1BFF;
	s21 =	sshll.u32 s8, $0x1;
	s5 =	sadd.s32 s6, s19  }
0x9e: {  	s9 =	simm.s32 $0x0;
	s20 =	sshll.u32 s7, $0x1;
	s7 =	sadd.s32 s21, s5  }
0x9f: {  	[timem:s9], [sflag:s22] =	dma.local [hbm:s7], s20  }
0xa0: {  	_ =	swait.ge [sflag:s22], s20  }
0xa1: {  	s6 =	ssub.s32 $0x0, s20;
	[sflag:s22] =	ssyncset.done $0x0  }
0xa2: {  	[sflag:s22] =	ssyncadd.s32 s6;
	_ =	sdelay $0x1  }
0xa3: {  	s23 =	simm.s32 $0x1B8B  }
0xa4: {  	_ =	swait.ge [sflag:s23], $0x1  }
0xa5: {  	[sflag:s23] =	ssyncset.done $0x0  }
0xa6: {  	s25 =	simm.s32 $0x1B8E;
	s24 =	sld [smem:$0x3FFE];
	[sflag:s23] =	ssyncadd.s32 $0xFFFFFFFF  }
0xa7: {  	s26 =	simm.s32 $execute0_lowered;
	[smem:$0x3FD2] =	sst s25  }
0xa8: {  	s7 =	sshll.u32 s26, $0x1;
	_ =	strace $0x80000046;
	[dreg:$0x1] =	wrdreg $0xFFFFFFFF  }
0xa9: {  	s28 =	simm.s32 $_size_execute0_lowered;
	s5 =	sadd.s32 s5, s7;
	[dreg:$0x0] =	wrdreg $0x0  }
0xaa: {  	s7 =	sshll.u32 s28, $0x1;
	[dreg:$0x2] =	wrdreg s5  }
0xab: {  	[dreg:$0x3] =	wrdreg s7  }
0xac: {  	[dreg:$0x4] =	wrdreg $0xC0  }
0xad: {  	_ =	task [dreg:s9], $0x5FFFF  }
0xae: {  	[dreg:$0x1] =	wrdreg $0xFFFFFFFF  }
0xaf: {  	[dreg:$0x0] =	wrdreg $0x60  }
0xb0: {  	[dreg:$0x2] =	wrdreg s24  }
0xb1: {  	[dreg:$0x3] =	wrdreg s2  }
0xb2: {  	[dreg:$0x4] =	wrdreg s18  }
0xb3: {  	[dreg:$0x5] =	wrdreg s4  }
0xb4: {  	[dreg:$0x6] =	wrdreg $0x9  }
0xb5: {  	_ =	task.clear_ibuf [dreg:s9], $0x7FFFF;
	_ =	strace $0x90000046  }
0xb6: {  	s29 =	simm.s32 $0x9;
	_ =	strace $0x80000048  }
0xb7: {  	_ =	swait.ge [sflag:s29], $0x1  }
0xb8: {  	[sflag:s29] =	ssyncadd.s32 $0xFFFFFFFF  }
0xb9: {  	_ =	strace $0x90000048  }
0xba: {  	_ =	sfence  }
0xbb: {  	s30 =	sld [smem:$0x0];
	_ =	sdelay $0x2  }
0xbc: {  	s31 =	sshll.u32 s1, $0xD;
	s1 =	sshrl.u32 s1, $0x2  }
0xbd: {  	s3 =	sand.u32 $0x4000, s31;
	s1 =	sadd.s32 s1, s30  }
0xbe: {  	s0 =	sor.u32 s3, s0;
	s1 =	sshll.u32 s1, $0x11  }
0xbf: {  	s0 =	sor.u32 s1, s0  }
0xc0: {  	s0 =	sadd.s32 $0x8F2B, s0  }
0xc1: {  	[sflag:s0] =	ssyncadd.remote.s32 $0x1  }
0xc2: {  	_ =	sfence.sel $0xFFFF  }
0xc3: {  	[dreg:$0x0] =	wrdreg $0xFFFFFFFF;
	(pc) =	sbr.abs _section_cstart, $3  }
0xc4: {  	[dreg:$0x1] =	wrdreg $0xFFFFFFFF  }
0xc5: {  	_ =	task.clear_ibuf [dreg:s9], $0x2FFFF;
	_ =	strace $0x9FFFFFFF  }
0xc6: {  	(tm) =	ssettm $0x7FFFFFFF  }
0xc7: {  	_ =	shalt  }
tec
execute0_lowered:
.L_overlay_start_1:
0x0: {  	(tag) =	ssettag $0x1  }
0x1: {  	s14 =	rddreg [dreg:$0x0];
	s1 =	srdreg.scid  }
0x2: {  	s3 =	rddreg [dreg:$0x1];
	s0 =	stileid.u32;
	s15 =	sand.u32 $0x1, s1  }
0x3: {  	s4 =	rddreg [dreg:$0x2];
	s5 =	sshll.u32 s0, $0x6;
	s6 =	sshll.u32 s15, $0x5  }
0x4: {  	s13 =	rddreg [dreg:$0x3];
	s2 =	simm.s32 $0x0;
	s16 =	sor.u32 s6, s5  }
0x5: {  	[smem:$0x7FF] =	sst s2;
	s5 =	sshrl.u32 s16, $0x3  }
0x6: {  	s1 =	rddreg [dreg:$0x4];
	_ =	strace $0x80000047;
	s3 =	sadd.s32 s3, s5  }
0x7: {  	[tilespmem:s2], [sflag:$0x1] =	stream.linear.gather [hbm4b:s3+s2], $0x20, $0x38;
	[tilespmem:$0x2100] =	vst v63  }
0x8: {  	s6 =	simm.s32 $0x1;
	s4 =	sadd.s32 s4, s5;
	s5 =	simm.s32 $0x80  }
0x9: {  	[tilespmem:s5], [sflag:$0x2] =	stream.linear.gather [hbm4b:s4+s2], $0x20, $0x38;
	[tilespmem:$0x2100] =	vst v63  }
0xa: {  	_ =	swait.ge [sflag:s6], $0x20  }
0xb: {  	s8 =	simm.s32 $0x20;
	s10 =	simm.s32 $0x100;
	[sflag:s6] =	ssyncset.done $0x0  }
0xc: {  	s9 =	simm.s32 $0x2;
	s7 =	sadd.s32 $0x4E00, s14;
	[sflag:s6] =	ssyncadd.s32 $0xFFFFFFE0  }
0xd: {  	[tilespmem:s10], [sflag:$0x1] =	stream.indirect.gather [hbm4b:s7+s8], $0x80, s2, s8, $0xb8;
	[tilespmem:$0x2100] =	vst v63  }
0xe: {  	_ =	swait.ge [sflag:s9], $0x20  }
0xf: {  	[sflag:s9] =	ssyncset.done $0x0  }
0x10: {  	s12 =	simm.s32 $0x1100;
	s11 =	sadd.s32 $0xE00, s14;
	[sflag:s9] =	ssyncadd.s32 $0xFFFFFFE0  }
0x11: {  	[tilespmem:s12], [sflag:$0x2] =	stream.indirect.gather [hbm4b:s11+s8], $0x80, s5, s8, $0xb8;
	[tilespmem:$0x2100] =	vst v63  }
0x12: {  	_ =	swait.ge [sflag:s6], $0x1000  }
0x13: {  	s15 =	ssub.s32 $0x2, s15;
	s16 =	sshll.u32 s16, $0x4;
	[sflag:s6] =	ssyncset.done $0x0  }
0x14: {  	s31 =	sshrl.u32 s15, $0x1;
	s13 =	sadd.s32 s13, s16;
	[sflag:s6] =	ssyncadd.s32 $0xFFFFF000  }
0x15: {  	[hbm4b:s13+s2] =	stream.linear.scatter [tilespmem:s10], [sflag:$0x1], $0x1000, $0x38;
	[tilespmem:$0x2100] =	vst v63  }
0x16: {  	s15 =	ssub.s32 s15, s31;
	_ =	swait.ge [sflag:s9], $0x1000  }
0x17: {  	s14 =	sadd.s32 s16, s14;
	s15 =	smax.u32 s15, $0x1;
	[sflag:s9] =	ssyncset.done $0x0  }
0x18: {  	s14 =	sadd.s32 $0x8E00, s14;
	p0 =	sne.s32 s15, $0x1;
	[sflag:s9] =	ssyncadd.s32 $0xFFFFF000  }
0x19: {  	[hbm4b:s14+s2] =	stream.linear.scatter [tilespmem:s12], [sflag:$0x2], $0x1000, $0x38;
	[tilespmem:$0x2100] =	vst v63  }
.Ltmp0:
0x1a: {  	_ =	swait.ge [sflag:s6], $0x1000;
	(pc) =	sbr.rel @!p0 .LBB2_2-.Ltmp0, $4  }
0x1b: {  	[sflag:s6] =	ssyncset.done $0x0  }
0x1c: {  	[sflag:s6] =	ssyncadd.s32 $0xFFFFF000  }
0x1d: {  	_ =	swait.ge [sflag:s9], $0x1000  }
0x1e: {  	s15 =	sadd.s32 $0xFFFFFFFF, s15;
	[sflag:s9] =	ssyncset.done $0x0  }
.LBB2_1:
0x1f: {  	p0 =	sne.s32 s15, $0x1;
	s15 =	sadd.s32 $0xFFFFFFFF, s15;
	[sflag:s9] =	ssyncadd.s32 $0xFFFFF000  }
0x20: {  	[tilespmem:s2], [sflag:$0x1] =	stream.linear.gather [hbm4b:s3+s2], $0x20, $0x38;
	[tilespmem:$0x2100] =	vst v63  }
0x21: {  	_ = 	snop  }
0x22: {  	[tilespmem:s5], [sflag:$0x2] =	stream.linear.gather [hbm4b:s4+s2], $0x20, $0x38;
	[tilespmem:$0x2100] =	vst v63  }
0x23: {  	_ =	swait.ge [sflag:s6], $0x20  }
0x24: {  	[sflag:s6] =	ssyncset.done $0x0  }
0x25: {  	[sflag:s6] =	ssyncadd.s32 $0xFFFFFFE0  }
0x26: {  	[tilespmem:s10], [sflag:$0x1] =	stream.indirect.gather [hbm4b:s7+s8], $0x80, s2, s8, $0xb8;
	[tilespmem:$0x2100] =	vst v63  }
0x27: {  	_ =	swait.ge [sflag:s9], $0x20  }
0x28: {  	[sflag:s9] =	ssyncset.done $0x0  }
0x29: {  	[sflag:s9] =	ssyncadd.s32 $0xFFFFFFE0  }
0x2a: {  	[tilespmem:s12], [sflag:$0x2] =	stream.indirect.gather [hbm4b:s11+s8], $0x80, s5, s8, $0xb8;
	[tilespmem:$0x2100] =	vst v63  }
0x2b: {  	_ =	swait.ge [sflag:s6], $0x1000  }
0x2c: {  	[sflag:s6] =	ssyncset.done $0x0  }
0x2d: {  	[sflag:s6] =	ssyncadd.s32 $0xFFFFF000  }
0x2e: {  	[hbm4b:s13+s2] =	stream.linear.scatter [tilespmem:s10], [sflag:$0x1], $0x1000, $0x38;
	[tilespmem:$0x2100] =	vst v63  }
0x2f: {  	_ =	swait.ge [sflag:s9], $0x1000  }
0x30: {  	[sflag:s9] =	ssyncset.done $0x0  }
0x31: {  	[sflag:s9] =	ssyncadd.s32 $0xFFFFF000  }
0x32: {  	[hbm4b:s14+s2] =	stream.linear.scatter [tilespmem:s12], [sflag:$0x2], $0x1000, $0x38;
	[tilespmem:$0x2100] =	vst v63  }
.Ltmp1:
0x33: {  	_ =	swait.ge [sflag:s6], $0x1000;
	(pc) =	sbr.rel @p0 .LBB2_1-.Ltmp1, $4  }
0x34: {  	[sflag:s6] =	ssyncset.done $0x0  }
0x35: {  	[sflag:s6] =	ssyncadd.s32 $0xFFFFF000  }
0x36: {  	_ =	swait.ge [sflag:s9], $0x1000  }
0x37: {  	[sflag:s9] =	ssyncset.done $0x0  }
.LBB2_2:
0x38: {  	[sflag:s9] =	ssyncadd.s32 $0xFFFFF000  }
0x39: {  	_ =	sfence.sel $0x180000  }
0x3a: {  	[bflag:$0x0] =	sbarrier.arrive $0xFFFF  }
0x3b: {  	p0 =	sne.s32 s0, $0x0;
	_ =	strace $0x90000047  }
0x3c: {  	s0 =	sadd.s32 @!p0 $0x100000, s1;
	[bflag:$0x2] =	sbarrier.arrive $0xFFFF  }
0x3d: {  	[sflag:s0] =	ssyncadd.tile.s32 @!p0 $0x1;
	_ =	shalt  }
.Lfunc_end2:
_tile_overlayer_lowered:
.L_overlay_start_2:
0x3e: {  	(tag) =	ssettag $0x2  }
0x3f: {  	s0 =	rddreg [dreg:$0x0];
	s2 =	stileid.u32  }
0x40: {  	s1 =	rddreg [dreg:$0x1];
	p0 =	sne.s32 s2, $0x0  }
0x41: {  	s3 =	rddreg [dreg:$0x2];
	[bflag:$0x3] =	sbarrier.arrive $0xFFFF;
	s2 =	simm.s32 @!p0 $0x1C03  }
0x42: {  	[timem:s3], [sflag:s2] =	dma.local @!p0 [hbm:s0], s1  }
0x43: {  	s0 =	simm.s32 @!p0 $0x3  }
0x44: {  	_ =	swait.ge @!p0 [sflag:s0], s1  }
0x45: {  	s1 =	ssub.s32 @!p0 $0x0, s1;
	[sflag:s0] =	ssyncset.done @!p0 $0x0  }
0x46: {  	[sflag:s0] =	ssyncadd.s32 @!p0 s1  }
0x47: {  	[bflag:$0x3] =	sbarrier.arrive $0xFFFF  }
0x48: {  	_ =	shalt  }

</sc_bundles>
